<compile_context>
chip_gen: v7x
topology: tpu7x:2x2x1
jax: 0.10.2.dev20260603
libtpu: 0.0.44.dev20260713+nightly
codegen_flags: <defaults>
</compile_context>

<pallas_src>
import functools

import jax
import jax.numpy as jnp
from jax import lax
from jax.experimental import pallas as pl
from jax.experimental.pallas import tpu as pltpu
from jax.experimental.pallas import tpu_sc as plsc

L = 16
NC, NS = 2, 16
NW = NC * NS

BSEQ, SLEN, D = 4096, 200, 21
B = BSEQ * SLEN
PER_W = B // NW
TILE = 8 * 128
NTASK = PER_W // TILE
GROUPS = TILE // L
STAGE_W = D * TILE
NBUF = 2
NROUND = (NTASK + 2 * NBUF - 1) // NBUF


def _make_kernel():
    mesh = plsc.VectorSubcoreMesh(core_axis_name="c", subcore_axis_name="s")

    @functools.partial(
        pl.kernel,
        mesh=mesh,
        out_type=jax.ShapeDtypeStruct((B * D,), jnp.float32),
        compiler_params=pltpu.CompilerParams(needs_layout_passes=False),
        scratch_types=[
            pltpu.VMEM((D * D,), jnp.float32),
            pltpu.VMEM((PER_W,), jnp.int32),
            pltpu.VMEM((STAGE_W,), jnp.float32),
            pltpu.VMEM((STAGE_W,), jnp.float32),
            pltpu.SemaphoreType.DMA,
            pltpu.SemaphoreType.DMA,
            pltpu.SemaphoreType.DMA,
        ],
    )
    def emb(idx_hbm, table_hbm, out_hbm, table_v, idx_v, stage0, stage1,
            semo0, semo1, semi):
        w = lax.axis_index("s") * NC + lax.axis_index("c")
        nbase = w * PER_W
        pltpu.sync_copy(table_hbm, table_v)
        pltpu.sync_copy(
            idx_hbm.at[pl.ds(nbase, TILE)], idx_v.at[pl.ds(0, TILE)]
        )
        pltpu.async_copy(
            idx_hbm.at[pl.ds(nbase + TILE, PER_W - TILE)],
            idx_v.at[pl.ds(TILE, PER_W - TILE)],
            semi,
        )

        stages = (stage0, stage1)
        semo = (semo0, semo1)

        def round_body(p, carry):
            for slot in range(NBUF):
                t = p * NBUF + slot

                @pl.when(t == 1)
                def _wait_idx():
                    pltpu.make_async_copy(
                        idx_hbm.at[pl.ds(0, PER_W - TILE)],
                        idx_v.at[pl.ds(TILE, PER_W - TILE)],
                        semi,
                    ).wait()

                @pl.when((t > NBUF - 1) & (t - NBUF < NTASK))
                def _drain(slot=slot):
                    pltpu.make_async_copy(
                        out_hbm.at[pl.ds(0, STAGE_W)], stages[slot], semo[slot]
                    ).wait()

                @pl.when(t < NTASK)
                def _work(slot=slot, t=t):
                    s = stages[slot]

                    @plsc.parallel_loop(0, GROUPS, unroll=2)
                    def body(g):
                        idxv = idx_v[pl.ds(t * TILE + g * L, L)]
                        addr = idxv * D
                        for k in range(D):
                            vals = plsc.load_gather(table_v, [addr + k])
                            s[pl.ds(k * TILE + g * L, L)] = vals

                    for k in range(D):
                        pltpu.async_copy(
                            s.at[pl.ds(k * TILE, TILE)],
                            out_hbm.at[pl.ds(k * B + nbase + t * TILE, TILE)],
                            semo[slot],
                        )
            return carry

        lax.fori_loop(0, NROUND, round_body, 0)

    return emb


_emb = _make_kernel()


@jax.jit
def kernel(sequence_indices, table):
    NBT, NLT = BSEQ // 128, SLEN // 8
    idx_p = jnp.transpose(
        sequence_indices.reshape(NBT, 128, NLT, 8), (2, 0, 3, 1)
    ).reshape(-1)
    out_flat = _emb(idx_p, table.reshape(-1))
    out = jnp.transpose(
        out_flat.reshape(D, NLT, NBT, 8, 128), (2, 4, 1, 3, 0)
    ).reshape(BSEQ, SLEN, D)
    return out

# --- scband reference (transcript-rebuilt; emitter-appended) ---
"""Pipeline reference for scband-custom-embedding-16793322127981 (READ-ONLY COPY).

The authoritative reference and input builder live on the scoring server;
editing this copy changes nothing except your own understanding.
"""

import jax, jax.numpy as jnp
import numpy as np

RESIDUE_TOKENS = ['L', 'A', 'G', 'V', 'S', 'E', 'R', 'T', 'I', 'D', 'P', 'K', 'Q', 'N', 'F', 'Y', 'M', 'H', 'W', 'C', '-']


def _build_table():
    # Substitution matrix as dense [21, 21] table: 5 on diagonal, -1 off-diagonal.
    # Matches the dict-of-dicts `matrix` passed to the torch module's __init__.
    n = len(RESIDUE_TOKENS)
    return jnp.full((n, n), -1.0, dtype=jnp.float32) + 6.0 * jnp.eye(n, dtype=jnp.float32)


def setup_inputs(seed: int = 0) -> dict:
    key = jax.random.key(seed)
    sequence_indices = jax.random.randint(key, (4096, 200), 0, 21, dtype=jnp.int32)
    table = _build_table()
    return {"sequence_indices": sequence_indices, "table": table}


def reference(sequence_indices, table):
    # For each index, look up the full 21-dim substitution row:
    # output[b, l, :] = matrix[tokens[idx[b, l]]][aa for aa in tokens]
    return jnp.take(table, sequence_indices, axis=0)

if __name__ == "__main__":
    import jax
    _d = setup_inputs()
    print(jax.jit(kernel)(*tuple(_d.values())))

</pallas_src>

<mosaic_0001>
#map = affine_map<(d0, d1) -> (0)>
module attributes {stable_mosaic.version = 14 : i64} {
  func.func @emb(%arg0: i32, %arg1: i32, %arg2: memref<819200xi32, #tpu.memory_space<hbm>>, %arg3: memref<441xf32, #tpu.memory_space<hbm>>, %arg4: memref<17203200xf32, #tpu.memory_space<hbm>>, %arg5: memref<441xf32, #tpu.memory_space<vmem>>, %arg6: memref<25600xi32, #tpu.memory_space<vmem>>, %arg7: memref<21504xf32, #tpu.memory_space<vmem>>, %arg8: memref<21504xf32, #tpu.memory_space<vmem>>, %arg9: memref<!tpu.dma_semaphore, #tpu.memory_space<semaphore_mem>>, %arg10: memref<!tpu.dma_semaphore, #tpu.memory_space<semaphore_mem>>, %arg11: memref<!tpu.dma_semaphore, #tpu.memory_space<semaphore_mem>>) attributes {dimension_semantics = [#tpu.dimension_semantics<core_parallel>, #tpu.dimension_semantics<subcore_parallel>], iteration_bounds = array<i64: 2, 16>, scalar_prefetch = 0 : i64, scratch_operands = 7 : i64, tpu.core_type = #tpu.core_type<sc_vector_subcore>, window_params = [{transform_indices = #map}, {transform_indices = #map}, {transform_indices = #map}]} {
    %mul3A = arith.constant 2 : i32
    %mul3A_0 = arith.muli %arg1, %mul3A : i32
    %add3A = arith.addi %mul3A_0, %arg0 : i32
    %mul3A_1 = arith.constant 25600 : i32
    %mul3A_2 = arith.muli %add3A, %mul3A_1 : i32
    "tpu.region"() ({
      %run_scoped3A = tpu.sem_alloc : memref<!tpu.dma_semaphore, #tpu.memory_space<semaphore_mem>>
      tpu.enqueue_dma source(%arg3 : memref<441xf32, #tpu.memory_space<hbm>>) target(%arg5 : memref<441xf32, #tpu.memory_space<vmem>>) target_semaphore(%run_scoped3A : memref<!tpu.dma_semaphore, #tpu.memory_space<semaphore_mem>>)
      tpu.wait_dma2 semaphore(%run_scoped3A : memref<!tpu.dma_semaphore, #tpu.memory_space<semaphore_mem>>) src(%arg3 : memref<441xf32, #tpu.memory_space<hbm>>) dst(%arg5 : memref<441xf32, #tpu.memory_space<vmem>>)
      tpu.yield
    }) : () -> ()
    "tpu.region"() ({
      %run_scoped3A = tpu.sem_alloc : memref<!tpu.dma_semaphore, #tpu.memory_space<semaphore_mem>>
      %dma_start3A_15 = arith.constant 0 : i32
      %dma_start3A_16 = tpu.memref_slice %arg6[%dma_start3A_15] : memref<25600xi32, #tpu.memory_space<vmem>> -> memref<1024xi32, #tpu.memory_space<vmem>>
      %dma_start3A_17 = tpu.memref_slice %arg2[%mul3A_2] : memref<819200xi32, #tpu.memory_space<hbm>> -> memref<1024xi32, #tpu.memory_space<hbm>>
      %dma_start3A_18 = arith.constant 0 : i32
      %dma_start3A_19 = tpu.memref_slice %arg6[%dma_start3A_18] : memref<25600xi32, #tpu.memory_space<vmem>> -> memref<1024xi32, #tpu.memory_space<vmem>>
      %dma_start3A_20 = tpu.memref_slice %arg2[%mul3A_2] : memref<819200xi32, #tpu.memory_space<hbm>> -> memref<1024xi32, #tpu.memory_space<hbm>>
      tpu.enqueue_dma source(%dma_start3A_20 : memref<1024xi32, #tpu.memory_space<hbm>>) target(%dma_start3A_19 : memref<1024xi32, #tpu.memory_space<vmem>>) target_semaphore(%run_scoped3A : memref<!tpu.dma_semaphore, #tpu.memory_space<semaphore_mem>>)
      %dma_wait3A = arith.constant 0 : i32
      %dma_wait3A_21 = tpu.memref_slice %arg6[%dma_wait3A] : memref<25600xi32, #tpu.memory_space<vmem>> -> memref<1024xi32, #tpu.memory_space<vmem>>
      %dma_wait3A_22 = tpu.memref_slice %arg2[%mul3A_2] : memref<819200xi32, #tpu.memory_space<hbm>> -> memref<1024xi32, #tpu.memory_space<hbm>>
      %dma_wait3A_23 = arith.constant 0 : i32
      %dma_wait3A_24 = tpu.memref_slice %arg6[%dma_wait3A_23] : memref<25600xi32, #tpu.memory_space<vmem>> -> memref<1024xi32, #tpu.memory_space<vmem>>
      %dma_wait3A_25 = tpu.memref_slice %arg2[%mul3A_2] : memref<819200xi32, #tpu.memory_space<hbm>> -> memref<1024xi32, #tpu.memory_space<hbm>>
      tpu.wait_dma2 semaphore(%run_scoped3A : memref<!tpu.dma_semaphore, #tpu.memory_space<semaphore_mem>>) src(%dma_wait3A_25 : memref<1024xi32, #tpu.memory_space<hbm>>) dst(%dma_wait3A_24 : memref<1024xi32, #tpu.memory_space<vmem>>)
      tpu.yield
    }) : () -> ()
    %add3A_3 = arith.constant 1024 : i32
    %add3A_4 = arith.addi %mul3A_2, %add3A_3 : i32
    %dma_start3A = arith.constant 1024 : i32
    %dma_start3A_5 = tpu.memref_slice %arg6[%dma_start3A] : memref<25600xi32, #tpu.memory_space<vmem>> -> memref<24576xi32, #tpu.memory_space<vmem>>
    %dma_start3A_6 = tpu.memref_slice %arg2[%add3A_4] : memref<819200xi32, #tpu.memory_space<hbm>> -> memref<24576xi32, #tpu.memory_space<hbm>>
    %dma_start3A_7 = arith.constant 1024 : i32
    %dma_start3A_8 = tpu.memref_slice %arg6[%dma_start3A_7] : memref<25600xi32, #tpu.memory_space<vmem>> -> memref<24576xi32, #tpu.memory_space<vmem>>
    %dma_start3A_9 = tpu.memref_slice %arg2[%add3A_4] : memref<819200xi32, #tpu.memory_space<hbm>> -> memref<24576xi32, #tpu.memory_space<hbm>>
    tpu.enqueue_dma source(%dma_start3A_9 : memref<24576xi32, #tpu.memory_space<hbm>>) target(%dma_start3A_8 : memref<24576xi32, #tpu.memory_space<vmem>>) target_semaphore(%arg11 : memref<!tpu.dma_semaphore, #tpu.memory_space<semaphore_mem>>)
    %scan3A = arith.constant 0 : i32
    %scan3A_10 = arith.constant 0 : i32
    %scan3A_11 = arith.constant 14 : i32
    %scan3A_12 = arith.addi %scan3A_10, %scan3A_11 : i32
    %scan3A_13 = arith.constant 1 : i32
    scf.for %scan3A_15 = %scan3A_10 to %scan3A_12 step %scan3A_13  : i32 {
      %mul3A_16 = arith.constant 2 : i32
      %mul3A_17 = arith.muli %scan3A_15, %mul3A_16 : i32
      %add3A_18 = arith.constant 0 : i32
      %add3A_19 = arith.addi %mul3A_17, %add3A_18 : i32
      %eq3A = arith.constant 1 : i32
      %eq3A_20 = arith.cmpi eq, %add3A_19, %eq3A : i32
      %convert_element_type3A = arith.extui %eq3A_20 : i1 to i32
      %cond3A = arith.constant 0 : i32
      %cond3A_21 = arith.cmpi ne, %convert_element_type3A, %cond3A : i32
      scf.if %cond3A_21 {
        %dma_wait3A = arith.constant 1024 : i32
        %dma_wait3A_57 = tpu.memref_slice %arg6[%dma_wait3A] : memref<25600xi32, #tpu.memory_space<vmem>> -> memref<24576xi32, #tpu.memory_space<vmem>>
        %dma_wait3A_58 = arith.constant 0 : i32
        %dma_wait3A_59 = tpu.memref_slice %arg2[%dma_wait3A_58] : memref<819200xi32, #tpu.memory_space<hbm>> -> memref<24576xi32, #tpu.memory_space<hbm>>
        %dma_wait3A_60 = arith.constant 1024 : i32
        %dma_wait3A_61 = tpu.memref_slice %arg6[%dma_wait3A_60] : memref<25600xi32, #tpu.memory_space<vmem>> -> memref<24576xi32, #tpu.memory_space<vmem>>
        %dma_wait3A_62 = arith.constant 0 : i32
        %dma_wait3A_63 = tpu.memref_slice %arg2[%dma_wait3A_62] : memref<819200xi32, #tpu.memory_space<hbm>> -> memref<24576xi32, #tpu.memory_space<hbm>>
        tpu.wait_dma2 semaphore(%arg11 : memref<!tpu.dma_semaphore, #tpu.memory_space<semaphore_mem>>) src(%dma_wait3A_63 : memref<24576xi32, #tpu.memory_space<hbm>>) dst(%dma_wait3A_61 : memref<24576xi32, #tpu.memory_space<vmem>>)
      } else {
      }
      %gt3A = arith.constant 1 : i32
      %gt3A_22 = arith.cmpi sgt, %add3A_19, %gt3A : i32
      %sub3A = arith.constant 2 : i32
      %sub3A_23 = arith.subi %add3A_19, %sub3A : i32
      %lt3A = arith.constant 25 : i32
      %lt3A_24 = arith.cmpi slt, %sub3A_23, %lt3A : i32
      %and3A = arith.andi %gt3A_22, %lt3A_24 : i1
      %convert_element_type3A_25 = arith.extui %and3A : i1 to i32
      %cond3A_26 = arith.constant 0 : i32
      %cond3A_27 = arith.cmpi ne, %convert_element_type3A_25, %cond3A_26 : i32
      scf.if %cond3A_27 {
        %dma_wait3A = arith.constant 0 : i32
        %dma_wait3A_57 = tpu.memref_slice %arg4[%dma_wait3A] : memref<17203200xf32, #tpu.memory_space<hbm>> -> memref<21504xf32, #tpu.memory_space<hbm>>
        %dma_wait3A_58 = arith.constant 0 : i32
        %dma_wait3A_59 = tpu.memref_slice %arg4[%dma_wait3A_58] : memref<17203200xf32, #tpu.memory_space<hbm>> -> memref<21504xf32, #tpu.memory_space<hbm>>
        tpu.wait_dma2 semaphore(%arg9 : memref<!tpu.dma_semaphore, #tpu.memory_space<semaphore_mem>>) src(%dma_wait3A_59 : memref<21504xf32, #tpu.memory_space<hbm>>) dst(%arg7 : memref<21504xf32, #tpu.memory_space<vmem>>)
      } else {
      }
      %lt3A_28 = arith.constant 25 : i32
      %lt3A_29 = arith.cmpi slt, %add3A_19, %lt3A_28 : i32
      %convert_element_type3A_30 = arith.extui %lt3A_29 : i1 to i32
      %cond3A_31 = arith.constant 0 : i32
      %cond3A_32 = arith.cmpi ne, %convert_element_type3A_30, %cond3A_31 : i32
      scf.if %cond3A_32 {
        %parallel_loop3A = arith.constant 0 : i32
        %parallel_loop3A_57 = arith.constant 64 : i32
        %parallel_loop3A_58 = arith.constant 1 : i32
        scf.for %parallel_loop3A_290 = %parallel_loop3A to %parallel_loop3A_57 step %parallel_loop3A_58  : i32 {
          %parallel_loop3A_291 = arith.constant 1024 : i32
          %parallel_loop3A_292 = arith.muli %add3A_19, %parallel_loop3A_291 : i32
          %parallel_loop3A_293 = arith.constant 16 : i32
          %parallel_loop3A_294 = arith.muli %parallel_loop3A_290, %parallel_loop3A_293 : i32
          %parallel_loop3A_295 = arith.addi %parallel_loop3A_292, %parallel_loop3A_294 : i32
          %parallel_loop3A_296 = arith.index_cast %parallel_loop3A_295 : i32 to index
          %parallel_loop3A_297 = tpu.vector_load %arg6[%parallel_loop3A_296] {strides = array<i32>} : memref<25600xi32, #tpu.memory_space<vmem>>, vector<16xi32>,
          %parallel_loop3A_298 = arith.constant 21 : i32
          %parallel_loop3A_299 = vector.broadcast %parallel_loop3A_298 : i32 to vector<16xi32>
          %parallel_loop3A_300 = arith.muli %parallel_loop3A_297, %parallel_loop3A_299 : vector<16xi32>
          %parallel_loop3A_301 = arith.constant 0 : i32
          %parallel_loop3A_302 = vector.broadcast %parallel_loop3A_301 : i32 to vector<16xi32>
          %parallel_loop3A_303 = arith.addi %parallel_loop3A_300, %parallel_loop3A_302 : vector<16xi32>
          %parallel_loop3A_304 = tpu.vector_load_idx %arg5[%parallel_loop3A_303] : memref<441xf32, #tpu.memory_space<vmem>>[vector<16xi32>], vector<16xf32>,
          %parallel_loop3A_305 = arith.constant 16 : i32
          %parallel_loop3A_306 = arith.muli %parallel_loop3A_290, %parallel_loop3A_305 : i32
          %parallel_loop3A_307 = arith.constant 0 : i32
          %parallel_loop3A_308 = arith.addi %parallel_loop3A_307, %parallel_loop3A_306 : i32
          %parallel_loop3A_309 = arith.index_cast %parallel_loop3A_308 : i32 to index
          %parallel_loop3A_310 = tpu.vector_load %arg7[%parallel_loop3A_309] {strides = array<i32>} : memref<21504xf32, #tpu.memory_space<vmem>>, vector<16xf32>,
          tpu.vector_store %arg7[%parallel_loop3A_309], %parallel_loop3A_304 {strides = array<i32>} : memref<21504xf32, #tpu.memory_space<vmem>>, vector<16xf32>,
          %parallel_loop3A_311 = arith.constant 1 : i32
          %parallel_loop3A_312 = vector.broadcast %parallel_loop3A_311 : i32 to vector<16xi32>
          %parallel_loop3A_313 = arith.addi %parallel_loop3A_300, %parallel_loop3A_312 : vector<16xi32>
          %parallel_loop3A_314 = tpu.vector_load_idx %arg5[%parallel_loop3A_313] : memref<441xf32, #tpu.memory_space<vmem>>[vector<16xi32>], vector<16xf32>,
          %parallel_loop3A_315 = arith.constant 16 : i32
          %parallel_loop3A_316 = arith.muli %parallel_loop3A_290, %parallel_loop3A_315 : i32
          %parallel_loop3A_317 = arith.constant 1024 : i32
          %parallel_loop3A_318 = arith.addi %parallel_loop3A_317, %parallel_loop3A_316 : i32
          %parallel_loop3A_319 = arith.index_cast %parallel_loop3A_318 : i32 to index
          %parallel_loop3A_320 = tpu.vector_load %arg7[%parallel_loop3A_319] {strides = array<i32>} : memref<21504xf32, #tpu.memory_space<vmem>>, vector<16xf32>,
          tpu.vector_store %arg7[%parallel_loop3A_319], %parallel_loop3A_314 {strides = array<i32>} : memref<21504xf32, #tpu.memory_space<vmem>>, vector<16xf32>,
          %parallel_loop3A_321 = arith.constant 2 : i32
          %parallel_loop3A_322 = vector.broadcast %parallel_loop3A_321 : i32 to vector<16xi32>
          %parallel_loop3A_323 = arith.addi %parallel_loop3A_300, %parallel_loop3A_322 : vector<16xi32>
          %parallel_loop3A_324 = tpu.vector_load_idx %arg5[%parallel_loop3A_323] : memref<441xf32, #tpu.memory_space<vmem>>[vector<16xi32>], vector<16xf32>,
          %parallel_loop3A_325 = arith.constant 16 : i32
          %parallel_loop3A_326 = arith.muli %parallel_loop3A_290, %parallel_loop3A_325 : i32
          %parallel_loop3A_327 = arith.constant 2048 : i32
          %parallel_loop3A_328 = arith.addi %parallel_loop3A_327, %parallel_loop3A_326 : i32
          %parallel_loop3A_329 = arith.index_cast %parallel_loop3A_328 : i32 to index
          %parallel_loop3A_330 = tpu.vector_load %arg7[%parallel_loop3A_329] {strides = array<i32>} : memref<21504xf32, #tpu.memory_space<vmem>>, vector<16xf32>,
          tpu.vector_store %arg7[%parallel_loop3A_329], %parallel_loop3A_324 {strides = array<i32>} : memref<21504xf32, #tpu.memory_space<vmem>>, vector<16xf32>,
          %parallel_loop3A_331 = arith.constant 3 : i32
          %parallel_loop3A_332 = vector.broadcast %parallel_loop3A_331 : i32 to vector<16xi32>
          %parallel_loop3A_333 = arith.addi %parallel_loop3A_300, %parallel_loop3A_332 : vector<16xi32>
          %parallel_loop3A_334 = tpu.vector_load_idx %arg5[%parallel_loop3A_333] : memref<441xf32, #tpu.memory_space<vmem>>[vector<16xi32>], vector<16xf32>,
          %parallel_loop3A_335 = arith.constant 16 : i32
          %parallel_loop3A_336 = arith.muli %parallel_loop3A_290, %parallel_loop3A_335 : i32
          %parallel_loop3A_337 = arith.constant 3072 : i32
          %parallel_loop3A_338 = arith.addi %parallel_loop3A_337, %parallel_loop3A_336 : i32
          %parallel_loop3A_339 = arith.index_cast %parallel_loop3A_338 : i32 to index
          %parallel_loop3A_340 = tpu.vector_load %arg7[%parallel_loop3A_339] {strides = array<i32>} : memref<21504xf32, #tpu.memory_space<vmem>>, vector<16xf32>,
          tpu.vector_store %arg7[%parallel_loop3A_339], %parallel_loop3A_334 {strides = array<i32>} : memref<21504xf32, #tpu.memory_space<vmem>>, vector<16xf32>,
          %parallel_loop3A_341 = arith.constant 4 : i32
          %parallel_loop3A_342 = vector.broadcast %parallel_loop3A_341 : i32 to vector<16xi32>
          %parallel_loop3A_343 = arith.addi %parallel_loop3A_300, %parallel_loop3A_342 : vector<16xi32>
          %parallel_loop3A_344 = tpu.vector_load_idx %arg5[%parallel_loop3A_343] : memref<441xf32, #tpu.memory_space<vmem>>[vector<16xi32>], vector<16xf32>,
          %parallel_loop3A_345 = arith.constant 16 : i32
          %parallel_loop3A_346 = arith.muli %parallel_loop3A_290, %parallel_loop3A_345 : i32
          %parallel_loop3A_347 = arith.constant 4096 : i32
          %parallel_loop3A_348 = arith.addi %parallel_loop3A_347, %parallel_loop3A_346 : i32
          %parallel_loop3A_349 = arith.index_cast %parallel_loop3A_348 : i32 to index
          %parallel_loop3A_350 = tpu.vector_load %arg7[%parallel_loop3A_349] {strides = array<i32>} : memref<21504xf32, #tpu.memory_space<vmem>>, vector<16xf32>,
          tpu.vector_store %arg7[%parallel_loop3A_349], %parallel_loop3A_344 {strides = array<i32>} : memref<21504xf32, #tpu.memory_space<vmem>>, vector<16xf32>,
          %parallel_loop3A_351 = arith.constant 5 : i32
          %parallel_loop3A_352 = vector.broadcast %parallel_loop3A_351 : i32 to vector<16xi32>
          %parallel_loop3A_353 = arith.addi %parallel_loop3A_300, %parallel_loop3A_352 : vector<16xi32>
          %parallel_loop3A_354 = tpu.vector_load_idx %arg5[%parallel_loop3A_353] : memref<441xf32, #tpu.memory_space<vmem>>[vector<16xi32>], vector<16xf32>,
          %parallel_loop3A_355 = arith.constant 16 : i32
          %parallel_loop3A_356 = arith.muli %parallel_loop3A_290, %parallel_loop3A_355 : i32
          %parallel_loop3A_357 = arith.constant 5120 : i32
          %parallel_loop3A_358 = arith.addi %parallel_loop3A_357, %parallel_loop3A_356 : i32
          %parallel_loop3A_359 = arith.index_cast %parallel_loop3A_358 : i32 to index
          %parallel_loop3A_360 = tpu.vector_load %arg7[%parallel_loop3A_359] {strides = array<i32>} : memref<21504xf32, #tpu.memory_space<vmem>>, vector<16xf32>,
          tpu.vector_store %arg7[%parallel_loop3A_359], %parallel_loop3A_354 {strides = array<i32>} : memref<21504xf32, #tpu.memory_space<vmem>>, vector<16xf32>,
          %parallel_loop3A_361 = arith.constant 6 : i32
          %parallel_loop3A_362 = vector.broadcast %parallel_loop3A_361 : i32 to vector<16xi32>
          %parallel_loop3A_363 = arith.addi %parallel_loop3A_300, %parallel_loop3A_362 : vector<16xi32>
          %parallel_loop3A_364 = tpu.vector_load_idx %arg5[%parallel_loop3A_363] : memref<441xf32, #tpu.memory_space<vmem>>[vector<16xi32>], vector<16xf32>,
          %parallel_loop3A_365 = arith.constant 16 : i32
          %parallel_loop3A_366 = arith.muli %parallel_loop3A_290, %parallel_loop3A_365 : i32
          %parallel_loop3A_367 = arith.constant 6144 : i32
          %parallel_loop3A_368 = arith.addi %parallel_loop3A_367, %parallel_loop3A_366 : i32
          %parallel_loop3A_369 = arith.index_cast %parallel_loop3A_368 : i32 to index
          %parallel_loop3A_370 = tpu.vector_load %arg7[%parallel_loop3A_369] {strides = array<i32>} : memref<21504xf32, #tpu.memory_space<vmem>>, vector<16xf32>,
          tpu.vector_store %arg7[%parallel_loop3A_369], %parallel_loop3A_364 {strides = array<i32>} : memref<21504xf32, #tpu.memory_space<vmem>>, vector<16xf32>,
          %parallel_loop3A_371 = arith.constant 7 : i32
          %parallel_loop3A_372 = vector.broadcast %parallel_loop3A_371 : i32 to vector<16xi32>
          %parallel_loop3A_373 = arith.addi %parallel_loop3A_300, %parallel_loop3A_372 : vector<16xi32>
          %parallel_loop3A_374 = tpu.vector_load_idx %arg5[%parallel_loop3A_373] : memref<441xf32, #tpu.memory_space<vmem>>[vector<16xi32>], vector<16xf32>,
          %parallel_loop3A_375 = arith.constant 16 : i32
          %parallel_loop3A_376 = arith.muli %parallel_loop3A_290, %parallel_loop3A_375 : i32
          %parallel_loop3A_377 = arith.constant 7168 : i32
          %parallel_loop3A_378 = arith.addi %parallel_loop3A_377, %parallel_loop3A_376 : i32
          %parallel_loop3A_379 = arith.index_cast %parallel_loop3A_378 : i32 to index
          %parallel_loop3A_380 = tpu.vector_load %arg7[%parallel_loop3A_379] {strides = array<i32>} : memref<21504xf32, #tpu.memory_space<vmem>>, vector<16xf32>,
          tpu.vector_store %arg7[%parallel_loop3A_379], %parallel_loop3A_374 {strides = array<i32>} : memref<21504xf32, #tpu.memory_space<vmem>>, vector<16xf32>,
          %parallel_loop3A_381 = arith.constant 8 : i32
          %parallel_loop3A_382 = vector.broadcast %parallel_loop3A_381 : i32 to vector<16xi32>
          %parallel_loop3A_383 = arith.addi %parallel_loop3A_300, %parallel_loop3A_382 : vector<16xi32>
          %parallel_loop3A_384 = tpu.vector_load_idx %arg5[%parallel_loop3A_383] : memref<441xf32, #tpu.memory_space<vmem>>[vector<16xi32>], vector<16xf32>,
          %parallel_loop3A_385 = arith.constant 16 : i32
          %parallel_loop3A_386 = arith.muli %parallel_loop3A_290, %parallel_loop3A_385 : i32
          %parallel_loop3A_387 = arith.constant 8192 : i32
          %parallel_loop3A_388 = arith.addi %parallel_loop3A_387, %parallel_loop3A_386 : i32
          %parallel_loop3A_389 = arith.index_cast %parallel_loop3A_388 : i32 to index
          %parallel_loop3A_390 = tpu.vector_load %arg7[%parallel_loop3A_389] {strides = array<i32>} : memref<21504xf32, #tpu.memory_space<vmem>>, vector<16xf32>,
          tpu.vector_store %arg7[%parallel_loop3A_389], %parallel_loop3A_384 {strides = array<i32>} : memref<21504xf32, #tpu.memory_space<vmem>>, vector<16xf32>,
          %parallel_loop3A_391 = arith.constant 9 : i32
          %parallel_loop3A_392 = vector.broadcast %parallel_loop3A_391 : i32 to vector<16xi32>
          %parallel_loop3A_393 = arith.addi %parallel_loop3A_300, %parallel_loop3A_392 : vector<16xi32>
          %parallel_loop3A_394 = tpu.vector_load_idx %arg5[%parallel_loop3A_393] : memref<441xf32, #tpu.memory_space<vmem>>[vector<16xi32>], vector<16xf32>,
          %parallel_loop3A_395 = arith.constant 16 : i32
          %parallel_loop3A_396 = arith.muli %parallel_loop3A_290, %parallel_loop3A_395 : i32
          %parallel_loop3A_397 = arith.constant 9216 : i32
          %parallel_loop3A_398 = arith.addi %parallel_loop3A_397, %parallel_loop3A_396 : i32
          %parallel_loop3A_399 = arith.index_cast %parallel_loop3A_398 : i32 to index
          %parallel_loop3A_400 = tpu.vector_load %arg7[%parallel_loop3A_399] {strides = array<i32>} : memref<21504xf32, #tpu.memory_space<vmem>>, vector<16xf32>,
          tpu.vector_store %arg7[%parallel_loop3A_399], %parallel_loop3A_394 {strides = array<i32>} : memref<21504xf32, #tpu.memory_space<vmem>>, vector<16xf32>,
          %parallel_loop3A_401 = arith.constant 10 : i32
          %parallel_loop3A_402 = vector.broadcast %parallel_loop3A_401 : i32 to vector<16xi32>
          %parallel_loop3A_403 = arith.addi %parallel_loop3A_300, %parallel_loop3A_402 : vector<16xi32>
          %parallel_loop3A_404 = tpu.vector_load_idx %arg5[%parallel_loop3A_403] : memref<441xf32, #tpu.memory_space<vmem>>[vector<16xi32>], vector<16xf32>,
          %parallel_loop3A_405 = arith.constant 16 : i32
          %parallel_loop3A_406 = arith.muli %parallel_loop3A_290, %parallel_loop3A_405 : i32
          %parallel_loop3A_407 = arith.constant 10240 : i32
          %parallel_loop3A_408 = arith.addi %parallel_loop3A_407, %parallel_loop3A_406 : i32
          %parallel_loop3A_409 = arith.index_cast %parallel_loop3A_408 : i32 to index
          %parallel_loop3A_410 = tpu.vector_load %arg7[%parallel_loop3A_409] {strides = array<i32>} : memref<21504xf32, #tpu.memory_space<vmem>>, vector<16xf32>,
          tpu.vector_store %arg7[%parallel_loop3A_409], %parallel_loop3A_404 {strides = array<i32>} : memref<21504xf32, #tpu.memory_space<vmem>>, vector<16xf32>,
          %parallel_loop3A_411 = arith.constant 11 : i32
          %parallel_loop3A_412 = vector.broadcast %parallel_loop3A_411 : i32 to vector<16xi32>
          %parallel_loop3A_413 = arith.addi %parallel_loop3A_300, %parallel_loop3A_412 : vector<16xi32>
          %parallel_loop3A_414 = tpu.vector_load_idx %arg5[%parallel_loop3A_413] : memref<441xf32, #tpu.memory_space<vmem>>[vector<16xi32>], vector<16xf32>,
          %parallel_loop3A_415 = arith.constant 16 : i32
          %parallel_loop3A_416 = arith.muli %parallel_loop3A_290, %parallel_loop3A_415 : i32
          %parallel_loop3A_417 = arith.constant 11264 : i32
          %parallel_loop3A_418 = arith.addi %parallel_loop3A_417, %parallel_loop3A_416 : i32
          %parallel_loop3A_419 = arith.index_cast %parallel_loop3A_418 : i32 to index
          %parallel_loop3A_420 = tpu.vector_load %arg7[%parallel_loop3A_419] {strides = array<i32>} : memref<21504xf32, #tpu.memory_space<vmem>>, vector<16xf32>,
          tpu.vector_store %arg7[%parallel_loop3A_419], %parallel_loop3A_414 {strides = array<i32>} : memref<21504xf32, #tpu.memory_space<vmem>>, vector<16xf32>,
          %parallel_loop3A_421 = arith.constant 12 : i32
          %parallel_loop3A_422 = vector.broadcast %parallel_loop3A_421 : i32 to vector<16xi32>
          %parallel_loop3A_423 = arith.addi %parallel_loop3A_300, %parallel_loop3A_422 : vector<16xi32>
          %parallel_loop3A_424 = tpu.vector_load_idx %arg5[%parallel_loop3A_423] : memref<441xf32, #tpu.memory_space<vmem>>[vector<16xi32>], vector<16xf32>,
          %parallel_loop3A_425 = arith.constant 16 : i32
          %parallel_loop3A_426 = arith.muli %parallel_loop3A_290, %parallel_loop3A_425 : i32
          %parallel_loop3A_427 = arith.constant 12288 : i32
          %parallel_loop3A_428 = arith.addi %parallel_loop3A_427, %parallel_loop3A_426 : i32
          %parallel_loop3A_429 = arith.index_cast %parallel_loop3A_428 : i32 to index
          %parallel_loop3A_430 = tpu.vector_load %arg7[%parallel_loop3A_429] {strides = array<i32>} : memref<21504xf32, #tpu.memory_space<vmem>>, vector<16xf32>,
          tpu.vector_store %arg7[%parallel_loop3A_429], %parallel_loop3A_424 {strides = array<i32>} : memref<21504xf32, #tpu.memory_space<vmem>>, vector<16xf32>,
          %parallel_loop3A_431 = arith.constant 13 : i32
          %parallel_loop3A_432 = vector.broadcast %parallel_loop3A_431 : i32 to vector<16xi32>
          %parallel_loop3A_433 = arith.addi %parallel_loop3A_300, %parallel_loop3A_432 : vector<16xi32>
          %parallel_loop3A_434 = tpu.vector_load_idx %arg5[%parallel_loop3A_433] : memref<441xf32, #tpu.memory_space<vmem>>[vector<16xi32>], vector<16xf32>,
          %parallel_loop3A_435 = arith.constant 16 : i32
          %parallel_loop3A_436 = arith.muli %parallel_loop3A_290, %parallel_loop3A_435 : i32
          %parallel_loop3A_437 = arith.constant 13312 : i32
          %parallel_loop3A_438 = arith.addi %parallel_loop3A_437, %parallel_loop3A_436 : i32
          %parallel_loop3A_439 = arith.index_cast %parallel_loop3A_438 : i32 to index
          %parallel_loop3A_440 = tpu.vector_load %arg7[%parallel_loop3A_439] {strides = array<i32>} : memref<21504xf32, #tpu.memory_space<vmem>>, vector<16xf32>,
          tpu.vector_store %arg7[%parallel_loop3A_439], %parallel_loop3A_434 {strides = array<i32>} : memref<21504xf32, #tpu.memory_space<vmem>>, vector<16xf32>,
          %parallel_loop3A_441 = arith.constant 14 : i32
          %parallel_loop3A_442 = vector.broadcast %parallel_loop3A_441 : i32 to vector<16xi32>
          %parallel_loop3A_443 = arith.addi %parallel_loop3A_300, %parallel_loop3A_442 : vector<16xi32>
          %parallel_loop3A_444 = tpu.vector_load_idx %arg5[%parallel_loop3A_443] : memref<441xf32, #tpu.memory_space<vmem>>[vector<16xi32>], vector<16xf32>,
          %parallel_loop3A_445 = arith.constant 16 : i32
          %parallel_loop3A_446 = arith.muli %parallel_loop3A_290, %parallel_loop3A_445 : i32
          %parallel_loop3A_447 = arith.constant 14336 : i32
          %parallel_loop3A_448 = arith.addi %parallel_loop3A_447, %parallel_loop3A_446 : i32
          %parallel_loop3A_449 = arith.index_cast %parallel_loop3A_448 : i32 to index
          %parallel_loop3A_450 = tpu.vector_load %arg7[%parallel_loop3A_449] {strides = array<i32>} : memref<21504xf32, #tpu.memory_space<vmem>>, vector<16xf32>,
          tpu.vector_store %arg7[%parallel_loop3A_449], %parallel_loop3A_444 {strides = array<i32>} : memref<21504xf32, #tpu.memory_space<vmem>>, vector<16xf32>,
          %parallel_loop3A_451 = arith.constant 15 : i32
          %parallel_loop3A_452 = vector.broadcast %parallel_loop3A_451 : i32 to vector<16xi32>
          %parallel_loop3A_453 = arith.addi %parallel_loop3A_300, %parallel_loop3A_452 : vector<16xi32>
          %parallel_loop3A_454 = tpu.vector_load_idx %arg5[%parallel_loop3A_453] : memref<441xf32, #tpu.memory_space<vmem>>[vector<16xi32>], vector<16xf32>,
          %parallel_loop3A_455 = arith.constant 16 : i32
          %parallel_loop3A_456 = arith.muli %parallel_loop3A_290, %parallel_loop3A_455 : i32
          %parallel_loop3A_457 = arith.constant 15360 : i32
          %parallel_loop3A_458 = arith.addi %parallel_loop3A_457, %parallel_loop3A_456 : i32
          %parallel_loop3A_459 = arith.index_cast %parallel_loop3A_458 : i32 to index
          %parallel_loop3A_460 = tpu.vector_load %arg7[%parallel_loop3A_459] {strides = array<i32>} : memref<21504xf32, #tpu.memory_space<vmem>>, vector<16xf32>,
          tpu.vector_store %arg7[%parallel_loop3A_459], %parallel_loop3A_454 {strides = array<i32>} : memref<21504xf32, #tpu.memory_space<vmem>>, vector<16xf32>,
          %parallel_loop3A_461 = arith.constant 16 : i32
          %parallel_loop3A_462 = vector.broadcast %parallel_loop3A_461 : i32 to vector<16xi32>
          %parallel_loop3A_463 = arith.addi %parallel_loop3A_300, %parallel_loop3A_462 : vector<16xi32>
          %parallel_loop3A_464 = tpu.vector_load_idx %arg5[%parallel_loop3A_463] : memref<441xf32, #tpu.memory_space<vmem>>[vector<16xi32>], vector<16xf32>,
          %parallel_loop3A_465 = arith.constant 16 : i32
          %parallel_loop3A_466 = arith.muli %parallel_loop3A_290, %parallel_loop3A_465 : i32
          %parallel_loop3A_467 = arith.constant 16384 : i32
          %parallel_loop3A_468 = arith.addi %parallel_loop3A_467, %parallel_loop3A_466 : i32
          %parallel_loop3A_469 = arith.index_cast %parallel_loop3A_468 : i32 to index
          %parallel_loop3A_470 = tpu.vector_load %arg7[%parallel_loop3A_469] {strides = array<i32>} : memref<21504xf32, #tpu.memory_space<vmem>>, vector<16xf32>,
          tpu.vector_store %arg7[%parallel_loop3A_469], %parallel_loop3A_464 {strides = array<i32>} : memref<21504xf32, #tpu.memory_space<vmem>>, vector<16xf32>,
          %parallel_loop3A_471 = arith.constant 17 : i32
          %parallel_loop3A_472 = vector.broadcast %parallel_loop3A_471 : i32 to vector<16xi32>
          %parallel_loop3A_473 = arith.addi %parallel_loop3A_300, %parallel_loop3A_472 : vector<16xi32>
          %parallel_loop3A_474 = tpu.vector_load_idx %arg5[%parallel_loop3A_473] : memref<441xf32, #tpu.memory_space<vmem>>[vector<16xi32>], vector<16xf32>,
          %parallel_loop3A_475 = arith.constant 16 : i32
          %parallel_loop3A_476 = arith.muli %parallel_loop3A_290, %parallel_loop3A_475 : i32
          %parallel_loop3A_477 = arith.constant 17408 : i32
          %parallel_loop3A_478 = arith.addi %parallel_loop3A_477, %parallel_loop3A_476 : i32
          %parallel_loop3A_479 = arith.index_cast %parallel_loop3A_478 : i32 to index
          %parallel_loop3A_480 = tpu.vector_load %arg7[%parallel_loop3A_479] {strides = array<i32>} : memref<21504xf32, #tpu.memory_space<vmem>>, vector<16xf32>,
          tpu.vector_store %arg7[%parallel_loop3A_479], %parallel_loop3A_474 {strides = array<i32>} : memref<21504xf32, #tpu.memory_space<vmem>>, vector<16xf32>,
          %parallel_loop3A_481 = arith.constant 18 : i32
          %parallel_loop3A_482 = vector.broadcast %parallel_loop3A_481 : i32 to vector<16xi32>
          %parallel_loop3A_483 = arith.addi %parallel_loop3A_300, %parallel_loop3A_482 : vector<16xi32>
          %parallel_loop3A_484 = tpu.vector_load_idx %arg5[%parallel_loop3A_483] : memref<441xf32, #tpu.memory_space<vmem>>[vector<16xi32>], vector<16xf32>,
          %parallel_loop3A_485 = arith.constant 16 : i32
          %parallel_loop3A_486 = arith.muli %parallel_loop3A_290, %parallel_loop3A_485 : i32
          %parallel_loop3A_487 = arith.constant 18432 : i32
          %parallel_loop3A_488 = arith.addi %parallel_loop3A_487, %parallel_loop3A_486 : i32
          %parallel_loop3A_489 = arith.index_cast %parallel_loop3A_488 : i32 to index
          %parallel_loop3A_490 = tpu.vector_load %arg7[%parallel_loop3A_489] {strides = array<i32>} : memref<21504xf32, #tpu.memory_space<vmem>>, vector<16xf32>,
          tpu.vector_store %arg7[%parallel_loop3A_489], %parallel_loop3A_484 {strides = array<i32>} : memref<21504xf32, #tpu.memory_space<vmem>>, vector<16xf32>,
          %parallel_loop3A_491 = arith.constant 19 : i32
          %parallel_loop3A_492 = vector.broadcast %parallel_loop3A_491 : i32 to vector<16xi32>
          %parallel_loop3A_493 = arith.addi %parallel_loop3A_300, %parallel_loop3A_492 : vector<16xi32>
          %parallel_loop3A_494 = tpu.vector_load_idx %arg5[%parallel_loop3A_493] : memref<441xf32, #tpu.memory_space<vmem>>[vector<16xi32>], vector<16xf32>,
          %parallel_loop3A_495 = arith.constant 16 : i32
          %parallel_loop3A_496 = arith.muli %parallel_loop3A_290, %parallel_loop3A_495 : i32
          %parallel_loop3A_497 = arith.constant 19456 : i32
          %parallel_loop3A_498 = arith.addi %parallel_loop3A_497, %parallel_loop3A_496 : i32
          %parallel_loop3A_499 = arith.index_cast %parallel_loop3A_498 : i32 to index
          %parallel_loop3A_500 = tpu.vector_load %arg7[%parallel_loop3A_499] {strides = array<i32>} : memref<21504xf32, #tpu.memory_space<vmem>>, vector<16xf32>,
          tpu.vector_store %arg7[%parallel_loop3A_499], %parallel_loop3A_494 {strides = array<i32>} : memref<21504xf32, #tpu.memory_space<vmem>>, vector<16xf32>,
          %parallel_loop3A_501 = arith.constant 20 : i32
          %parallel_loop3A_502 = vector.broadcast %parallel_loop3A_501 : i32 to vector<16xi32>
          %parallel_loop3A_503 = arith.addi %parallel_loop3A_300, %parallel_loop3A_502 : vector<16xi32>
          %parallel_loop3A_504 = tpu.vector_load_idx %arg5[%parallel_loop3A_503] : memref<441xf32, #tpu.memory_space<vmem>>[vector<16xi32>], vector<16xf32>,
          %parallel_loop3A_505 = arith.constant 16 : i32
          %parallel_loop3A_506 = arith.muli %parallel_loop3A_290, %parallel_loop3A_505 : i32
          %parallel_loop3A_507 = arith.constant 20480 : i32
          %parallel_loop3A_508 = arith.addi %parallel_loop3A_507, %parallel_loop3A_506 : i32
          %parallel_loop3A_509 = arith.index_cast %parallel_loop3A_508 : i32 to index
          %parallel_loop3A_510 = tpu.vector_load %arg7[%parallel_loop3A_509] {strides = array<i32>} : memref<21504xf32, #tpu.memory_space<vmem>>, vector<16xf32>,
          tpu.vector_store %arg7[%parallel_loop3A_509], %parallel_loop3A_504 {strides = array<i32>} : memref<21504xf32, #tpu.memory_space<vmem>>, vector<16xf32>,
        } {sc.loop_unroll_factor = 2 : i64, sc.parallel_access}
        %add3A_59 = arith.constant 0 : i32
        %add3A_60 = arith.addi %add3A_59, %mul3A_2 : i32
        %mul3A_61 = arith.constant 1024 : i32
        %mul3A_62 = arith.muli %add3A_19, %mul3A_61 : i32
        %add3A_63 = arith.addi %add3A_60, %mul3A_62 : i32
        %dma_start3A_64 = arith.constant 0 : i32
        %dma_start3A_65 = tpu.memref_slice %arg7[%dma_start3A_64] : memref<21504xf32, #tpu.memory_space<vmem>> -> memref<1024xf32, #tpu.memory_space<vmem>>
        %dma_start3A_66 = tpu.memref_slice %arg4[%add3A_63] : memref<17203200xf32, #tpu.memory_space<hbm>> -> memref<1024xf32, #tpu.memory_space<hbm>>
        %dma_start3A_67 = tpu.memref_slice %arg4[%add3A_63] : memref<17203200xf32, #tpu.memory_space<hbm>> -> memref<1024xf32, #tpu.memory_space<hbm>>
        %dma_start3A_68 = arith.constant 0 : i32
        %dma_start3A_69 = tpu.memref_slice %arg7[%dma_start3A_68] : memref<21504xf32, #tpu.memory_space<vmem>> -> memref<1024xf32, #tpu.memory_space<vmem>>
        tpu.enqueue_dma source(%dma_start3A_69 : memref<1024xf32, #tpu.memory_space<vmem>>) target(%dma_start3A_67 : memref<1024xf32, #tpu.memory_space<hbm>>) target_semaphore(%arg9 : memref<!tpu.dma_semaphore, #tpu.memory_space<semaphore_mem>>)
        %add3A_70 = arith.constant 819200 : i32
        %add3A_71 = arith.addi %add3A_70, %mul3A_2 : i32
        %mul3A_72 = arith.constant 1024 : i32
        %mul3A_73 = arith.muli %add3A_19, %mul3A_72 : i32
        %add3A_74 = arith.addi %add3A_71, %mul3A_73 : i32
        %dma_start3A_75 = arith.constant 1024 : i32
        %dma_start3A_76 = tpu.memref_slice %arg7[%dma_start3A_75] : memref<21504xf32, #tpu.memory_space<vmem>> -> memref<1024xf32, #tpu.memory_space<vmem>>
        %dma_start3A_77 = tpu.memref_slice %arg4[%add3A_74] : memref<17203200xf32, #tpu.memory_space<hbm>> -> memref<1024xf32, #tpu.memory_space<hbm>>
        %dma_start3A_78 = tpu.memref_slice %arg4[%add3A_74] : memref<17203200xf32, #tpu.memory_space<hbm>> -> memref<1024xf32, #tpu.memory_space<hbm>>
        %dma_start3A_79 = arith.constant 1024 : i32
        %dma_start3A_80 = tpu.memref_slice %arg7[%dma_start3A_79] : memref<21504xf32, #tpu.memory_space<vmem>> -> memref<1024xf32, #tpu.memory_space<vmem>>
        tpu.enqueue_dma source(%dma_start3A_80 : memref<1024xf32, #tpu.memory_space<vmem>>) target(%dma_start3A_78 : memref<1024xf32, #tpu.memory_space<hbm>>) target_semaphore(%arg9 : memref<!tpu.dma_semaphore, #tpu.memory_space<semaphore_mem>>)
        %add3A_81 = arith.constant 1638400 : i32
        %add3A_82 = arith.addi %add3A_81, %mul3A_2 : i32
        %mul3A_83 = arith.constant 1024 : i32
        %mul3A_84 = arith.muli %add3A_19, %mul3A_83 : i32
        %add3A_85 = arith.addi %add3A_82, %mul3A_84 : i32
        %dma_start3A_86 = arith.constant 2048 : i32
        %dma_start3A_87 = tpu.memref_slice %arg7[%dma_start3A_86] : memref<21504xf32, #tpu.memory_space<vmem>> -> memref<1024xf32, #tpu.memory_space<vmem>>
        %dma_start3A_88 = tpu.memref_slice %arg4[%add3A_85] : memref<17203200xf32, #tpu.memory_space<hbm>> -> memref<1024xf32, #tpu.memory_space<hbm>>
        %dma_start3A_89 = tpu.memref_slice %arg4[%add3A_85] : memref<17203200xf32, #tpu.memory_space<hbm>> -> memref<1024xf32, #tpu.memory_space<hbm>>
        %dma_start3A_90 = arith.constant 2048 : i32
        %dma_start3A_91 = tpu.memref_slice %arg7[%dma_start3A_90] : memref<21504xf32, #tpu.memory_space<vmem>> -> memref<1024xf32, #tpu.memory_space<vmem>>
        tpu.enqueue_dma source(%dma_start3A_91 : memref<1024xf32, #tpu.memory_space<vmem>>) target(%dma_start3A_89 : memref<1024xf32, #tpu.memory_space<hbm>>) target_semaphore(%arg9 : memref<!tpu.dma_semaphore, #tpu.memory_space<semaphore_mem>>)
        %add3A_92 = arith.constant 2457600 : i32
        %add3A_93 = arith.addi %add3A_92, %mul3A_2 : i32
        %mul3A_94 = arith.constant 1024 : i32
        %mul3A_95 = arith.muli %add3A_19, %mul3A_94 : i32
        %add3A_96 = arith.addi %add3A_93, %mul3A_95 : i32
        %dma_start3A_97 = arith.constant 3072 : i32
        %dma_start3A_98 = tpu.memref_slice %arg7[%dma_start3A_97] : memref<21504xf32, #tpu.memory_space<vmem>> -> memref<1024xf32, #tpu.memory_space<vmem>>
        %dma_start3A_99 = tpu.memref_slice %arg4[%add3A_96] : memref<17203200xf32, #tpu.memory_space<hbm>> -> memref<1024xf32, #tpu.memory_space<hbm>>
        %dma_start3A_100 = tpu.memref_slice %arg4[%add3A_96] : memref<17203200xf32, #tpu.memory_space<hbm>> -> memref<1024xf32, #tpu.memory_space<hbm>>
        %dma_start3A_101 = arith.constant 3072 : i32
        %dma_start3A_102 = tpu.memref_slice %arg7[%dma_start3A_101] : memref<21504xf32, #tpu.memory_space<vmem>> -> memref<1024xf32, #tpu.memory_space<vmem>>
        tpu.enqueue_dma source(%dma_start3A_102 : memref<1024xf32, #tpu.memory_space<vmem>>) target(%dma_start3A_100 : memref<1024xf32, #tpu.memory_space<hbm>>) target_semaphore(%arg9 : memref<!tpu.dma_semaphore, #tpu.memory_space<semaphore_mem>>)
        %add3A_103 = arith.constant 3276800 : i32
        %add3A_104 = arith.addi %add3A_103, %mul3A_2 : i32
        %mul3A_105 = arith.constant 1024 : i32
        %mul3A_106 = arith.muli %add3A_19, %mul3A_105 : i32
        %add3A_107 = arith.addi %add3A_104, %mul3A_106 : i32
        %dma_start3A_108 = arith.constant 4096 : i32
        %dma_start3A_109 = tpu.memref_slice %arg7[%dma_start3A_108] : memref<21504xf32, #tpu.memory_space<vmem>> -> memref<1024xf32, #tpu.memory_space<vmem>>
        %dma_start3A_110 = tpu.memref_slice %arg4[%add3A_107] : memref<17203200xf32, #tpu.memory_space<hbm>> -> memref<1024xf32, #tpu.memory_space<hbm>>
        %dma_start3A_111 = tpu.memref_slice %arg4[%add3A_107] : memref<17203200xf32, #tpu.memory_space<hbm>> -> memref<1024xf32, #tpu.memory_space<hbm>>
        %dma_start3A_112 = arith.constant 4096 : i32
        %dma_start3A_113 = tpu.memref_slice %arg7[%dma_start3A_112] : memref<21504xf32, #tpu.memory_space<vmem>> -> memref<1024xf32, #tpu.memory_space<vmem>>
        tpu.enqueue_dma source(%dma_start3A_113 : memref<1024xf32, #tpu.memory_space<vmem>>) target(%dma_start3A_111 : memref<1024xf32, #tpu.memory_space<hbm>>) target_semaphore(%arg9 : memref<!tpu.dma_semaphore, #tpu.memory_space<semaphore_mem>>)
        %add3A_114 = arith.constant 4096000 : i32
        %add3A_115 = arith.addi %add3A_114, %mul3A_2 : i32
        %mul3A_116 = arith.constant 1024 : i32
        %mul3A_117 = arith.muli %add3A_19, %mul3A_116 : i32
        %add3A_118 = arith.addi %add3A_115, %mul3A_117 : i32
        %dma_start3A_119 = arith.constant 5120 : i32
        %dma_start3A_120 = tpu.memref_slice %arg7[%dma_start3A_119] : memref<21504xf32, #tpu.memory_space<vmem>> -> memref<1024xf32, #tpu.memory_space<vmem>>
        %dma_start3A_121 = tpu.memref_slice %arg4[%add3A_118] : memref<17203200xf32, #tpu.memory_space<hbm>> -> memref<1024xf32, #tpu.memory_space<hbm>>
        %dma_start3A_122 = tpu.memref_slice %arg4[%add3A_118] : memref<17203200xf32, #tpu.memory_space<hbm>> -> memref<1024xf32, #tpu.memory_space<hbm>>
        %dma_start3A_123 = arith.constant 5120 : i32
        %dma_start3A_124 = tpu.memref_slice %arg7[%dma_start3A_123] : memref<21504xf32, #tpu.memory_space<vmem>> -> memref<1024xf32, #tpu.memory_space<vmem>>
        tpu.enqueue_dma source(%dma_start3A_124 : memref<1024xf32, #tpu.memory_space<vmem>>) target(%dma_start3A_122 : memref<1024xf32, #tpu.memory_space<hbm>>) target_semaphore(%arg9 : memref<!tpu.dma_semaphore, #tpu.memory_space<semaphore_mem>>)
        %add3A_125 = arith.constant 4915200 : i32
        %add3A_126 = arith.addi %add3A_125, %mul3A_2 : i32
        %mul3A_127 = arith.constant 1024 : i32
        %mul3A_128 = arith.muli %add3A_19, %mul3A_127 : i32
        %add3A_129 = arith.addi %add3A_126, %mul3A_128 : i32
        %dma_start3A_130 = arith.constant 6144 : i32
        %dma_start3A_131 = tpu.memref_slice %arg7[%dma_start3A_130] : memref<21504xf32, #tpu.memory_space<vmem>> -> memref<1024xf32, #tpu.memory_space<vmem>>
        %dma_start3A_132 = tpu.memref_slice %arg4[%add3A_129] : memref<17203200xf32, #tpu.memory_space<hbm>> -> memref<1024xf32, #tpu.memory_space<hbm>>
        %dma_start3A_133 = tpu.memref_slice %arg4[%add3A_129] : memref<17203200xf32, #tpu.memory_space<hbm>> -> memref<1024xf32, #tpu.memory_space<hbm>>
        %dma_start3A_134 = arith.constant 6144 : i32
        %dma_start3A_135 = tpu.memref_slice %arg7[%dma_start3A_134] : memref<21504xf32, #tpu.memory_space<vmem>> -> memref<1024xf32, #tpu.memory_space<vmem>>
        tpu.enqueue_dma source(%dma_start3A_135 : memref<1024xf32, #tpu.memory_space<vmem>>) target(%dma_start3A_133 : memref<1024xf32, #tpu.memory_space<hbm>>) target_semaphore(%arg9 : memref<!tpu.dma_semaphore, #tpu.memory_space<semaphore_mem>>)
        %add3A_136 = arith.constant 5734400 : i32
        %add3A_137 = arith.addi %add3A_136, %mul3A_2 : i32
        %mul3A_138 = arith.constant 1024 : i32
        %mul3A_139 = arith.muli %add3A_19, %mul3A_138 : i32
        %add3A_140 = arith.addi %add3A_137, %mul3A_139 : i32
        %dma_start3A_141 = arith.constant 7168 : i32
        %dma_start3A_142 = tpu.memref_slice %arg7[%dma_start3A_141] : memref<21504xf32, #tpu.memory_space<vmem>> -> memref<1024xf32, #tpu.memory_space<vmem>>
        %dma_start3A_143 = tpu.memref_slice %arg4[%add3A_140] : memref<17203200xf32, #tpu.memory_space<hbm>> -> memref<1024xf32, #tpu.memory_space<hbm>>
        %dma_start3A_144 = tpu.memref_slice %arg4[%add3A_140] : memref<17203200xf32, #tpu.memory_space<hbm>> -> memref<1024xf32, #tpu.memory_space<hbm>>
        %dma_start3A_145 = arith.constant 7168 : i32
        %dma_start3A_146 = tpu.memref_slice %arg7[%dma_start3A_145] : memref<21504xf32, #tpu.memory_space<vmem>> -> memref<1024xf32, #tpu.memory_space<vmem>>
        tpu.enqueue_dma source(%dma_start3A_146 : memref<1024xf32, #tpu.memory_space<vmem>>) target(%dma_start3A_144 : memref<1024xf32, #tpu.memory_space<hbm>>) target_semaphore(%arg9 : memref<!tpu.dma_semaphore, #tpu.memory_space<semaphore_mem>>)
        %add3A_147 = arith.constant 6553600 : i32
        %add3A_148 = arith.addi %add3A_147, %mul3A_2 : i32
        %mul3A_149 = arith.constant 1024 : i32
        %mul3A_150 = arith.muli %add3A_19, %mul3A_149 : i32
        %add3A_151 = arith.addi %add3A_148, %mul3A_150 : i32
        %dma_start3A_152 = arith.constant 8192 : i32
        %dma_start3A_153 = tpu.memref_slice %arg7[%dma_start3A_152] : memref<21504xf32, #tpu.memory_space<vmem>> -> memref<1024xf32, #tpu.memory_space<vmem>>
        %dma_start3A_154 = tpu.memref_slice %arg4[%add3A_151] : memref<17203200xf32, #tpu.memory_space<hbm>> -> memref<1024xf32, #tpu.memory_space<hbm>>
        %dma_start3A_155 = tpu.memref_slice %arg4[%add3A_151] : memref<17203200xf32, #tpu.memory_space<hbm>> -> memref<1024xf32, #tpu.memory_space<hbm>>
        %dma_start3A_156 = arith.constant 8192 : i32
        %dma_start3A_157 = tpu.memref_slice %arg7[%dma_start3A_156] : memref<21504xf32, #tpu.memory_space<vmem>> -> memref<1024xf32, #tpu.memory_space<vmem>>
        tpu.enqueue_dma source(%dma_start3A_157 : memref<1024xf32, #tpu.memory_space<vmem>>) target(%dma_start3A_155 : memref<1024xf32, #tpu.memory_space<hbm>>) target_semaphore(%arg9 : memref<!tpu.dma_semaphore, #tpu.memory_space<semaphore_mem>>)
        %add3A_158 = arith.constant 7372800 : i32
        %add3A_159 = arith.addi %add3A_158, %mul3A_2 : i32
        %mul3A_160 = arith.constant 1024 : i32
        %mul3A_161 = arith.muli %add3A_19, %mul3A_160 : i32
        %add3A_162 = arith.addi %add3A_159, %mul3A_161 : i32
        %dma_start3A_163 = arith.constant 9216 : i32
        %dma_start3A_164 = tpu.memref_slice %arg7[%dma_start3A_163] : memref<21504xf32, #tpu.memory_space<vmem>> -> memref<1024xf32, #tpu.memory_space<vmem>>
        %dma_start3A_165 = tpu.memref_slice %arg4[%add3A_162] : memref<17203200xf32, #tpu.memory_space<hbm>> -> memref<1024xf32, #tpu.memory_space<hbm>>
        %dma_start3A_166 = tpu.memref_slice %arg4[%add3A_162] : memref<17203200xf32, #tpu.memory_space<hbm>> -> memref<1024xf32, #tpu.memory_space<hbm>>
        %dma_start3A_167 = arith.constant 9216 : i32
        %dma_start3A_168 = tpu.memref_slice %arg7[%dma_start3A_167] : memref<21504xf32, #tpu.memory_space<vmem>> -> memref<1024xf32, #tpu.memory_space<vmem>>
        tpu.enqueue_dma source(%dma_start3A_168 : memref<1024xf32, #tpu.memory_space<vmem>>) target(%dma_start3A_166 : memref<1024xf32, #tpu.memory_space<hbm>>) target_semaphore(%arg9 : memref<!tpu.dma_semaphore, #tpu.memory_space<semaphore_mem>>)
        %add3A_169 = arith.constant 8192000 : i32
        %add3A_170 = arith.addi %add3A_169, %mul3A_2 : i32
        %mul3A_171 = arith.constant 1024 : i32
        %mul3A_172 = arith.muli %add3A_19, %mul3A_171 : i32
        %add3A_173 = arith.addi %add3A_170, %mul3A_172 : i32
        %dma_start3A_174 = arith.constant 10240 : i32
        %dma_start3A_175 = tpu.memref_slice %arg7[%dma_start3A_174] : memref<21504xf32, #tpu.memory_space<vmem>> -> memref<1024xf32, #tpu.memory_space<vmem>>
        %dma_start3A_176 = tpu.memref_slice %arg4[%add3A_173] : memref<17203200xf32, #tpu.memory_space<hbm>> -> memref<1024xf32, #tpu.memory_space<hbm>>
        %dma_start3A_177 = tpu.memref_slice %arg4[%add3A_173] : memref<17203200xf32, #tpu.memory_space<hbm>> -> memref<1024xf32, #tpu.memory_space<hbm>>
        %dma_start3A_178 = arith.constant 10240 : i32
        %dma_start3A_179 = tpu.memref_slice %arg7[%dma_start3A_178] : memref<21504xf32, #tpu.memory_space<vmem>> -> memref<1024xf32, #tpu.memory_space<vmem>>
        tpu.enqueue_dma source(%dma_start3A_179 : memref<1024xf32, #tpu.memory_space<vmem>>) target(%dma_start3A_177 : memref<1024xf32, #tpu.memory_space<hbm>>) target_semaphore(%arg9 : memref<!tpu.dma_semaphore, #tpu.memory_space<semaphore_mem>>)
        %add3A_180 = arith.constant 9011200 : i32
        %add3A_181 = arith.addi %add3A_180, %mul3A_2 : i32
        %mul3A_182 = arith.constant 1024 : i32
        %mul3A_183 = arith.muli %add3A_19, %mul3A_182 : i32
        %add3A_184 = arith.addi %add3A_181, %mul3A_183 : i32
        %dma_start3A_185 = arith.constant 11264 : i32
        %dma_start3A_186 = tpu.memref_slice %arg7[%dma_start3A_185] : memref<21504xf32, #tpu.memory_space<vmem>> -> memref<1024xf32, #tpu.memory_space<vmem>>
        %dma_start3A_187 = tpu.memref_slice %arg4[%add3A_184] : memref<17203200xf32, #tpu.memory_space<hbm>> -> memref<1024xf32, #tpu.memory_space<hbm>>
        %dma_start3A_188 = tpu.memref_slice %arg4[%add3A_184] : memref<17203200xf32, #tpu.memory_space<hbm>> -> memref<1024xf32, #tpu.memory_space<hbm>>
        %dma_start3A_189 = arith.constant 11264 : i32
        %dma_start3A_190 = tpu.memref_slice %arg7[%dma_start3A_189] : memref<21504xf32, #tpu.memory_space<vmem>> -> memref<1024xf32, #tpu.memory_space<vmem>>
        tpu.enqueue_dma source(%dma_start3A_190 : memref<1024xf32, #tpu.memory_space<vmem>>) target(%dma_start3A_188 : memref<1024xf32, #tpu.memory_space<hbm>>) target_semaphore(%arg9 : memref<!tpu.dma_semaphore, #tpu.memory_space<semaphore_mem>>)
        %add3A_191 = arith.constant 9830400 : i32
        %add3A_192 = arith.addi %add3A_191, %mul3A_2 : i32
        %mul3A_193 = arith.constant 1024 : i32
        %mul3A_194 = arith.muli %add3A_19, %mul3A_193 : i32
        %add3A_195 = arith.addi %add3A_192, %mul3A_194 : i32
        %dma_start3A_196 = arith.constant 12288 : i32
        %dma_start3A_197 = tpu.memref_slice %arg7[%dma_start3A_196] : memref<21504xf32, #tpu.memory_space<vmem>> -> memref<1024xf32, #tpu.memory_space<vmem>>
        %dma_start3A_198 = tpu.memref_slice %arg4[%add3A_195] : memref<17203200xf32, #tpu.memory_space<hbm>> -> memref<1024xf32, #tpu.memory_space<hbm>>
        %dma_start3A_199 = tpu.memref_slice %arg4[%add3A_195] : memref<17203200xf32, #tpu.memory_space<hbm>> -> memref<1024xf32, #tpu.memory_space<hbm>>
        %dma_start3A_200 = arith.constant 12288 : i32
        %dma_start3A_201 = tpu.memref_slice %arg7[%dma_start3A_200] : memref<21504xf32, #tpu.memory_space<vmem>> -> memref<1024xf32, #tpu.memory_space<vmem>>
        tpu.enqueue_dma source(%dma_start3A_201 : memref<1024xf32, #tpu.memory_space<vmem>>) target(%dma_start3A_199 : memref<1024xf32, #tpu.memory_space<hbm>>) target_semaphore(%arg9 : memref<!tpu.dma_semaphore, #tpu.memory_space<semaphore_mem>>)
        %add3A_202 = arith.constant 10649600 : i32
        %add3A_203 = arith.addi %add3A_202, %mul3A_2 : i32
        %mul3A_204 = arith.constant 1024 : i32
        %mul3A_205 = arith.muli %add3A_19, %mul3A_204 : i32
        %add3A_206 = arith.addi %add3A_203, %mul3A_205 : i32
        %dma_start3A_207 = arith.constant 13312 : i32
        %dma_start3A_208 = tpu.memref_slice %arg7[%dma_start3A_207] : memref<21504xf32, #tpu.memory_space<vmem>> -> memref<1024xf32, #tpu.memory_space<vmem>>
        %dma_start3A_209 = tpu.memref_slice %arg4[%add3A_206] : memref<17203200xf32, #tpu.memory_space<hbm>> -> memref<1024xf32, #tpu.memory_space<hbm>>
        %dma_start3A_210 = tpu.memref_slice %arg4[%add3A_206] : memref<17203200xf32, #tpu.memory_space<hbm>> -> memref<1024xf32, #tpu.memory_space<hbm>>
        %dma_start3A_211 = arith.constant 13312 : i32
        %dma_start3A_212 = tpu.memref_slice %arg7[%dma_start3A_211] : memref<21504xf32, #tpu.memory_space<vmem>> -> memref<1024xf32, #tpu.memory_space<vmem>>
        tpu.enqueue_dma source(%dma_start3A_212 : memref<1024xf32, #tpu.memory_space<vmem>>) target(%dma_start3A_210 : memref<1024xf32, #tpu.memory_space<hbm>>) target_semaphore(%arg9 : memref<!tpu.dma_semaphore, #tpu.memory_space<semaphore_mem>>)
        %add3A_213 = arith.constant 11468800 : i32
        %add3A_214 = arith.addi %add3A_213, %mul3A_2 : i32
        %mul3A_215 = arith.constant 1024 : i32
        %mul3A_216 = arith.muli %add3A_19, %mul3A_215 : i32
        %add3A_217 = arith.addi %add3A_214, %mul3A_216 : i32
        %dma_start3A_218 = arith.constant 14336 : i32
        %dma_start3A_219 = tpu.memref_slice %arg7[%dma_start3A_218] : memref<21504xf32, #tpu.memory_space<vmem>> -> memref<1024xf32, #tpu.memory_space<vmem>>
        %dma_start3A_220 = tpu.memref_slice %arg4[%add3A_217] : memref<17203200xf32, #tpu.memory_space<hbm>> -> memref<1024xf32, #tpu.memory_space<hbm>>
        %dma_start3A_221 = tpu.memref_slice %arg4[%add3A_217] : memref<17203200xf32, #tpu.memory_space<hbm>> -> memref<1024xf32, #tpu.memory_space<hbm>>
        %dma_start3A_222 = arith.constant 14336 : i32
        %dma_start3A_223 = tpu.memref_slice %arg7[%dma_start3A_222] : memref<21504xf32, #tpu.memory_space<vmem>> -> memref<1024xf32, #tpu.memory_space<vmem>>
        tpu.enqueue_dma source(%dma_start3A_223 : memref<1024xf32, #tpu.memory_space<vmem>>) target(%dma_start3A_221 : memref<1024xf32, #tpu.memory_space<hbm>>) target_semaphore(%arg9 : memref<!tpu.dma_semaphore, #tpu.memory_space<semaphore_mem>>)
        %add3A_224 = arith.constant 12288000 : i32
        %add3A_225 = arith.addi %add3A_224, %mul3A_2 : i32
        %mul3A_226 = arith.constant 1024 : i32
        %mul3A_227 = arith.muli %add3A_19, %mul3A_226 : i32
        %add3A_228 = arith.addi %add3A_225, %mul3A_227 : i32
        %dma_start3A_229 = arith.constant 15360 : i32
        %dma_start3A_230 = tpu.memref_slice %arg7[%dma_start3A_229] : memref<21504xf32, #tpu.memory_space<vmem>> -> memref<1024xf32, #tpu.memory_space<vmem>>
        %dma_start3A_231 = tpu.memref_slice %arg4[%add3A_228] : memref<17203200xf32, #tpu.memory_space<hbm>> -> memref<1024xf32, #tpu.memory_space<hbm>>
        %dma_start3A_232 = tpu.memref_slice %arg4[%add3A_228] : memref<17203200xf32, #tpu.memory_space<hbm>> -> memref<1024xf32, #tpu.memory_space<hbm>>
        %dma_start3A_233 = arith.constant 15360 : i32
        %dma_start3A_234 = tpu.memref_slice %arg7[%dma_start3A_233] : memref<21504xf32, #tpu.memory_space<vmem>> -> memref<1024xf32, #tpu.memory_space<vmem>>
        tpu.enqueue_dma source(%dma_start3A_234 : memref<1024xf32, #tpu.memory_space<vmem>>) target(%dma_start3A_232 : memref<1024xf32, #tpu.memory_space<hbm>>) target_semaphore(%arg9 : memref<!tpu.dma_semaphore, #tpu.memory_space<semaphore_mem>>)
        %add3A_235 = arith.constant 13107200 : i32
        %add3A_236 = arith.addi %add3A_235, %mul3A_2 : i32
        %mul3A_237 = arith.constant 1024 : i32
        %mul3A_238 = arith.muli %add3A_19, %mul3A_237 : i32
        %add3A_239 = arith.addi %add3A_236, %mul3A_238 : i32
        %dma_start3A_240 = arith.constant 16384 : i32
        %dma_start3A_241 = tpu.memref_slice %arg7[%dma_start3A_240] : memref<21504xf32, #tpu.memory_space<vmem>> -> memref<1024xf32, #tpu.memory_space<vmem>>
        %dma_start3A_242 = tpu.memref_slice %arg4[%add3A_239] : memref<17203200xf32, #tpu.memory_space<hbm>> -> memref<1024xf32, #tpu.memory_space<hbm>>
        %dma_start3A_243 = tpu.memref_slice %arg4[%add3A_239] : memref<17203200xf32, #tpu.memory_space<hbm>> -> memref<1024xf32, #tpu.memory_space<hbm>>
        %dma_start3A_244 = arith.constant 16384 : i32
        %dma_start3A_245 = tpu.memref_slice %arg7[%dma_start3A_244] : memref<21504xf32, #tpu.memory_space<vmem>> -> memref<1024xf32, #tpu.memory_space<vmem>>
        tpu.enqueue_dma source(%dma_start3A_245 : memref<1024xf32, #tpu.memory_space<vmem>>) target(%dma_start3A_243 : memref<1024xf32, #tpu.memory_space<hbm>>) target_semaphore(%arg9 : memref<!tpu.dma_semaphore, #tpu.memory_space<semaphore_mem>>)
        %add3A_246 = arith.constant 13926400 : i32
        %add3A_247 = arith.addi %add3A_246, %mul3A_2 : i32
        %mul3A_248 = arith.constant 1024 : i32
        %mul3A_249 = arith.muli %add3A_19, %mul3A_248 : i32
        %add3A_250 = arith.addi %add3A_247, %mul3A_249 : i32
        %dma_start3A_251 = arith.constant 17408 : i32
        %dma_start3A_252 = tpu.memref_slice %arg7[%dma_start3A_251] : memref<21504xf32, #tpu.memory_space<vmem>> -> memref<1024xf32, #tpu.memory_space<vmem>>
        %dma_start3A_253 = tpu.memref_slice %arg4[%add3A_250] : memref<17203200xf32, #tpu.memory_space<hbm>> -> memref<1024xf32, #tpu.memory_space<hbm>>
        %dma_start3A_254 = tpu.memref_slice %arg4[%add3A_250] : memref<17203200xf32, #tpu.memory_space<hbm>> -> memref<1024xf32, #tpu.memory_space<hbm>>
        %dma_start3A_255 = arith.constant 17408 : i32
        %dma_start3A_256 = tpu.memref_slice %arg7[%dma_start3A_255] : memref<21504xf32, #tpu.memory_space<vmem>> -> memref<1024xf32, #tpu.memory_space<vmem>>
        tpu.enqueue_dma source(%dma_start3A_256 : memref<1024xf32, #tpu.memory_space<vmem>>) target(%dma_start3A_254 : memref<1024xf32, #tpu.memory_space<hbm>>) target_semaphore(%arg9 : memref<!tpu.dma_semaphore, #tpu.memory_space<semaphore_mem>>)
        %add3A_257 = arith.constant 14745600 : i32
        %add3A_258 = arith.addi %add3A_257, %mul3A_2 : i32
        %mul3A_259 = arith.constant 1024 : i32
        %mul3A_260 = arith.muli %add3A_19, %mul3A_259 : i32
        %add3A_261 = arith.addi %add3A_258, %mul3A_260 : i32
        %dma_start3A_262 = arith.constant 18432 : i32
        %dma_start3A_263 = tpu.memref_slice %arg7[%dma_start3A_262] : memref<21504xf32, #tpu.memory_space<vmem>> -> memref<1024xf32, #tpu.memory_space<vmem>>
        %dma_start3A_264 = tpu.memref_slice %arg4[%add3A_261] : memref<17203200xf32, #tpu.memory_space<hbm>> -> memref<1024xf32, #tpu.memory_space<hbm>>
        %dma_start3A_265 = tpu.memref_slice %arg4[%add3A_261] : memref<17203200xf32, #tpu.memory_space<hbm>> -> memref<1024xf32, #tpu.memory_space<hbm>>
        %dma_start3A_266 = arith.constant 18432 : i32
        %dma_start3A_267 = tpu.memref_slice %arg7[%dma_start3A_266] : memref<21504xf32, #tpu.memory_space<vmem>> -> memref<1024xf32, #tpu.memory_space<vmem>>
        tpu.enqueue_dma source(%dma_start3A_267 : memref<1024xf32, #tpu.memory_space<vmem>>) target(%dma_start3A_265 : memref<1024xf32, #tpu.memory_space<hbm>>) target_semaphore(%arg9 : memref<!tpu.dma_semaphore, #tpu.memory_space<semaphore_mem>>)
        %add3A_268 = arith.constant 15564800 : i32
        %add3A_269 = arith.addi %add3A_268, %mul3A_2 : i32
        %mul3A_270 = arith.constant 1024 : i32
        %mul3A_271 = arith.muli %add3A_19, %mul3A_270 : i32
        %add3A_272 = arith.addi %add3A_269, %mul3A_271 : i32
        %dma_start3A_273 = arith.constant 19456 : i32
        %dma_start3A_274 = tpu.memref_slice %arg7[%dma_start3A_273] : memref<21504xf32, #tpu.memory_space<vmem>> -> memref<1024xf32, #tpu.memory_space<vmem>>
        %dma_start3A_275 = tpu.memref_slice %arg4[%add3A_272] : memref<17203200xf32, #tpu.memory_space<hbm>> -> memref<1024xf32, #tpu.memory_space<hbm>>
        %dma_start3A_276 = tpu.memref_slice %arg4[%add3A_272] : memref<17203200xf32, #tpu.memory_space<hbm>> -> memref<1024xf32, #tpu.memory_space<hbm>>
        %dma_start3A_277 = arith.constant 19456 : i32
        %dma_start3A_278 = tpu.memref_slice %arg7[%dma_start3A_277] : memref<21504xf32, #tpu.memory_space<vmem>> -> memref<1024xf32, #tpu.memory_space<vmem>>
        tpu.enqueue_dma source(%dma_start3A_278 : memref<1024xf32, #tpu.memory_space<vmem>>) target(%dma_start3A_276 : memref<1024xf32, #tpu.memory_space<hbm>>) target_semaphore(%arg9 : memref<!tpu.dma_semaphore, #tpu.memory_space<semaphore_mem>>)
        %add3A_279 = arith.constant 16384000 : i32
        %add3A_280 = arith.addi %add3A_279, %mul3A_2 : i32
        %mul3A_281 = arith.constant 1024 : i32
        %mul3A_282 = arith.muli %add3A_19, %mul3A_281 : i32
        %add3A_283 = arith.addi %add3A_280, %mul3A_282 : i32
        %dma_start3A_284 = arith.constant 20480 : i32
        %dma_start3A_285 = tpu.memref_slice %arg7[%dma_start3A_284] : memref<21504xf32, #tpu.memory_space<vmem>> -> memref<1024xf32, #tpu.memory_space<vmem>>
        %dma_start3A_286 = tpu.memref_slice %arg4[%add3A_283] : memref<17203200xf32, #tpu.memory_space<hbm>> -> memref<1024xf32, #tpu.memory_space<hbm>>
        %dma_start3A_287 = tpu.memref_slice %arg4[%add3A_283] : memref<17203200xf32, #tpu.memory_space<hbm>> -> memref<1024xf32, #tpu.memory_space<hbm>>
        %dma_start3A_288 = arith.constant 20480 : i32
        %dma_start3A_289 = tpu.memref_slice %arg7[%dma_start3A_288] : memref<21504xf32, #tpu.memory_space<vmem>> -> memref<1024xf32, #tpu.memory_space<vmem>>
        tpu.enqueue_dma source(%dma_start3A_289 : memref<1024xf32, #tpu.memory_space<vmem>>) target(%dma_start3A_287 : memref<1024xf32, #tpu.memory_space<hbm>>) target_semaphore(%arg9 : memref<!tpu.dma_semaphore, #tpu.memory_space<semaphore_mem>>)
      } else {
      }
      %mul3A_33 = arith.constant 2 : i32
      %mul3A_34 = arith.muli %scan3A_15, %mul3A_33 : i32
      %add3A_35 = arith.constant 1 : i32
      %add3A_36 = arith.addi %mul3A_34, %add3A_35 : i32
      %eq3A_37 = arith.constant 1 : i32
      %eq3A_38 = arith.cmpi eq, %add3A_36, %eq3A_37 : i32
      %convert_element_type3A_39 = arith.extui %eq3A_38 : i1 to i32
      %cond3A_40 = arith.constant 0 : i32
      %cond3A_41 = arith.cmpi ne, %convert_element_type3A_39, %cond3A_40 : i32
      scf.if %cond3A_41 {
        %dma_wait3A = arith.constant 1024 : i32
        %dma_wait3A_57 = tpu.memref_slice %arg6[%dma_wait3A] : memref<25600xi32, #tpu.memory_space<vmem>> -> memref<24576xi32, #tpu.memory_space<vmem>>
        %dma_wait3A_58 = arith.constant 0 : i32
        %dma_wait3A_59 = tpu.memref_slice %arg2[%dma_wait3A_58] : memref<819200xi32, #tpu.memory_space<hbm>> -> memref<24576xi32, #tpu.memory_space<hbm>>
        %dma_wait3A_60 = arith.constant 1024 : i32
        %dma_wait3A_61 = tpu.memref_slice %arg6[%dma_wait3A_60] : memref<25600xi32, #tpu.memory_space<vmem>> -> memref<24576xi32, #tpu.memory_space<vmem>>
        %dma_wait3A_62 = arith.constant 0 : i32
        %dma_wait3A_63 = tpu.memref_slice %arg2[%dma_wait3A_62] : memref<819200xi32, #tpu.memory_space<hbm>> -> memref<24576xi32, #tpu.memory_space<hbm>>
        tpu.wait_dma2 semaphore(%arg11 : memref<!tpu.dma_semaphore, #tpu.memory_space<semaphore_mem>>) src(%dma_wait3A_63 : memref<24576xi32, #tpu.memory_space<hbm>>) dst(%dma_wait3A_61 : memref<24576xi32, #tpu.memory_space<vmem>>)
      } else {
      }
      %gt3A_42 = arith.constant 1 : i32
      %gt3A_43 = arith.cmpi sgt, %add3A_36, %gt3A_42 : i32
      %sub3A_44 = arith.constant 2 : i32
      %sub3A_45 = arith.subi %add3A_36, %sub3A_44 : i32
      %lt3A_46 = arith.constant 25 : i32
      %lt3A_47 = arith.cmpi slt, %sub3A_45, %lt3A_46 : i32
      %and3A_48 = arith.andi %gt3A_43, %lt3A_47 : i1
      %convert_element_type3A_49 = arith.extui %and3A_48 : i1 to i32
      %cond3A_50 = arith.constant 0 : i32
      %cond3A_51 = arith.cmpi ne, %convert_element_type3A_49, %cond3A_50 : i32
      scf.if %cond3A_51 {
        %dma_wait3A = arith.constant 0 : i32
        %dma_wait3A_57 = tpu.memref_slice %arg4[%dma_wait3A] : memref<17203200xf32, #tpu.memory_space<hbm>> -> memref<21504xf32, #tpu.memory_space<hbm>>
        %dma_wait3A_58 = arith.constant 0 : i32
        %dma_wait3A_59 = tpu.memref_slice %arg4[%dma_wait3A_58] : memref<17203200xf32, #tpu.memory_space<hbm>> -> memref<21504xf32, #tpu.memory_space<hbm>>
        tpu.wait_dma2 semaphore(%arg10 : memref<!tpu.dma_semaphore, #tpu.memory_space<semaphore_mem>>) src(%dma_wait3A_59 : memref<21504xf32, #tpu.memory_space<hbm>>) dst(%arg8 : memref<21504xf32, #tpu.memory_space<vmem>>)
      } else {
      }
      %lt3A_52 = arith.constant 25 : i32
      %lt3A_53 = arith.cmpi slt, %add3A_36, %lt3A_52 : i32
      %convert_element_type3A_54 = arith.extui %lt3A_53 : i1 to i32
      %cond3A_55 = arith.constant 0 : i32
      %cond3A_56 = arith.cmpi ne, %convert_element_type3A_54, %cond3A_55 : i32
      scf.if %cond3A_56 {
        %parallel_loop3A = arith.constant 0 : i32
        %parallel_loop3A_57 = arith.constant 64 : i32
        %parallel_loop3A_58 = arith.constant 1 : i32
        scf.for %parallel_loop3A_290 = %parallel_loop3A to %parallel_loop3A_57 step %parallel_loop3A_58  : i32 {
          %parallel_loop3A_291 = arith.constant 1024 : i32
          %parallel_loop3A_292 = arith.muli %add3A_36, %parallel_loop3A_291 : i32
          %parallel_loop3A_293 = arith.constant 16 : i32
          %parallel_loop3A_294 = arith.muli %parallel_loop3A_290, %parallel_loop3A_293 : i32
          %parallel_loop3A_295 = arith.addi %parallel_loop3A_292, %parallel_loop3A_294 : i32
          %parallel_loop3A_296 = arith.index_cast %parallel_loop3A_295 : i32 to index
          %parallel_loop3A_297 = tpu.vector_load %arg6[%parallel_loop3A_296] {strides = array<i32>} : memref<25600xi32, #tpu.memory_space<vmem>>, vector<16xi32>,
          %parallel_loop3A_298 = arith.constant 21 : i32
          %parallel_loop3A_299 = vector.broadcast %parallel_loop3A_298 : i32 to vector<16xi32>
          %parallel_loop3A_300 = arith.muli %parallel_loop3A_297, %parallel_loop3A_299 : vector<16xi32>
          %parallel_loop3A_301 = arith.constant 0 : i32
          %parallel_loop3A_302 = vector.broadcast %parallel_loop3A_301 : i32 to vector<16xi32>
          %parallel_loop3A_303 = arith.addi %parallel_loop3A_300, %parallel_loop3A_302 : vector<16xi32>
          %parallel_loop3A_304 = tpu.vector_load_idx %arg5[%parallel_loop3A_303] : memref<441xf32, #tpu.memory_space<vmem>>[vector<16xi32>], vector<16xf32>,
          %parallel_loop3A_305 = arith.constant 16 : i32
          %parallel_loop3A_306 = arith.muli %parallel_loop3A_290, %parallel_loop3A_305 : i32
          %parallel_loop3A_307 = arith.constant 0 : i32
          %parallel_loop3A_308 = arith.addi %parallel_loop3A_307, %parallel_loop3A_306 : i32
          %parallel_loop3A_309 = arith.index_cast %parallel_loop3A_308 : i32 to index
          %parallel_loop3A_310 = tpu.vector_load %arg8[%parallel_loop3A_309] {strides = array<i32>} : memref<21504xf32, #tpu.memory_space<vmem>>, vector<16xf32>,
          tpu.vector_store %arg8[%parallel_loop3A_309], %parallel_loop3A_304 {strides = array<i32>} : memref<21504xf32, #tpu.memory_space<vmem>>, vector<16xf32>,
          %parallel_loop3A_311 = arith.constant 1 : i32
          %parallel_loop3A_312 = vector.broadcast %parallel_loop3A_311 : i32 to vector<16xi32>
          %parallel_loop3A_313 = arith.addi %parallel_loop3A_300, %parallel_loop3A_312 : vector<16xi32>
          %parallel_loop3A_314 = tpu.vector_load_idx %arg5[%parallel_loop3A_313] : memref<441xf32, #tpu.memory_space<vmem>>[vector<16xi32>], vector<16xf32>,
          %parallel_loop3A_315 = arith.constant 16 : i32
          %parallel_loop3A_316 = arith.muli %parallel_loop3A_290, %parallel_loop3A_315 : i32
          %parallel_loop3A_317 = arith.constant 1024 : i32
          %parallel_loop3A_318 = arith.addi %parallel_loop3A_317, %parallel_loop3A_316 : i32
          %parallel_loop3A_319 = arith.index_cast %parallel_loop3A_318 : i32 to index
          %parallel_loop3A_320 = tpu.vector_load %arg8[%parallel_loop3A_319] {strides = array<i32>} : memref<21504xf32, #tpu.memory_space<vmem>>, vector<16xf32>,
          tpu.vector_store %arg8[%parallel_loop3A_319], %parallel_loop3A_314 {strides = array<i32>} : memref<21504xf32, #tpu.memory_space<vmem>>, vector<16xf32>,
          %parallel_loop3A_321 = arith.constant 2 : i32
          %parallel_loop3A_322 = vector.broadcast %parallel_loop3A_321 : i32 to vector<16xi32>
          %parallel_loop3A_323 = arith.addi %parallel_loop3A_300, %parallel_loop3A_322 : vector<16xi32>
          %parallel_loop3A_324 = tpu.vector_load_idx %arg5[%parallel_loop3A_323] : memref<441xf32, #tpu.memory_space<vmem>>[vector<16xi32>], vector<16xf32>,
          %parallel_loop3A_325 = arith.constant 16 : i32
          %parallel_loop3A_326 = arith.muli %parallel_loop3A_290, %parallel_loop3A_325 : i32
          %parallel_loop3A_327 = arith.constant 2048 : i32
          %parallel_loop3A_328 = arith.addi %parallel_loop3A_327, %parallel_loop3A_326 : i32
          %parallel_loop3A_329 = arith.index_cast %parallel_loop3A_328 : i32 to index
          %parallel_loop3A_330 = tpu.vector_load %arg8[%parallel_loop3A_329] {strides = array<i32>} : memref<21504xf32, #tpu.memory_space<vmem>>, vector<16xf32>,
          tpu.vector_store %arg8[%parallel_loop3A_329], %parallel_loop3A_324 {strides = array<i32>} : memref<21504xf32, #tpu.memory_space<vmem>>, vector<16xf32>,
          %parallel_loop3A_331 = arith.constant 3 : i32
          %parallel_loop3A_332 = vector.broadcast %parallel_loop3A_331 : i32 to vector<16xi32>
          %parallel_loop3A_333 = arith.addi %parallel_loop3A_300, %parallel_loop3A_332 : vector<16xi32>
          %parallel_loop3A_334 = tpu.vector_load_idx %arg5[%parallel_loop3A_333] : memref<441xf32, #tpu.memory_space<vmem>>[vector<16xi32>], vector<16xf32>,
          %parallel_loop3A_335 = arith.constant 16 : i32
          %parallel_loop3A_336 = arith.muli %parallel_loop3A_290, %parallel_loop3A_335 : i32
          %parallel_loop3A_337 = arith.constant 3072 : i32
          %parallel_loop3A_338 = arith.addi %parallel_loop3A_337, %parallel_loop3A_336 : i32
          %parallel_loop3A_339 = arith.index_cast %parallel_loop3A_338 : i32 to index
          %parallel_loop3A_340 = tpu.vector_load %arg8[%parallel_loop3A_339] {strides = array<i32>} : memref<21504xf32, #tpu.memory_space<vmem>>, vector<16xf32>,
          tpu.vector_store %arg8[%parallel_loop3A_339], %parallel_loop3A_334 {strides = array<i32>} : memref<21504xf32, #tpu.memory_space<vmem>>, vector<16xf32>,
          %parallel_loop3A_341 = arith.constant 4 : i32
          %parallel_loop3A_342 = vector.broadcast %parallel_loop3A_341 : i32 to vector<16xi32>
          %parallel_loop3A_343 = arith.addi %parallel_loop3A_300, %parallel_loop3A_342 : vector<16xi32>
          %parallel_loop3A_344 = tpu.vector_load_idx %arg5[%parallel_loop3A_343] : memref<441xf32, #tpu.memory_space<vmem>>[vector<16xi32>], vector<16xf32>,
          %parallel_loop3A_345 = arith.constant 16 : i32
          %parallel_loop3A_346 = arith.muli %parallel_loop3A_290, %parallel_loop3A_345 : i32
          %parallel_loop3A_347 = arith.constant 4096 : i32
          %parallel_loop3A_348 = arith.addi %parallel_loop3A_347, %parallel_loop3A_346 : i32
          %parallel_loop3A_349 = arith.index_cast %parallel_loop3A_348 : i32 to index
          %parallel_loop3A_350 = tpu.vector_load %arg8[%parallel_loop3A_349] {strides = array<i32>} : memref<21504xf32, #tpu.memory_space<vmem>>, vector<16xf32>,
          tpu.vector_store %arg8[%parallel_loop3A_349], %parallel_loop3A_344 {strides = array<i32>} : memref<21504xf32, #tpu.memory_space<vmem>>, vector<16xf32>,
          %parallel_loop3A_351 = arith.constant 5 : i32
          %parallel_loop3A_352 = vector.broadcast %parallel_loop3A_351 : i32 to vector<16xi32>
          %parallel_loop3A_353 = arith.addi %parallel_loop3A_300, %parallel_loop3A_352 : vector<16xi32>
          %parallel_loop3A_354 = tpu.vector_load_idx %arg5[%parallel_loop3A_353] : memref<441xf32, #tpu.memory_space<vmem>>[vector<16xi32>], vector<16xf32>,
          %parallel_loop3A_355 = arith.constant 16 : i32
          %parallel_loop3A_356 = arith.muli %parallel_loop3A_290, %parallel_loop3A_355 : i32
          %parallel_loop3A_357 = arith.constant 5120 : i32
          %parallel_loop3A_358 = arith.addi %parallel_loop3A_357, %parallel_loop3A_356 : i32
          %parallel_loop3A_359 = arith.index_cast %parallel_loop3A_358 : i32 to index
          %parallel_loop3A_360 = tpu.vector_load %arg8[%parallel_loop3A_359] {strides = array<i32>} : memref<21504xf32, #tpu.memory_space<vmem>>, vector<16xf32>,
          tpu.vector_store %arg8[%parallel_loop3A_359], %parallel_loop3A_354 {strides = array<i32>} : memref<21504xf32, #tpu.memory_space<vmem>>, vector<16xf32>,
          %parallel_loop3A_361 = arith.constant 6 : i32
          %parallel_loop3A_362 = vector.broadcast %parallel_loop3A_361 : i32 to vector<16xi32>
          %parallel_loop3A_363 = arith.addi %parallel_loop3A_300, %parallel_loop3A_362 : vector<16xi32>
          %parallel_loop3A_364 = tpu.vector_load_idx %arg5[%parallel_loop3A_363] : memref<441xf32, #tpu.memory_space<vmem>>[vector<16xi32>], vector<16xf32>,
          %parallel_loop3A_365 = arith.constant 16 : i32
          %parallel_loop3A_366 = arith.muli %parallel_loop3A_290, %parallel_loop3A_365 : i32
          %parallel_loop3A_367 = arith.constant 6144 : i32
          %parallel_loop3A_368 = arith.addi %parallel_loop3A_367, %parallel_loop3A_366 : i32
          %parallel_loop3A_369 = arith.index_cast %parallel_loop3A_368 : i32 to index
          %parallel_loop3A_370 = tpu.vector_load %arg8[%parallel_loop3A_369] {strides = array<i32>} : memref<21504xf32, #tpu.memory_space<vmem>>, vector<16xf32>,
          tpu.vector_store %arg8[%parallel_loop3A_369], %parallel_loop3A_364 {strides = array<i32>} : memref<21504xf32, #tpu.memory_space<vmem>>, vector<16xf32>,
          %parallel_loop3A_371 = arith.constant 7 : i32
          %parallel_loop3A_372 = vector.broadcast %parallel_loop3A_371 : i32 to vector<16xi32>
          %parallel_loop3A_373 = arith.addi %parallel_loop3A_300, %parallel_loop3A_372 : vector<16xi32>
          %parallel_loop3A_374 = tpu.vector_load_idx %arg5[%parallel_loop3A_373] : memref<441xf32, #tpu.memory_space<vmem>>[vector<16xi32>], vector<16xf32>,
          %parallel_loop3A_375 = arith.constant 16 : i32
          %parallel_loop3A_376 = arith.muli %parallel_loop3A_290, %parallel_loop3A_375 : i32
          %parallel_loop3A_377 = arith.constant 7168 : i32
          %parallel_loop3A_378 = arith.addi %parallel_loop3A_377, %parallel_loop3A_376 : i32
          %parallel_loop3A_379 = arith.index_cast %parallel_loop3A_378 : i32 to index
          %parallel_loop3A_380 = tpu.vector_load %arg8[%parallel_loop3A_379] {strides = array<i32>} : memref<21504xf32, #tpu.memory_space<vmem>>, vector<16xf32>,
          tpu.vector_store %arg8[%parallel_loop3A_379], %parallel_loop3A_374 {strides = array<i32>} : memref<21504xf32, #tpu.memory_space<vmem>>, vector<16xf32>,
          %parallel_loop3A_381 = arith.constant 8 : i32
          %parallel_loop3A_382 = vector.broadcast %parallel_loop3A_381 : i32 to vector<16xi32>
          %parallel_loop3A_383 = arith.addi %parallel_loop3A_300, %parallel_loop3A_382 : vector<16xi32>
          %parallel_loop3A_384 = tpu.vector_load_idx %arg5[%parallel_loop3A_383] : memref<441xf32, #tpu.memory_space<vmem>>[vector<16xi32>], vector<16xf32>,
          %parallel_loop3A_385 = arith.constant 16 : i32
          %parallel_loop3A_386 = arith.muli %parallel_loop3A_290, %parallel_loop3A_385 : i32
          %parallel_loop3A_387 = arith.constant 8192 : i32
          %parallel_loop3A_388 = arith.addi %parallel_loop3A_387, %parallel_loop3A_386 : i32
          %parallel_loop3A_389 = arith.index_cast %parallel_loop3A_388 : i32 to index
          %parallel_loop3A_390 = tpu.vector_load %arg8[%parallel_loop3A_389] {strides = array<i32>} : memref<21504xf32, #tpu.memory_space<vmem>>, vector<16xf32>,
          tpu.vector_store %arg8[%parallel_loop3A_389], %parallel_loop3A_384 {strides = array<i32>} : memref<21504xf32, #tpu.memory_space<vmem>>, vector<16xf32>,
          %parallel_loop3A_391 = arith.constant 9 : i32
          %parallel_loop3A_392 = vector.broadcast %parallel_loop3A_391 : i32 to vector<16xi32>
          %parallel_loop3A_393 = arith.addi %parallel_loop3A_300, %parallel_loop3A_392 : vector<16xi32>
          %parallel_loop3A_394 = tpu.vector_load_idx %arg5[%parallel_loop3A_393] : memref<441xf32, #tpu.memory_space<vmem>>[vector<16xi32>], vector<16xf32>,
          %parallel_loop3A_395 = arith.constant 16 : i32
          %parallel_loop3A_396 = arith.muli %parallel_loop3A_290, %parallel_loop3A_395 : i32
          %parallel_loop3A_397 = arith.constant 9216 : i32
          %parallel_loop3A_398 = arith.addi %parallel_loop3A_397, %parallel_loop3A_396 : i32
          %parallel_loop3A_399 = arith.index_cast %parallel_loop3A_398 : i32 to index
          %parallel_loop3A_400 = tpu.vector_load %arg8[%parallel_loop3A_399] {strides = array<i32>} : memref<21504xf32, #tpu.memory_space<vmem>>, vector<16xf32>,
          tpu.vector_store %arg8[%parallel_loop3A_399], %parallel_loop3A_394 {strides = array<i32>} : memref<21504xf32, #tpu.memory_space<vmem>>, vector<16xf32>,
          %parallel_loop3A_401 = arith.constant 10 : i32
          %parallel_loop3A_402 = vector.broadcast %parallel_loop3A_401 : i32 to vector<16xi32>
          %parallel_loop3A_403 = arith.addi %parallel_loop3A_300, %parallel_loop3A_402 : vector<16xi32>
          %parallel_loop3A_404 = tpu.vector_load_idx %arg5[%parallel_loop3A_403] : memref<441xf32, #tpu.memory_space<vmem>>[vector<16xi32>], vector<16xf32>,
          %parallel_loop3A_405 = arith.constant 16 : i32
          %parallel_loop3A_406 = arith.muli %parallel_loop3A_290, %parallel_loop3A_405 : i32
          %parallel_loop3A_407 = arith.constant 10240 : i32
          %parallel_loop3A_408 = arith.addi %parallel_loop3A_407, %parallel_loop3A_406 : i32
          %parallel_loop3A_409 = arith.index_cast %parallel_loop3A_408 : i32 to index
          %parallel_loop3A_410 = tpu.vector_load %arg8[%parallel_loop3A_409] {strides = array<i32>} : memref<21504xf32, #tpu.memory_space<vmem>>, vector<16xf32>,
          tpu.vector_store %arg8[%parallel_loop3A_409], %parallel_loop3A_404 {strides = array<i32>} : memref<21504xf32, #tpu.memory_space<vmem>>, vector<16xf32>,
          %parallel_loop3A_411 = arith.constant 11 : i32
          %parallel_loop3A_412 = vector.broadcast %parallel_loop3A_411 : i32 to vector<16xi32>
          %parallel_loop3A_413 = arith.addi %parallel_loop3A_300, %parallel_loop3A_412 : vector<16xi32>
          %parallel_loop3A_414 = tpu.vector_load_idx %arg5[%parallel_loop3A_413] : memref<441xf32, #tpu.memory_space<vmem>>[vector<16xi32>], vector<16xf32>,
          %parallel_loop3A_415 = arith.constant 16 : i32
          %parallel_loop3A_416 = arith.muli %parallel_loop3A_290, %parallel_loop3A_415 : i32
          %parallel_loop3A_417 = arith.constant 11264 : i32
          %parallel_loop3A_418 = arith.addi %parallel_loop3A_417, %parallel_loop3A_416 : i32
          %parallel_loop3A_419 = arith.index_cast %parallel_loop3A_418 : i32 to index
          %parallel_loop3A_420 = tpu.vector_load %arg8[%parallel_loop3A_419] {strides = array<i32>} : memref<21504xf32, #tpu.memory_space<vmem>>, vector<16xf32>,
          tpu.vector_store %arg8[%parallel_loop3A_419], %parallel_loop3A_414 {strides = array<i32>} : memref<21504xf32, #tpu.memory_space<vmem>>, vector<16xf32>,
          %parallel_loop3A_421 = arith.constant 12 : i32
          %parallel_loop3A_422 = vector.broadcast %parallel_loop3A_421 : i32 to vector<16xi32>
          %parallel_loop3A_423 = arith.addi %parallel_loop3A_300, %parallel_loop3A_422 : vector<16xi32>
          %parallel_loop3A_424 = tpu.vector_load_idx %arg5[%parallel_loop3A_423] : memref<441xf32, #tpu.memory_space<vmem>>[vector<16xi32>], vector<16xf32>,
          %parallel_loop3A_425 = arith.constant 16 : i32
          %parallel_loop3A_426 = arith.muli %parallel_loop3A_290, %parallel_loop3A_425 : i32
          %parallel_loop3A_427 = arith.constant 12288 : i32
          %parallel_loop3A_428 = arith.addi %parallel_loop3A_427, %parallel_loop3A_426 : i32
          %parallel_loop3A_429 = arith.index_cast %parallel_loop3A_428 : i32 to index
          %parallel_loop3A_430 = tpu.vector_load %arg8[%parallel_loop3A_429] {strides = array<i32>} : memref<21504xf32, #tpu.memory_space<vmem>>, vector<16xf32>,
          tpu.vector_store %arg8[%parallel_loop3A_429], %parallel_loop3A_424 {strides = array<i32>} : memref<21504xf32, #tpu.memory_space<vmem>>, vector<16xf32>,
          %parallel_loop3A_431 = arith.constant 13 : i32
          %parallel_loop3A_432 = vector.broadcast %parallel_loop3A_431 : i32 to vector<16xi32>
          %parallel_loop3A_433 = arith.addi %parallel_loop3A_300, %parallel_loop3A_432 : vector<16xi32>
          %parallel_loop3A_434 = tpu.vector_load_idx %arg5[%parallel_loop3A_433] : memref<441xf32, #tpu.memory_space<vmem>>[vector<16xi32>], vector<16xf32>,
          %parallel_loop3A_435 = arith.constant 16 : i32
          %parallel_loop3A_436 = arith.muli %parallel_loop3A_290, %parallel_loop3A_435 : i32
          %parallel_loop3A_437 = arith.constant 13312 : i32
          %parallel_loop3A_438 = arith.addi %parallel_loop3A_437, %parallel_loop3A_436 : i32
          %parallel_loop3A_439 = arith.index_cast %parallel_loop3A_438 : i32 to index
          %parallel_loop3A_440 = tpu.vector_load %arg8[%parallel_loop3A_439] {strides = array<i32>} : memref<21504xf32, #tpu.memory_space<vmem>>, vector<16xf32>,
          tpu.vector_store %arg8[%parallel_loop3A_439], %parallel_loop3A_434 {strides = array<i32>} : memref<21504xf32, #tpu.memory_space<vmem>>, vector<16xf32>,
          %parallel_loop3A_441 = arith.constant 14 : i32
          %parallel_loop3A_442 = vector.broadcast %parallel_loop3A_441 : i32 to vector<16xi32>
          %parallel_loop3A_443 = arith.addi %parallel_loop3A_300, %parallel_loop3A_442 : vector<16xi32>
          %parallel_loop3A_444 = tpu.vector_load_idx %arg5[%parallel_loop3A_443] : memref<441xf32, #tpu.memory_space<vmem>>[vector<16xi32>], vector<16xf32>,
          %parallel_loop3A_445 = arith.constant 16 : i32
          %parallel_loop3A_446 = arith.muli %parallel_loop3A_290, %parallel_loop3A_445 : i32
          %parallel_loop3A_447 = arith.constant 14336 : i32
          %parallel_loop3A_448 = arith.addi %parallel_loop3A_447, %parallel_loop3A_446 : i32
          %parallel_loop3A_449 = arith.index_cast %parallel_loop3A_448 : i32 to index
          %parallel_loop3A_450 = tpu.vector_load %arg8[%parallel_loop3A_449] {strides = array<i32>} : memref<21504xf32, #tpu.memory_space<vmem>>, vector<16xf32>,
          tpu.vector_store %arg8[%parallel_loop3A_449], %parallel_loop3A_444 {strides = array<i32>} : memref<21504xf32, #tpu.memory_space<vmem>>, vector<16xf32>,
          %parallel_loop3A_451 = arith.constant 15 : i32
          %parallel_loop3A_452 = vector.broadcast %parallel_loop3A_451 : i32 to vector<16xi32>
          %parallel_loop3A_453 = arith.addi %parallel_loop3A_300, %parallel_loop3A_452 : vector<16xi32>
          %parallel_loop3A_454 = tpu.vector_load_idx %arg5[%parallel_loop3A_453] : memref<441xf32, #tpu.memory_space<vmem>>[vector<16xi32>], vector<16xf32>,
          %parallel_loop3A_455 = arith.constant 16 : i32
          %parallel_loop3A_456 = arith.muli %parallel_loop3A_290, %parallel_loop3A_455 : i32
          %parallel_loop3A_457 = arith.constant 15360 : i32
          %parallel_loop3A_458 = arith.addi %parallel_loop3A_457, %parallel_loop3A_456 : i32
          %parallel_loop3A_459 = arith.index_cast %parallel_loop3A_458 : i32 to index
          %parallel_loop3A_460 = tpu.vector_load %arg8[%parallel_loop3A_459] {strides = array<i32>} : memref<21504xf32, #tpu.memory_space<vmem>>, vector<16xf32>,
          tpu.vector_store %arg8[%parallel_loop3A_459], %parallel_loop3A_454 {strides = array<i32>} : memref<21504xf32, #tpu.memory_space<vmem>>, vector<16xf32>,
          %parallel_loop3A_461 = arith.constant 16 : i32
          %parallel_loop3A_462 = vector.broadcast %parallel_loop3A_461 : i32 to vector<16xi32>
          %parallel_loop3A_463 = arith.addi %parallel_loop3A_300, %parallel_loop3A_462 : vector<16xi32>
          %parallel_loop3A_464 = tpu.vector_load_idx %arg5[%parallel_loop3A_463] : memref<441xf32, #tpu.memory_space<vmem>>[vector<16xi32>], vector<16xf32>,
          %parallel_loop3A_465 = arith.constant 16 : i32
          %parallel_loop3A_466 = arith.muli %parallel_loop3A_290, %parallel_loop3A_465 : i32
          %parallel_loop3A_467 = arith.constant 16384 : i32
          %parallel_loop3A_468 = arith.addi %parallel_loop3A_467, %parallel_loop3A_466 : i32
          %parallel_loop3A_469 = arith.index_cast %parallel_loop3A_468 : i32 to index
          %parallel_loop3A_470 = tpu.vector_load %arg8[%parallel_loop3A_469] {strides = array<i32>} : memref<21504xf32, #tpu.memory_space<vmem>>, vector<16xf32>,
          tpu.vector_store %arg8[%parallel_loop3A_469], %parallel_loop3A_464 {strides = array<i32>} : memref<21504xf32, #tpu.memory_space<vmem>>, vector<16xf32>,
          %parallel_loop3A_471 = arith.constant 17 : i32
          %parallel_loop3A_472 = vector.broadcast %parallel_loop3A_471 : i32 to vector<16xi32>
          %parallel_loop3A_473 = arith.addi %parallel_loop3A_300, %parallel_loop3A_472 : vector<16xi32>
          %parallel_loop3A_474 = tpu.vector_load_idx %arg5[%parallel_loop3A_473] : memref<441xf32, #tpu.memory_space<vmem>>[vector<16xi32>], vector<16xf32>,
          %parallel_loop3A_475 = arith.constant 16 : i32
          %parallel_loop3A_476 = arith.muli %parallel_loop3A_290, %parallel_loop3A_475 : i32
          %parallel_loop3A_477 = arith.constant 17408 : i32
          %parallel_loop3A_478 = arith.addi %parallel_loop3A_477, %parallel_loop3A_476 : i32
          %parallel_loop3A_479 = arith.index_cast %parallel_loop3A_478 : i32 to index
          %parallel_loop3A_480 = tpu.vector_load %arg8[%parallel_loop3A_479] {strides = array<i32>} : memref<21504xf32, #tpu.memory_space<vmem>>, vector<16xf32>,
          tpu.vector_store %arg8[%parallel_loop3A_479], %parallel_loop3A_474 {strides = array<i32>} : memref<21504xf32, #tpu.memory_space<vmem>>, vector<16xf32>,
          %parallel_loop3A_481 = arith.constant 18 : i32
          %parallel_loop3A_482 = vector.broadcast %parallel_loop3A_481 : i32 to vector<16xi32>
          %parallel_loop3A_483 = arith.addi %parallel_loop3A_300, %parallel_loop3A_482 : vector<16xi32>
          %parallel_loop3A_484 = tpu.vector_load_idx %arg5[%parallel_loop3A_483] : memref<441xf32, #tpu.memory_space<vmem>>[vector<16xi32>], vector<16xf32>,
          %parallel_loop3A_485 = arith.constant 16 : i32
          %parallel_loop3A_486 = arith.muli %parallel_loop3A_290, %parallel_loop3A_485 : i32
          %parallel_loop3A_487 = arith.constant 18432 : i32
          %parallel_loop3A_488 = arith.addi %parallel_loop3A_487, %parallel_loop3A_486 : i32
          %parallel_loop3A_489 = arith.index_cast %parallel_loop3A_488 : i32 to index
          %parallel_loop3A_490 = tpu.vector_load %arg8[%parallel_loop3A_489] {strides = array<i32>} : memref<21504xf32, #tpu.memory_space<vmem>>, vector<16xf32>,
          tpu.vector_store %arg8[%parallel_loop3A_489], %parallel_loop3A_484 {strides = array<i32>} : memref<21504xf32, #tpu.memory_space<vmem>>, vector<16xf32>,
          %parallel_loop3A_491 = arith.constant 19 : i32
          %parallel_loop3A_492 = vector.broadcast %parallel_loop3A_491 : i32 to vector<16xi32>
          %parallel_loop3A_493 = arith.addi %parallel_loop3A_300, %parallel_loop3A_492 : vector<16xi32>
          %parallel_loop3A_494 = tpu.vector_load_idx %arg5[%parallel_loop3A_493] : memref<441xf32, #tpu.memory_space<vmem>>[vector<16xi32>], vector<16xf32>,
          %parallel_loop3A_495 = arith.constant 16 : i32
          %parallel_loop3A_496 = arith.muli %parallel_loop3A_290, %parallel_loop3A_495 : i32
          %parallel_loop3A_497 = arith.constant 19456 : i32
          %parallel_loop3A_498 = arith.addi %parallel_loop3A_497, %parallel_loop3A_496 : i32
          %parallel_loop3A_499 = arith.index_cast %parallel_loop3A_498 : i32 to index
          %parallel_loop3A_500 = tpu.vector_load %arg8[%parallel_loop3A_499] {strides = array<i32>} : memref<21504xf32, #tpu.memory_space<vmem>>, vector<16xf32>,
          tpu.vector_store %arg8[%parallel_loop3A_499], %parallel_loop3A_494 {strides = array<i32>} : memref<21504xf32, #tpu.memory_space<vmem>>, vector<16xf32>,
          %parallel_loop3A_501 = arith.constant 20 : i32
          %parallel_loop3A_502 = vector.broadcast %parallel_loop3A_501 : i32 to vector<16xi32>
          %parallel_loop3A_503 = arith.addi %parallel_loop3A_300, %parallel_loop3A_502 : vector<16xi32>
          %parallel_loop3A_504 = tpu.vector_load_idx %arg5[%parallel_loop3A_503] : memref<441xf32, #tpu.memory_space<vmem>>[vector<16xi32>], vector<16xf32>,
          %parallel_loop3A_505 = arith.constant 16 : i32
          %parallel_loop3A_506 = arith.muli %parallel_loop3A_290, %parallel_loop3A_505 : i32
          %parallel_loop3A_507 = arith.constant 20480 : i32
          %parallel_loop3A_508 = arith.addi %parallel_loop3A_507, %parallel_loop3A_506 : i32
          %parallel_loop3A_509 = arith.index_cast %parallel_loop3A_508 : i32 to index
          %parallel_loop3A_510 = tpu.vector_load %arg8[%parallel_loop3A_509] {strides = array<i32>} : memref<21504xf32, #tpu.memory_space<vmem>>, vector<16xf32>,
          tpu.vector_store %arg8[%parallel_loop3A_509], %parallel_loop3A_504 {strides = array<i32>} : memref<21504xf32, #tpu.memory_space<vmem>>, vector<16xf32>,
        } {sc.loop_unroll_factor = 2 : i64, sc.parallel_access}
        %add3A_59 = arith.constant 0 : i32
        %add3A_60 = arith.addi %add3A_59, %mul3A_2 : i32
        %mul3A_61 = arith.constant 1024 : i32
        %mul3A_62 = arith.muli %add3A_36, %mul3A_61 : i32
        %add3A_63 = arith.addi %add3A_60, %mul3A_62 : i32
        %dma_start3A_64 = arith.constant 0 : i32
        %dma_start3A_65 = tpu.memref_slice %arg8[%dma_start3A_64] : memref<21504xf32, #tpu.memory_space<vmem>> -> memref<1024xf32, #tpu.memory_space<vmem>>
        %dma_start3A_66 = tpu.memref_slice %arg4[%add3A_63] : memref<17203200xf32, #tpu.memory_space<hbm>> -> memref<1024xf32, #tpu.memory_space<hbm>>
        %dma_start3A_67 = tpu.memref_slice %arg4[%add3A_63] : memref<17203200xf32, #tpu.memory_space<hbm>> -> memref<1024xf32, #tpu.memory_space<hbm>>
        %dma_start3A_68 = arith.constant 0 : i32
        %dma_start3A_69 = tpu.memref_slice %arg8[%dma_start3A_68] : memref<21504xf32, #tpu.memory_space<vmem>> -> memref<1024xf32, #tpu.memory_space<vmem>>
        tpu.enqueue_dma source(%dma_start3A_69 : memref<1024xf32, #tpu.memory_space<vmem>>) target(%dma_start3A_67 : memref<1024xf32, #tpu.memory_space<hbm>>) target_semaphore(%arg10 : memref<!tpu.dma_semaphore, #tpu.memory_space<semaphore_mem>>)
        %add3A_70 = arith.constant 819200 : i32
        %add3A_71 = arith.addi %add3A_70, %mul3A_2 : i32
        %mul3A_72 = arith.constant 1024 : i32
        %mul3A_73 = arith.muli %add3A_36, %mul3A_72 : i32
        %add3A_74 = arith.addi %add3A_71, %mul3A_73 : i32
        %dma_start3A_75 = arith.constant 1024 : i32
        %dma_start3A_76 = tpu.memref_slice %arg8[%dma_start3A_75] : memref<21504xf32, #tpu.memory_space<vmem>> -> memref<1024xf32, #tpu.memory_space<vmem>>
        %dma_start3A_77 = tpu.memref_slice %arg4[%add3A_74] : memref<17203200xf32, #tpu.memory_space<hbm>> -> memref<1024xf32, #tpu.memory_space<hbm>>
        %dma_start3A_78 = tpu.memref_slice %arg4[%add3A_74] : memref<17203200xf32, #tpu.memory_space<hbm>> -> memref<1024xf32, #tpu.memory_space<hbm>>
        %dma_start3A_79 = arith.constant 1024 : i32
        %dma_start3A_80 = tpu.memref_slice %arg8[%dma_start3A_79] : memref<21504xf32, #tpu.memory_space<vmem>> -> memref<1024xf32, #tpu.memory_space<vmem>>
        tpu.enqueue_dma source(%dma_start3A_80 : memref<1024xf32, #tpu.memory_space<vmem>>) target(%dma_start3A_78 : memref<1024xf32, #tpu.memory_space<hbm>>) target_semaphore(%arg10 : memref<!tpu.dma_semaphore, #tpu.memory_space<semaphore_mem>>)
        %add3A_81 = arith.constant 1638400 : i32
        %add3A_82 = arith.addi %add3A_81, %mul3A_2 : i32
        %mul3A_83 = arith.constant 1024 : i32
        %mul3A_84 = arith.muli %add3A_36, %mul3A_83 : i32
        %add3A_85 = arith.addi %add3A_82, %mul3A_84 : i32
        %dma_start3A_86 = arith.constant 2048 : i32
        %dma_start3A_87 = tpu.memref_slice %arg8[%dma_start3A_86] : memref<21504xf32, #tpu.memory_space<vmem>> -> memref<1024xf32, #tpu.memory_space<vmem>>
        %dma_start3A_88 = tpu.memref_slice %arg4[%add3A_85] : memref<17203200xf32, #tpu.memory_space<hbm>> -> memref<1024xf32, #tpu.memory_space<hbm>>
        %dma_start3A_89 = tpu.memref_slice %arg4[%add3A_85] : memref<17203200xf32, #tpu.memory_space<hbm>> -> memref<1024xf32, #tpu.memory_space<hbm>>
        %dma_start3A_90 = arith.constant 2048 : i32
        %dma_start3A_91 = tpu.memref_slice %arg8[%dma_start3A_90] : memref<21504xf32, #tpu.memory_space<vmem>> -> memref<1024xf32, #tpu.memory_space<vmem>>
        tpu.enqueue_dma source(%dma_start3A_91 : memref<1024xf32, #tpu.memory_space<vmem>>) target(%dma_start3A_89 : memref<1024xf32, #tpu.memory_space<hbm>>) target_semaphore(%arg10 : memref<!tpu.dma_semaphore, #tpu.memory_space<semaphore_mem>>)
        %add3A_92 = arith.constant 2457600 : i32
        %add3A_93 = arith.addi %add3A_92, %mul3A_2 : i32
        %mul3A_94 = arith.constant 1024 : i32
        %mul3A_95 = arith.muli %add3A_36, %mul3A_94 : i32
        %add3A_96 = arith.addi %add3A_93, %mul3A_95 : i32
        %dma_start3A_97 = arith.constant 3072 : i32
        %dma_start3A_98 = tpu.memref_slice %arg8[%dma_start3A_97] : memref<21504xf32, #tpu.memory_space<vmem>> -> memref<1024xf32, #tpu.memory_space<vmem>>
        %dma_start3A_99 = tpu.memref_slice %arg4[%add3A_96] : memref<17203200xf32, #tpu.memory_space<hbm>> -> memref<1024xf32, #tpu.memory_space<hbm>>
        %dma_start3A_100 = tpu.memref_slice %arg4[%add3A_96] : memref<17203200xf32, #tpu.memory_space<hbm>> -> memref<1024xf32, #tpu.memory_space<hbm>>
        %dma_start3A_101 = arith.constant 3072 : i32
        %dma_start3A_102 = tpu.memref_slice %arg8[%dma_start3A_101] : memref<21504xf32, #tpu.memory_space<vmem>> -> memref<1024xf32, #tpu.memory_space<vmem>>
        tpu.enqueue_dma source(%dma_start3A_102 : memref<1024xf32, #tpu.memory_space<vmem>>) target(%dma_start3A_100 : memref<1024xf32, #tpu.memory_space<hbm>>) target_semaphore(%arg10 : memref<!tpu.dma_semaphore, #tpu.memory_space<semaphore_mem>>)
        %add3A_103 = arith.constant 3276800 : i32
        %add3A_104 = arith.addi %add3A_103, %mul3A_2 : i32
        %mul3A_105 = arith.constant 1024 : i32
        %mul3A_106 = arith.muli %add3A_36, %mul3A_105 : i32
        %add3A_107 = arith.addi %add3A_104, %mul3A_106 : i32
        %dma_start3A_108 = arith.constant 4096 : i32
        %dma_start3A_109 = tpu.memref_slice %arg8[%dma_start3A_108] : memref<21504xf32, #tpu.memory_space<vmem>> -> memref<1024xf32, #tpu.memory_space<vmem>>
        %dma_start3A_110 = tpu.memref_slice %arg4[%add3A_107] : memref<17203200xf32, #tpu.memory_space<hbm>> -> memref<1024xf32, #tpu.memory_space<hbm>>
        %dma_start3A_111 = tpu.memref_slice %arg4[%add3A_107] : memref<17203200xf32, #tpu.memory_space<hbm>> -> memref<1024xf32, #tpu.memory_space<hbm>>
        %dma_start3A_112 = arith.constant 4096 : i32
        %dma_start3A_113 = tpu.memref_slice %arg8[%dma_start3A_112] : memref<21504xf32, #tpu.memory_space<vmem>> -> memref<1024xf32, #tpu.memory_space<vmem>>
        tpu.enqueue_dma source(%dma_start3A_113 : memref<1024xf32, #tpu.memory_space<vmem>>) target(%dma_start3A_111 : memref<1024xf32, #tpu.memory_space<hbm>>) target_semaphore(%arg10 : memref<!tpu.dma_semaphore, #tpu.memory_space<semaphore_mem>>)
        %add3A_114 = arith.constant 4096000 : i32
        %add3A_115 = arith.addi %add3A_114, %mul3A_2 : i32
        %mul3A_116 = arith.constant 1024 : i32
        %mul3A_117 = arith.muli %add3A_36, %mul3A_116 : i32
        %add3A_118 = arith.addi %add3A_115, %mul3A_117 : i32
        %dma_start3A_119 = arith.constant 5120 : i32
        %dma_start3A_120 = tpu.memref_slice %arg8[%dma_start3A_119] : memref<21504xf32, #tpu.memory_space<vmem>> -> memref<1024xf32, #tpu.memory_space<vmem>>
        %dma_start3A_121 = tpu.memref_slice %arg4[%add3A_118] : memref<17203200xf32, #tpu.memory_space<hbm>> -> memref<1024xf32, #tpu.memory_space<hbm>>
        %dma_start3A_122 = tpu.memref_slice %arg4[%add3A_118] : memref<17203200xf32, #tpu.memory_space<hbm>> -> memref<1024xf32, #tpu.memory_space<hbm>>
        %dma_start3A_123 = arith.constant 5120 : i32
        %dma_start3A_124 = tpu.memref_slice %arg8[%dma_start3A_123] : memref<21504xf32, #tpu.memory_space<vmem>> -> memref<1024xf32, #tpu.memory_space<vmem>>
        tpu.enqueue_dma source(%dma_start3A_124 : memref<1024xf32, #tpu.memory_space<vmem>>) target(%dma_start3A_122 : memref<1024xf32, #tpu.memory_space<hbm>>) target_semaphore(%arg10 : memref<!tpu.dma_semaphore, #tpu.memory_space<semaphore_mem>>)
        %add3A_125 = arith.constant 4915200 : i32
        %add3A_126 = arith.addi %add3A_125, %mul3A_2 : i32
        %mul3A_127 = arith.constant 1024 : i32
        %mul3A_128 = arith.muli %add3A_36, %mul3A_127 : i32
        %add3A_129 = arith.addi %add3A_126, %mul3A_128 : i32
        %dma_start3A_130 = arith.constant 6144 : i32
        %dma_start3A_131 = tpu.memref_slice %arg8[%dma_start3A_130] : memref<21504xf32, #tpu.memory_space<vmem>> -> memref<1024xf32, #tpu.memory_space<vmem>>
        %dma_start3A_132 = tpu.memref_slice %arg4[%add3A_129] : memref<17203200xf32, #tpu.memory_space<hbm>> -> memref<1024xf32, #tpu.memory_space<hbm>>
        %dma_start3A_133 = tpu.memref_slice %arg4[%add3A_129] : memref<17203200xf32, #tpu.memory_space<hbm>> -> memref<1024xf32, #tpu.memory_space<hbm>>
        %dma_start3A_134 = arith.constant 6144 : i32
        %dma_start3A_135 = tpu.memref_slice %arg8[%dma_start3A_134] : memref<21504xf32, #tpu.memory_space<vmem>> -> memref<1024xf32, #tpu.memory_space<vmem>>
        tpu.enqueue_dma source(%dma_start3A_135 : memref<1024xf32, #tpu.memory_space<vmem>>) target(%dma_start3A_133 : memref<1024xf32, #tpu.memory_space<hbm>>) target_semaphore(%arg10 : memref<!tpu.dma_semaphore, #tpu.memory_space<semaphore_mem>>)
        %add3A_136 = arith.constant 5734400 : i32
        %add3A_137 = arith.addi %add3A_136, %mul3A_2 : i32
        %mul3A_138 = arith.constant 1024 : i32
        %mul3A_139 = arith.muli %add3A_36, %mul3A_138 : i32
        %add3A_140 = arith.addi %add3A_137, %mul3A_139 : i32
        %dma_start3A_141 = arith.constant 7168 : i32
        %dma_start3A_142 = tpu.memref_slice %arg8[%dma_start3A_141] : memref<21504xf32, #tpu.memory_space<vmem>> -> memref<1024xf32, #tpu.memory_space<vmem>>
        %dma_start3A_143 = tpu.memref_slice %arg4[%add3A_140] : memref<17203200xf32, #tpu.memory_space<hbm>> -> memref<1024xf32, #tpu.memory_space<hbm>>
        %dma_start3A_144 = tpu.memref_slice %arg4[%add3A_140] : memref<17203200xf32, #tpu.memory_space<hbm>> -> memref<1024xf32, #tpu.memory_space<hbm>>
        %dma_start3A_145 = arith.constant 7168 : i32
        %dma_start3A_146 = tpu.memref_slice %arg8[%dma_start3A_145] : memref<21504xf32, #tpu.memory_space<vmem>> -> memref<1024xf32, #tpu.memory_space<vmem>>
        tpu.enqueue_dma source(%dma_start3A_146 : memref<1024xf32, #tpu.memory_space<vmem>>) target(%dma_start3A_144 : memref<1024xf32, #tpu.memory_space<hbm>>) target_semaphore(%arg10 : memref<!tpu.dma_semaphore, #tpu.memory_space<semaphore_mem>>)
        %add3A_147 = arith.constant 6553600 : i32
        %add3A_148 = arith.addi %add3A_147, %mul3A_2 : i32
        %mul3A_149 = arith.constant 1024 : i32
        %mul3A_150 = arith.muli %add3A_36, %mul3A_149 : i32
        %add3A_151 = arith.addi %add3A_148, %mul3A_150 : i32
        %dma_start3A_152 = arith.constant 8192 : i32
        %dma_start3A_153 = tpu.memref_slice %arg8[%dma_start3A_152] : memref<21504xf32, #tpu.memory_space<vmem>> -> memref<1024xf32, #tpu.memory_space<vmem>>
        %dma_start3A_154 = tpu.memref_slice %arg4[%add3A_151] : memref<17203200xf32, #tpu.memory_space<hbm>> -> memref<1024xf32, #tpu.memory_space<hbm>>
        %dma_start3A_155 = tpu.memref_slice %arg4[%add3A_151] : memref<17203200xf32, #tpu.memory_space<hbm>> -> memref<1024xf32, #tpu.memory_space<hbm>>
        %dma_start3A_156 = arith.constant 8192 : i32
        %dma_start3A_157 = tpu.memref_slice %arg8[%dma_start3A_156] : memref<21504xf32, #tpu.memory_space<vmem>> -> memref<1024xf32, #tpu.memory_space<vmem>>
        tpu.enqueue_dma source(%dma_start3A_157 : memref<1024xf32, #tpu.memory_space<vmem>>) target(%dma_start3A_155 : memref<1024xf32, #tpu.memory_space<hbm>>) target_semaphore(%arg10 : memref<!tpu.dma_semaphore, #tpu.memory_space<semaphore_mem>>)
        %add3A_158 = arith.constant 7372800 : i32
        %add3A_159 = arith.addi %add3A_158, %mul3A_2 : i32
        %mul3A_160 = arith.constant 1024 : i32
        %mul3A_161 = arith.muli %add3A_36, %mul3A_160 : i32
        %add3A_162 = arith.addi %add3A_159, %mul3A_161 : i32
        %dma_start3A_163 = arith.constant 9216 : i32
        %dma_start3A_164 = tpu.memref_slice %arg8[%dma_start3A_163] : memref<21504xf32, #tpu.memory_space<vmem>> -> memref<1024xf32, #tpu.memory_space<vmem>>
        %dma_start3A_165 = tpu.memref_slice %arg4[%add3A_162] : memref<17203200xf32, #tpu.memory_space<hbm>> -> memref<1024xf32, #tpu.memory_space<hbm>>
        %dma_start3A_166 = tpu.memref_slice %arg4[%add3A_162] : memref<17203200xf32, #tpu.memory_space<hbm>> -> memref<1024xf32, #tpu.memory_space<hbm>>
        %dma_start3A_167 = arith.constant 9216 : i32
        %dma_start3A_168 = tpu.memref_slice %arg8[%dma_start3A_167] : memref<21504xf32, #tpu.memory_space<vmem>> -> memref<1024xf32, #tpu.memory_space<vmem>>
        tpu.enqueue_dma source(%dma_start3A_168 : memref<1024xf32, #tpu.memory_space<vmem>>) target(%dma_start3A_166 : memref<1024xf32, #tpu.memory_space<hbm>>) target_semaphore(%arg10 : memref<!tpu.dma_semaphore, #tpu.memory_space<semaphore_mem>>)
        %add3A_169 = arith.constant 8192000 : i32
        %add3A_170 = arith.addi %add3A_169, %mul3A_2 : i32
        %mul3A_171 = arith.constant 1024 : i32
        %mul3A_172 = arith.muli %add3A_36, %mul3A_171 : i32
        %add3A_173 = arith.addi %add3A_170, %mul3A_172 : i32
        %dma_start3A_174 = arith.constant 10240 : i32
        %dma_start3A_175 = tpu.memref_slice %arg8[%dma_start3A_174] : memref<21504xf32, #tpu.memory_space<vmem>> -> memref<1024xf32, #tpu.memory_space<vmem>>
        %dma_start3A_176 = tpu.memref_slice %arg4[%add3A_173] : memref<17203200xf32, #tpu.memory_space<hbm>> -> memref<1024xf32, #tpu.memory_space<hbm>>
        %dma_start3A_177 = tpu.memref_slice %arg4[%add3A_173] : memref<17203200xf32, #tpu.memory_space<hbm>> -> memref<1024xf32, #tpu.memory_space<hbm>>
        %dma_start3A_178 = arith.constant 10240 : i32
        %dma_start3A_179 = tpu.memref_slice %arg8[%dma_start3A_178] : memref<21504xf32, #tpu.memory_space<vmem>> -> memref<1024xf32, #tpu.memory_space<vmem>>
        tpu.enqueue_dma source(%dma_start3A_179 : memref<1024xf32, #tpu.memory_space<vmem>>) target(%dma_start3A_177 : memref<1024xf32, #tpu.memory_space<hbm>>) target_semaphore(%arg10 : memref<!tpu.dma_semaphore, #tpu.memory_space<semaphore_mem>>)
        %add3A_180 = arith.constant 9011200 : i32
        %add3A_181 = arith.addi %add3A_180, %mul3A_2 : i32
        %mul3A_182 = arith.constant 1024 : i32
        %mul3A_183 = arith.muli %add3A_36, %mul3A_182 : i32
        %add3A_184 = arith.addi %add3A_181, %mul3A_183 : i32
        %dma_start3A_185 = arith.constant 11264 : i32
        %dma_start3A_186 = tpu.memref_slice %arg8[%dma_start3A_185] : memref<21504xf32, #tpu.memory_space<vmem>> -> memref<1024xf32, #tpu.memory_space<vmem>>
        %dma_start3A_187 = tpu.memref_slice %arg4[%add3A_184] : memref<17203200xf32, #tpu.memory_space<hbm>> -> memref<1024xf32, #tpu.memory_space<hbm>>
        %dma_start3A_188 = tpu.memref_slice %arg4[%add3A_184] : memref<17203200xf32, #tpu.memory_space<hbm>> -> memref<1024xf32, #tpu.memory_space<hbm>>
        %dma_start3A_189 = arith.constant 11264 : i32
        %dma_start3A_190 = tpu.memref_slice %arg8[%dma_start3A_189] : memref<21504xf32, #tpu.memory_space<vmem>> -> memref<1024xf32, #tpu.memory_space<vmem>>
        tpu.enqueue_dma source(%dma_start3A_190 : memref<1024xf32, #tpu.memory_space<vmem>>) target(%dma_start3A_188 : memref<1024xf32, #tpu.memory_space<hbm>>) target_semaphore(%arg10 : memref<!tpu.dma_semaphore, #tpu.memory_space<semaphore_mem>>)
        %add3A_191 = arith.constant 9830400 : i32
        %add3A_192 = arith.addi %add3A_191, %mul3A_2 : i32
        %mul3A_193 = arith.constant 1024 : i32
        %mul3A_194 = arith.muli %add3A_36, %mul3A_193 : i32
        %add3A_195 = arith.addi %add3A_192, %mul3A_194 : i32
        %dma_start3A_196 = arith.constant 12288 : i32
        %dma_start3A_197 = tpu.memref_slice %arg8[%dma_start3A_196] : memref<21504xf32, #tpu.memory_space<vmem>> -> memref<1024xf32, #tpu.memory_space<vmem>>
        %dma_start3A_198 = tpu.memref_slice %arg4[%add3A_195] : memref<17203200xf32, #tpu.memory_space<hbm>> -> memref<1024xf32, #tpu.memory_space<hbm>>
        %dma_start3A_199 = tpu.memref_slice %arg4[%add3A_195] : memref<17203200xf32, #tpu.memory_space<hbm>> -> memref<1024xf32, #tpu.memory_space<hbm>>
        %dma_start3A_200 = arith.constant 12288 : i32
        %dma_start3A_201 = tpu.memref_slice %arg8[%dma_start3A_200] : memref<21504xf32, #tpu.memory_space<vmem>> -> memref<1024xf32, #tpu.memory_space<vmem>>
        tpu.enqueue_dma source(%dma_start3A_201 : memref<1024xf32, #tpu.memory_space<vmem>>) target(%dma_start3A_199 : memref<1024xf32, #tpu.memory_space<hbm>>) target_semaphore(%arg10 : memref<!tpu.dma_semaphore, #tpu.memory_space<semaphore_mem>>)
        %add3A_202 = arith.constant 10649600 : i32
        %add3A_203 = arith.addi %add3A_202, %mul3A_2 : i32
        %mul3A_204 = arith.constant 1024 : i32
        %mul3A_205 = arith.muli %add3A_36, %mul3A_204 : i32
        %add3A_206 = arith.addi %add3A_203, %mul3A_205 : i32
        %dma_start3A_207 = arith.constant 13312 : i32
        %dma_start3A_208 = tpu.memref_slice %arg8[%dma_start3A_207] : memref<21504xf32, #tpu.memory_space<vmem>> -> memref<1024xf32, #tpu.memory_space<vmem>>
        %dma_start3A_209 = tpu.memref_slice %arg4[%add3A_206] : memref<17203200xf32, #tpu.memory_space<hbm>> -> memref<1024xf32, #tpu.memory_space<hbm>>
        %dma_start3A_210 = tpu.memref_slice %arg4[%add3A_206] : memref<17203200xf32, #tpu.memory_space<hbm>> -> memref<1024xf32, #tpu.memory_space<hbm>>
        %dma_start3A_211 = arith.constant 13312 : i32
        %dma_start3A_212 = tpu.memref_slice %arg8[%dma_start3A_211] : memref<21504xf32, #tpu.memory_space<vmem>> -> memref<1024xf32, #tpu.memory_space<vmem>>
        tpu.enqueue_dma source(%dma_start3A_212 : memref<1024xf32, #tpu.memory_space<vmem>>) target(%dma_start3A_210 : memref<1024xf32, #tpu.memory_space<hbm>>) target_semaphore(%arg10 : memref<!tpu.dma_semaphore, #tpu.memory_space<semaphore_mem>>)
        %add3A_213 = arith.constant 11468800 : i32
        %add3A_214 = arith.addi %add3A_213, %mul3A_2 : i32
        %mul3A_215 = arith.constant 1024 : i32
        %mul3A_216 = arith.muli %add3A_36, %mul3A_215 : i32
        %add3A_217 = arith.addi %add3A_214, %mul3A_216 : i32
        %dma_start3A_218 = arith.constant 14336 : i32
        %dma_start3A_219 = tpu.memref_slice %arg8[%dma_start3A_218] : memref<21504xf32, #tpu.memory_space<vmem>> -> memref<1024xf32, #tpu.memory_space<vmem>>
        %dma_start3A_220 = tpu.memref_slice %arg4[%add3A_217] : memref<17203200xf32, #tpu.memory_space<hbm>> -> memref<1024xf32, #tpu.memory_space<hbm>>
        %dma_start3A_221 = tpu.memref_slice %arg4[%add3A_217] : memref<17203200xf32, #tpu.memory_space<hbm>> -> memref<1024xf32, #tpu.memory_space<hbm>>
        %dma_start3A_222 = arith.constant 14336 : i32
        %dma_start3A_223 = tpu.memref_slice %arg8[%dma_start3A_222] : memref<21504xf32, #tpu.memory_space<vmem>> -> memref<1024xf32, #tpu.memory_space<vmem>>
        tpu.enqueue_dma source(%dma_start3A_223 : memref<1024xf32, #tpu.memory_space<vmem>>) target(%dma_start3A_221 : memref<1024xf32, #tpu.memory_space<hbm>>) target_semaphore(%arg10 : memref<!tpu.dma_semaphore, #tpu.memory_space<semaphore_mem>>)
        %add3A_224 = arith.constant 12288000 : i32
        %add3A_225 = arith.addi %add3A_224, %mul3A_2 : i32
        %mul3A_226 = arith.constant 1024 : i32
        %mul3A_227 = arith.muli %add3A_36, %mul3A_226 : i32
        %add3A_228 = arith.addi %add3A_225, %mul3A_227 : i32
        %dma_start3A_229 = arith.constant 15360 : i32
        %dma_start3A_230 = tpu.memref_slice %arg8[%dma_start3A_229] : memref<21504xf32, #tpu.memory_space<vmem>> -> memref<1024xf32, #tpu.memory_space<vmem>>
        %dma_start3A_231 = tpu.memref_slice %arg4[%add3A_228] : memref<17203200xf32, #tpu.memory_space<hbm>> -> memref<1024xf32, #tpu.memory_space<hbm>>
        %dma_start3A_232 = tpu.memref_slice %arg4[%add3A_228] : memref<17203200xf32, #tpu.memory_space<hbm>> -> memref<1024xf32, #tpu.memory_space<hbm>>
        %dma_start3A_233 = arith.constant 15360 : i32
        %dma_start3A_234 = tpu.memref_slice %arg8[%dma_start3A_233] : memref<21504xf32, #tpu.memory_space<vmem>> -> memref<1024xf32, #tpu.memory_space<vmem>>
        tpu.enqueue_dma source(%dma_start3A_234 : memref<1024xf32, #tpu.memory_space<vmem>>) target(%dma_start3A_232 : memref<1024xf32, #tpu.memory_space<hbm>>) target_semaphore(%arg10 : memref<!tpu.dma_semaphore, #tpu.memory_space<semaphore_mem>>)
        %add3A_235 = arith.constant 13107200 : i32
        %add3A_236 = arith.addi %add3A_235, %mul3A_2 : i32
        %mul3A_237 = arith.constant 1024 : i32
        %mul3A_238 = arith.muli %add3A_36, %mul3A_237 : i32
        %add3A_239 = arith.addi %add3A_236, %mul3A_238 : i32
        %dma_start3A_240 = arith.constant 16384 : i32
        %dma_start3A_241 = tpu.memref_slice %arg8[%dma_start3A_240] : memref<21504xf32, #tpu.memory_space<vmem>> -> memref<1024xf32, #tpu.memory_space<vmem>>
        %dma_start3A_242 = tpu.memref_slice %arg4[%add3A_239] : memref<17203200xf32, #tpu.memory_space<hbm>> -> memref<1024xf32, #tpu.memory_space<hbm>>
        %dma_start3A_243 = tpu.memref_slice %arg4[%add3A_239] : memref<17203200xf32, #tpu.memory_space<hbm>> -> memref<1024xf32, #tpu.memory_space<hbm>>
        %dma_start3A_244 = arith.constant 16384 : i32
        %dma_start3A_245 = tpu.memref_slice %arg8[%dma_start3A_244] : memref<21504xf32, #tpu.memory_space<vmem>> -> memref<1024xf32, #tpu.memory_space<vmem>>
        tpu.enqueue_dma source(%dma_start3A_245 : memref<1024xf32, #tpu.memory_space<vmem>>) target(%dma_start3A_243 : memref<1024xf32, #tpu.memory_space<hbm>>) target_semaphore(%arg10 : memref<!tpu.dma_semaphore, #tpu.memory_space<semaphore_mem>>)
        %add3A_246 = arith.constant 13926400 : i32
        %add3A_247 = arith.addi %add3A_246, %mul3A_2 : i32
        %mul3A_248 = arith.constant 1024 : i32
        %mul3A_249 = arith.muli %add3A_36, %mul3A_248 : i32
        %add3A_250 = arith.addi %add3A_247, %mul3A_249 : i32
        %dma_start3A_251 = arith.constant 17408 : i32
        %dma_start3A_252 = tpu.memref_slice %arg8[%dma_start3A_251] : memref<21504xf32, #tpu.memory_space<vmem>> -> memref<1024xf32, #tpu.memory_space<vmem>>
        %dma_start3A_253 = tpu.memref_slice %arg4[%add3A_250] : memref<17203200xf32, #tpu.memory_space<hbm>> -> memref<1024xf32, #tpu.memory_space<hbm>>
        %dma_start3A_254 = tpu.memref_slice %arg4[%add3A_250] : memref<17203200xf32, #tpu.memory_space<hbm>> -> memref<1024xf32, #tpu.memory_space<hbm>>
        %dma_start3A_255 = arith.constant 17408 : i32
        %dma_start3A_256 = tpu.memref_slice %arg8[%dma_start3A_255] : memref<21504xf32, #tpu.memory_space<vmem>> -> memref<1024xf32, #tpu.memory_space<vmem>>
        tpu.enqueue_dma source(%dma_start3A_256 : memref<1024xf32, #tpu.memory_space<vmem>>) target(%dma_start3A_254 : memref<1024xf32, #tpu.memory_space<hbm>>) target_semaphore(%arg10 : memref<!tpu.dma_semaphore, #tpu.memory_space<semaphore_mem>>)
        %add3A_257 = arith.constant 14745600 : i32
        %add3A_258 = arith.addi %add3A_257, %mul3A_2 : i32
        %mul3A_259 = arith.constant 1024 : i32
        %mul3A_260 = arith.muli %add3A_36, %mul3A_259 : i32
        %add3A_261 = arith.addi %add3A_258, %mul3A_260 : i32
        %dma_start3A_262 = arith.constant 18432 : i32
        %dma_start3A_263 = tpu.memref_slice %arg8[%dma_start3A_262] : memref<21504xf32, #tpu.memory_space<vmem>> -> memref<1024xf32, #tpu.memory_space<vmem>>
        %dma_start3A_264 = tpu.memref_slice %arg4[%add3A_261] : memref<17203200xf32, #tpu.memory_space<hbm>> -> memref<1024xf32, #tpu.memory_space<hbm>>
        %dma_start3A_265 = tpu.memref_slice %arg4[%add3A_261] : memref<17203200xf32, #tpu.memory_space<hbm>> -> memref<1024xf32, #tpu.memory_space<hbm>>
        %dma_start3A_266 = arith.constant 18432 : i32
        %dma_start3A_267 = tpu.memref_slice %arg8[%dma_start3A_266] : memref<21504xf32, #tpu.memory_space<vmem>> -> memref<1024xf32, #tpu.memory_space<vmem>>
        tpu.enqueue_dma source(%dma_start3A_267 : memref<1024xf32, #tpu.memory_space<vmem>>) target(%dma_start3A_265 : memref<1024xf32, #tpu.memory_space<hbm>>) target_semaphore(%arg10 : memref<!tpu.dma_semaphore, #tpu.memory_space<semaphore_mem>>)
        %add3A_268 = arith.constant 15564800 : i32
        %add3A_269 = arith.addi %add3A_268, %mul3A_2 : i32
        %mul3A_270 = arith.constant 1024 : i32
        %mul3A_271 = arith.muli %add3A_36, %mul3A_270 : i32
        %add3A_272 = arith.addi %add3A_269, %mul3A_271 : i32
        %dma_start3A_273 = arith.constant 19456 : i32
        %dma_start3A_274 = tpu.memref_slice %arg8[%dma_start3A_273] : memref<21504xf32, #tpu.memory_space<vmem>> -> memref<1024xf32, #tpu.memory_space<vmem>>
        %dma_start3A_275 = tpu.memref_slice %arg4[%add3A_272] : memref<17203200xf32, #tpu.memory_space<hbm>> -> memref<1024xf32, #tpu.memory_space<hbm>>
        %dma_start3A_276 = tpu.memref_slice %arg4[%add3A_272] : memref<17203200xf32, #tpu.memory_space<hbm>> -> memref<1024xf32, #tpu.memory_space<hbm>>
        %dma_start3A_277 = arith.constant 19456 : i32
        %dma_start3A_278 = tpu.memref_slice %arg8[%dma_start3A_277] : memref<21504xf32, #tpu.memory_space<vmem>> -> memref<1024xf32, #tpu.memory_space<vmem>>
        tpu.enqueue_dma source(%dma_start3A_278 : memref<1024xf32, #tpu.memory_space<vmem>>) target(%dma_start3A_276 : memref<1024xf32, #tpu.memory_space<hbm>>) target_semaphore(%arg10 : memref<!tpu.dma_semaphore, #tpu.memory_space<semaphore_mem>>)
        %add3A_279 = arith.constant 16384000 : i32
        %add3A_280 = arith.addi %add3A_279, %mul3A_2 : i32
        %mul3A_281 = arith.constant 1024 : i32
        %mul3A_282 = arith.muli %add3A_36, %mul3A_281 : i32
        %add3A_283 = arith.addi %add3A_280, %mul3A_282 : i32
        %dma_start3A_284 = arith.constant 20480 : i32
        %dma_start3A_285 = tpu.memref_slice %arg8[%dma_start3A_284] : memref<21504xf32, #tpu.memory_space<vmem>> -> memref<1024xf32, #tpu.memory_space<vmem>>
        %dma_start3A_286 = tpu.memref_slice %arg4[%add3A_283] : memref<17203200xf32, #tpu.memory_space<hbm>> -> memref<1024xf32, #tpu.memory_space<hbm>>
        %dma_start3A_287 = tpu.memref_slice %arg4[%add3A_283] : memref<17203200xf32, #tpu.memory_space<hbm>> -> memref<1024xf32, #tpu.memory_space<hbm>>
        %dma_start3A_288 = arith.constant 20480 : i32
        %dma_start3A_289 = tpu.memref_slice %arg8[%dma_start3A_288] : memref<21504xf32, #tpu.memory_space<vmem>> -> memref<1024xf32, #tpu.memory_space<vmem>>
        tpu.enqueue_dma source(%dma_start3A_289 : memref<1024xf32, #tpu.memory_space<vmem>>) target(%dma_start3A_287 : memref<1024xf32, #tpu.memory_space<hbm>>) target_semaphore(%arg10 : memref<!tpu.dma_semaphore, #tpu.memory_space<semaphore_mem>>)
      } else {
      }
    }
    %scan3A_14 = arith.constant 14 : i32
    return
  }
}

</mosaic_0001>

<sc_bundles>
// kernel: kernel.3.cloned.1.call-start
scs
__scs_entry_jumppad:
0x0: {  	(pc) =	sbr.rel $0x88, $3  }
0x1: {  	(tag) =	ssettag $0x0;
	lr =	simm.s32 $0x1  }
0x2: {  	[smem:$0x3F9F] =	sst lr;
	_ =	strace $0xD0000000  }
0x3: {  	_ = 	snop  }
0x4: {  	_ = 	snop  }
0x5: {  	_ = 	snop  }
0x6: {  	_ = 	snop  }
0x7: {  	_ = 	snop  }
__scs_overlays_trampoline_lowered:
0x8: {  	[smem:$0x3FAE] =	sst s0  }
0x9: {  	[smem:$0x3FAF] =	sst s1  }
0xa: {  	[smem:$0x3FB0] =	sst s2  }
0xb: {  	[smem:$0x3FB1] =	sst s3  }
0xc: {  	[smem:$0x3FB2] =	sst s4  }
0xd: {  	[smem:$0x3FB3] =	sst s5  }
0xe: {  	[smem:$0x3FB4] =	sst s6  }
0xf: {  	[smem:$0x3FB5] =	sst s7  }
0x10: {  	[smem:$0x3FB6] =	sst s8  }
0x11: {  	[smem:$0x3FB7] =	sst s9;
	s0 =	simm.s32 @!p0 $0x0  }
0x12: {  	s1 =	sld [smem:$0x3F9D];
	s0 =	simm.s32 @p0 $0x1  }
0x13: {  	[smem:$0x3FB8] =	sst s0;
	s0 =	simm.s32 @!p1 $0x0  }
0x14: {  	s2 =	sld [smem:$0x3F9C];
	s0 =	simm.s32 @p1 $0x1  }
0x15: {  	[smem:$0x3FB9] =	sst s0;
	s0 =	simm.s32 @!p2 $0x0  }
0x16: {  	s3 =	sld [smem:$0x3FDB];
	s0 =	simm.s32 @p2 $0x1  }
0x17: {  	s4 =	simm.s32 $0x1BF5;
	[smem:$0x3FBB] =	sst s0  }
0x18: {  	s0 =	sld [smem:$0x3F9E];
	_ =	swait.ge [sflag:s4], $0x0  }
0x19: {  	s7 =	sld [smem:$0x3F9F]  }
0x1a: {  	s8 =	sadd.s32 $0xFFFFE003, lr  }
0x1b: {  	s9 =	sadd.s32 $0xFFFFFEF7, lr;
	s5 =	simm.s32 $0xFFFFFFFF;
	p2 =	slt.u32 s8, $0xFFFFF086  }
0x1c: {  	p1 =	slt.u32 s9, $0xF7A;
	s5 =	simm.s32 @!p2 $0x0  }
0x1d: {  	s5 =	simm.s32 @p1 $0x1;
	p0 =	seq.s32 s7, s2  }
0x1e: {  	s7 =	smul.u32 @!p0 $0xF7A, s2;
	p2 =	seq.s32 @!p0 s5, $0x0  }
0x1f: {  	s9 =	smul.u32 $0xF7A, s1;
	s8 =	simm.s32 @!p0 $0x1BF5;
	p2 =	por !p2, p0  }
0x20: {  	[sflag:s8] =	ssyncset.s32 @!p0 $0xFFFFF086;
	s6 =	sadd.s32 @!p0 s3, s7;
	s7 =	simm.s32 @!p0 $0x108  }
0x21: {  	s3 =	sadd.s32 s3, s9;
	s6 =	sadd.s32 @!p0 $0x88, s6;
	s7 =	simm.s32 @p2 $0x1082  }
0x22: {  	[simem:s7], [sflag:s8] =	dma.local @!p0 [hbm:s6], $0xF7A  }
0x23: {  	s9 =	sor.u32 $0xD0000000, s2;
	s6 =	simm.s32 $0x108;
	_ =	swait.ge @!p0 [sflag:s8], $0x0  }
0x24: {  	s3 =	sadd.s32 $0x88, s3;
	s6 =	simm.s32 @!p1 $0x1082;
	[sflag:s4] =	ssyncset.s32 $0xFFFFF086  }
0x25: {  	[simem:s6], [sflag:s4] =	dma.local [hbm:s3], $0xF7A  }
0x26: {  	[smem:$0x3F9F] =	sst s1;
	(tag) =	ssettag s2;
	_ =	strace s9  }
0x27: {  	s1 =	sld [smem:$0x3FAF]  }
0x28: {  	s2 =	sld [smem:$0x3FB0]  }
0x29: {  	s4 =	sld [smem:$0x3FB2]  }
0x2a: {  	p0 =	seq.s32 s5, $0x0;
	s5 =	sld [smem:$0x3FB3]  }
0x2b: {  	s6 =	sld [smem:$0x3FB4]  }
0x2c: {  	s7 =	sld [smem:$0x3FB5]  }
0x2d: {  	s3 =	simm.s32 $0x108;
	s8 =	sld [smem:$0x3FB6]  }
0x2e: {  	s3 =	simm.s32 @!p0 $0x1082;
	s9 =	sld [smem:$0x3FB7]  }
0x2f: {  	lr =	sadd.s32 s0, s3;
	s0 =	sld [smem:$0x3FAE]  }
0x30: {  	s3 =	sld [smem:$0x3FB1]  }
0x31: {  	[smem:$0x3FBA] =	sst s10  }
0x32: {  	s10 =	sld [smem:$0x3FB8];
	_ =	sdelay $0x3  }
0x33: {  	p0 =	seq.s32 s10, $0x1;
	s10 =	sld [smem:$0x3FBA];
	_ =	sdelay $0x3  }
0x34: {  	[smem:$0x3FBA] =	sst s10  }
0x35: {  	s10 =	sld [smem:$0x3FB9];
	_ =	sdelay $0x3  }
0x36: {  	p1 =	seq.s32 s10, $0x1;
	s10 =	sld [smem:$0x3FBA];
	_ =	sdelay $0x3  }
0x37: {  	[smem:$0x3FBA] =	sst s10  }
0x38: {  	s10 =	sld [smem:$0x3FBB]  }
0x39: {  	_ = 	snop;
	(pc) =	sbr.ind lr, $3  }
0x3a: {  	_ = 	snop  }
0x3b: {  	_ = 	snop  }
0x3c: {  	p2 =	seq.s32 s10, $0x1;
	s10 =	sld [smem:$0x3FBA]  }
0x3d: {  	_ =	shalt  }
0x3e: {  	_ =	shalt  }
0x3f: {  	_ =	shalt  }
0x40: {  	_ =	shalt  }
0x41: {  	_ =	shalt  }
0x42: {  	_ =	shalt  }
0x43: {  	_ =	shalt  }
0x44: {  	_ =	shalt  }
0x45: {  	_ =	shalt  }
0x46: {  	_ =	shalt  }
0x47: {  	_ =	shalt  }
0x48: {  	_ =	shalt  }
0x49: {  	_ =	shalt  }
0x4a: {  	_ =	shalt  }
0x4b: {  	_ =	shalt  }
0x4c: {  	_ =	shalt  }
0x4d: {  	_ =	shalt  }
0x4e: {  	_ =	shalt  }
0x4f: {  	_ =	shalt  }
0x50: {  	_ =	shalt  }
0x51: {  	_ =	shalt  }
0x52: {  	_ =	shalt  }
0x53: {  	_ =	shalt  }
0x54: {  	_ =	shalt  }
0x55: {  	_ =	shalt  }
0x56: {  	_ =	shalt  }
0x57: {  	_ =	shalt  }
0x58: {  	_ =	shalt  }
0x59: {  	_ =	shalt  }
0x5a: {  	_ =	shalt  }
0x5b: {  	_ =	shalt  }
0x5c: {  	_ =	shalt  }
0x5d: {  	_ =	shalt  }
0x5e: {  	_ =	shalt  }
0x5f: {  	_ =	shalt  }
0x60: {  	_ =	shalt  }
0x61: {  	_ =	shalt  }
0x62: {  	_ =	shalt  }
0x63: {  	_ =	shalt  }
0x64: {  	_ =	shalt  }
0x65: {  	_ =	shalt  }
0x66: {  	_ =	shalt  }
0x67: {  	_ =	shalt  }
0x68: {  	_ =	shalt  }
0x69: {  	_ =	shalt  }
0x6a: {  	_ =	shalt  }
0x6b: {  	_ =	shalt  }
0x6c: {  	_ =	shalt  }
0x6d: {  	_ =	shalt  }
0x6e: {  	_ =	shalt  }
0x6f: {  	_ =	shalt  }
0x70: {  	_ =	shalt  }
0x71: {  	_ =	shalt  }
0x72: {  	_ =	shalt  }
0x73: {  	_ =	shalt  }
0x74: {  	_ =	shalt  }
0x75: {  	_ =	shalt  }
0x76: {  	_ =	shalt  }
0x77: {  	_ =	shalt  }
0x78: {  	_ =	shalt  }
0x79: {  	_ =	shalt  }
0x7a: {  	_ =	shalt  }
0x7b: {  	_ =	shalt  }
0x7c: {  	_ =	shalt  }
0x7d: {  	_ =	shalt  }
0x7e: {  	_ =	shalt  }
0x7f: {  	_ =	shalt  }
0x80: {  	_ =	shalt  }
0x81: {  	_ =	shalt  }
0x82: {  	_ =	shalt  }
0x83: {  	_ =	shalt  }
0x84: {  	_ =	shalt  }
0x85: {  	_ =	shalt  }
0x86: {  	_ =	shalt  }
0x87: {  	_ =	shalt  }
.Lfunc_end0:
.L_simem_size_0:
called_computation_lowered:
.L_overlay_start_0:
0x88: {  	s2 =	sld [smem:$0x3FD9]  }
0x89: {  	s3 =	sld [smem:$0x3FFE];
	_ =	sdelay $0x1  }
0x8a: {  	s1 =	srdreg.scid  }
0x8b: {  	s0 =	sand.u32 $0x1, s1  }
0x8c: {  	s17 =	sshll.u32 s0, $0xA;
	s2 =	sadd.s32 s3, s2  }
0x8d: {  	s2 =	sadd.s32 s2, s17  }
0x8e: {  	[smem:$0x3FC6] =	sst s2  }
0x8f: {  	_ = 	snop  }
0x90: {  	s2 =	sld [smem:$0x3FC9]  }
0x91: {  	s18 =	sld [smem:$0x3FD0];
	(tm) =	ssettm $0x1  }
0x92: {  	s4 =	sld [smem:$0x3FFB];
	_ =	sdelay $0x3  }
0x93: {  	_ =	strace s4  }
0x94: {  	s4 =	sld [smem:$0x3FFC];
	_ =	sdelay $0x3  }
0x95: {  	_ =	strace s4  }
0x96: {  	s4 =	sld [smem:$0x3FFD];
	_ =	sdelay $0x3  }
0x97: {  	_ =	strace s4  }
0x98: {  	_ =	strace $0x8FFFFFFF  }
0x99: {  	s19 =	sld [smem:$0x3FDB];
	_ =	sdelay $0x1  }
0x9a: {  	s5 =	simm.s32 $_scs_section_size  }
0x9b: {  	s6 =	simm.s32 $_size__tile_overlayer_lowered;
	s7 =	simm.s32 $_tile_overlayer_lowered  }
0x9c: {  	s22 =	simm.s32 $0x1BFF;
	s21 =	sshll.u32 s7, $0x1;
	s4 =	sadd.s32 s5, s19  }
0x9d: {  	s8 =	simm.s32 $0x0;
	s20 =	sshll.u32 s6, $0x1;
	s6 =	sadd.s32 s21, s4  }
0x9e: {  	[timem:s8], [sflag:s22] =	dma.local [hbm:s6], s20  }
0x9f: {  	_ =	swait.ge [sflag:s22], s20  }
0xa0: {  	s5 =	ssub.s32 $0x0, s20;
	[sflag:s22] =	ssyncset.done $0x0  }
0xa1: {  	[sflag:s22] =	ssyncadd.s32 s5;
	_ =	sdelay $0x1  }
0xa2: {  	s23 =	simm.s32 $0x1B8B  }
0xa3: {  	_ =	swait.ge [sflag:s23], $0x1  }
0xa4: {  	[sflag:s23] =	ssyncset.done $0x0  }
0xa5: {  	s25 =	simm.s32 $0x1B8E;
	s24 =	sld [smem:$0x3FFE];
	[sflag:s23] =	ssyncadd.s32 $0xFFFFFFFF  }
0xa6: {  	s26 =	simm.s32 $execute0_lowered;
	[smem:$0x3FD2] =	sst s25  }
0xa7: {  	s6 =	sshll.u32 s26, $0x1;
	_ =	strace $0x80000046;
	[dreg:$0x1] =	wrdreg $0xFFFFFFFF  }
0xa8: {  	s28 =	simm.s32 $_size_execute0_lowered;
	s4 =	sadd.s32 s4, s6;
	[dreg:$0x0] =	wrdreg $0x0  }
0xa9: {  	s6 =	sshll.u32 s28, $0x1;
	[dreg:$0x2] =	wrdreg s4  }
0xaa: {  	[dreg:$0x3] =	wrdreg s6  }
0xab: {  	[dreg:$0x4] =	wrdreg $0xC0  }
0xac: {  	_ =	task [dreg:s8], $0x5FFFF  }
0xad: {  	[dreg:$0x1] =	wrdreg $0xFFFFFFFF  }
0xae: {  	[dreg:$0x0] =	wrdreg $0x60  }
0xaf: {  	[dreg:$0x2] =	wrdreg s2  }
0xb0: {  	[dreg:$0x3] =	wrdreg s24  }
0xb1: {  	[dreg:$0x4] =	wrdreg s18  }
0xb2: {  	[dreg:$0x5] =	wrdreg $0x9  }
0xb3: {  	_ =	task.clear_ibuf [dreg:s8], $0x6FFFF;
	_ =	strace $0x90000046  }
0xb4: {  	s29 =	simm.s32 $0x9;
	_ =	strace $0x80000048  }
0xb5: {  	_ =	swait.ge [sflag:s29], $0x1  }
0xb6: {  	[sflag:s29] =	ssyncadd.s32 $0xFFFFFFFF  }
0xb7: {  	_ =	strace $0x90000048  }
0xb8: {  	_ =	sfence  }
0xb9: {  	s30 =	sld [smem:$0x0];
	_ =	sdelay $0x2  }
0xba: {  	s31 =	sshll.u32 s1, $0xD;
	s1 =	sshrl.u32 s1, $0x2  }
0xbb: {  	s3 =	sand.u32 $0x4000, s31;
	s1 =	sadd.s32 s1, s30  }
0xbc: {  	s0 =	sor.u32 s3, s0;
	s1 =	sshll.u32 s1, $0x11  }
0xbd: {  	s0 =	sor.u32 s1, s0  }
0xbe: {  	s0 =	sadd.s32 $0x8F2B, s0  }
0xbf: {  	[sflag:s0] =	ssyncadd.remote.s32 $0x1  }
0xc0: {  	_ =	sfence.sel $0xFFFF  }
0xc1: {  	[dreg:$0x0] =	wrdreg $0xFFFFFFFF;
	(pc) =	sbr.abs _section_cstart, $3  }
0xc2: {  	[dreg:$0x1] =	wrdreg $0xFFFFFFFF  }
0xc3: {  	_ =	task.clear_ibuf [dreg:s8], $0x2FFFF;
	_ =	strace $0x9FFFFFFF  }
0xc4: {  	(tm) =	ssettm $0x7FFFFFFF  }
0xc5: {  	_ =	shalt  }
tec
execute0_lowered:
.L_overlay_start_1:
0x0: {  	(tag) =	ssettag $0x1  }
0x1: {  	s1 =	srdreg.scid;
	s2 =	stileid.u32  }
0x2: {  	s0 =	rddreg [dreg:$0x0];
	s1 =	sand.u32 $0x1, s1;
	s3 =	sshll.u32 s2, $0x1  }
0x3: {  	s5 =	rddreg [dreg:$0x1];
	s4 =	sor.u32 s1, s3  }
0x4: {  	s2 =	rddreg [dreg:$0x2];
	s3 =	simm.s32 $0x0;
	s4 =	smul.u32 $0x6400, s4  }
0x5: {  	s5 =	sadd.s32 $0x400, s5;
	[smem:$0x7FF] =	sst s3  }
0x6: {  	_ =	strace $0x80000047;
	[dreg:$0x4] =	wrdreg s5;
	s18 =	sadd.s32 $0xC8000, s4  }
0x7: {  	s19 =	sadd.s32 $0x190000, s4;
	[dreg:$0x7] =	wrdreg s18  }
0x8: {  	s20 =	sadd.s32 $0x258000, s4;
	[dreg:$0x8] =	wrdreg s19  }
0x9: {  	s21 =	sadd.s32 $0x320000, s4;
	[dreg:$0x9] =	wrdreg s20  }
0xa: {  	s1 =	ssub.s32 $0x2, s1;
	s22 =	sadd.s32 $0x3E8000, s4;
	[dreg:$0xa] =	wrdreg s21  }
0xb: {  	s15 =	sshrl.u32 s1, $0x1;
	s23 =	sadd.s32 $0x4B0000, s4;
	[dreg:$0xb] =	wrdreg s22  }
0xc: {  	s16 =	ssub.s32 s1, s15;
	s24 =	sadd.s32 $0x578000, s4;
	[dreg:$0xc] =	wrdreg s23  }
0xd: {  	s1 =	simm.s32 $0x0;
	s25 =	sadd.s32 $0x640000, s4;
	[dreg:$0xd] =	wrdreg s24  }
0xe: {  	s6 =	sshrl.u32 s4, $0x3;
	s26 =	sadd.s32 $0x708000, s4;
	[dreg:$0xe] =	wrdreg s25  }
0xf: {  	s30 =	sadd.s32 $0x7D0000, s4;
	s31 =	sadd.s32 $0x898000, s4;
	[dreg:$0xf] =	wrdreg s26  }
0x10: {  	s28 =	sadd.s32 $0xED8000, s4;
	s29 =	sadd.s32 $0xFA0000, s4;
	[dreg:$0x10] =	wrdreg s30  }
.Ltmp0:
0x11: {  	s6 =	sadd.s32 s0, s6;
	[dreg:$0x11] =	wrdreg s31;
	(pc) =	sbr.rel .LBB2_1-.Ltmp0, $4  }
0x12: {  	s19 =	sadd.s32 $0x960000, s4;
	s20 =	sadd.s32 $0xA28000, s4;
	s21 =	sadd.s32 $0xAF0000, s4  }
0x13: {  	s22 =	sadd.s32 $0xBB8000, s4;
	s0 =	smax.u32 s16, $0x1;
	[dreg:$0x5] =	wrdreg s6  }
0x14: {  	s23 =	sadd.s32 $0xC80000, s4;
	s17 =	sadd.s32 $0x80, s6;
	[dreg:$0x12] =	wrdreg s0  }
0x15: {  	s24 =	sadd.s32 $0xD48000, s4;
	s26 =	sadd.s32 $0xE10000, s4;
	[dreg:$0x6] =	wrdreg s17  }
.LBB2_10:
0x16: {  	s1 =	rddreg [dreg:$0x13]  }
0x17: {  	s0 =	rddreg [dreg:$0x12];
	s1 =	sadd.s32 $0x1, s1  }
0x18: {  	p0 =	sne.s32 s1, s0  }
.Ltmp1:
0x19: {  	_ = 	snop;
	(pc) =	sbr.rel @!p0 .LBB2_11-.Ltmp1, $1  }
0x1a: {  	_ =	sdelay $0x3  }
.LBB2_1:
0x1b: {  	[dreg:$0x13] =	wrdreg s1  }
0x1c: {  	s0 =	rddreg [dreg:$0x4];
	s18 =	simm.s32 $0x4  }
0x1d: {  	[tilespmem:s3], [sflag:$0x4] =	stream.linear.gather [hbm4b:s0+s3], $0x200, $0x38;
	[tilespmem:$0x10E00] =	vst v63  }
0x1e: {  	_ =	swait.ge [sflag:s18], $0x200  }
0x1f: {  	[sflag:s18] =	ssyncset.done $0x0  }
0x20: {  	s5 =	simm.s32 $0x200;
	s25 =	rddreg [dreg:$0x5];
	[sflag:s18] =	ssyncadd.s32 $0xFFFFFE00  }
0x21: {  	[tilespmem:s5], [sflag:$0x4] =	stream.linear.gather [hbm4b:s25+s3], $0x400, $0x38;
	[tilespmem:$0x10E00] =	vst v63  }
.Ltmp2:
0x22: {  	_ = 	snop;
	(pc) =	sbr.rel .LBB2_2-.Ltmp2, $4  }
0x23: {  	_ =	swait.ge [sflag:s18], $0x400  }
0x24: {  	s31 =	simm.s32 $0x600;
	[sflag:s18] =	ssyncset.done $0x0  }
0x25: {  	s25 =	simm.s32 $0x0;
	s30 =	rddreg [dreg:$0x6];
	[sflag:s18] =	ssyncadd.s32 $0xFFFFFC00  }
0x26: {  	[tilespmem:s31], [sflag:$0x3] =	stream.linear.gather [hbm4b:s30+s3], $0x6000, $0x38;
	[tilespmem:$0x10E00] =	vst v63  }
.LBB2_9:
0x27: {  	s25 =	sadd.s32 $0x1, s25  }
.LBB2_2:
0x28: {  	s6 =	sshll.u32 s25, $0x1  }
0x29: {  	p1 =	seq.s32 s25, $0xD;
	s0 =	sadd.s32 $0xFFFFFFFE, s6  }
.Ltmp3:
0x2a: {  	p0 =	sgt.u32 s0, $0x18;
	(pc) =	sbr.rel @p1 .LBB2_10-.Ltmp3, $4  }
0x2b: {  	s0 =	simm.s32 @!p0 $0x1  }
0x2c: {  	_ =	swait.ge @!p0 [sflag:s0], $0x5400  }
0x2d: {  	[sflag:s0] =	ssyncset.done @!p0 $0x0  }
0x2e: {  	[sflag:s0] =	ssyncadd.s32 @!p0 $0xFFFFAC00  }
0x2f: {  	s30 =	sshll.u32 s25, $0xB  }
0x30: {  	s1 =	simm.s32 $0x0;
	s0 =	sand.u32 $0x3FFFF800, s30  }
0x31: {  	s14 =	simm.s32 $0x10;
	s5 =	sand.u32 $0x380, s1;
	s7 =	sor.u32 $0x200, s0  }
0x32: {  	s0 =	sand.u32 $0x70, s14;
	s8 =	sadd.s32 s5, s7  }
0x33: {  	s0 =	sadd.s32 s0, s8  }
0x34: {  	v0 =	vld [tilespmem:s0+$0x0];
	_ =	sdelay $0x4  }
0x35: {  	s15 =	sand.u32 $0x60, s1;
	v4 =	vmul.u32 $0x15, v0  }
0x36: {  	s1 =	sadd.s32 s15, s8  }
0x37: {  	v0 =	vld [tilespmem:s1+$0x0];
	_ =	sdelay $0x3  }
0x38: {  	v1 =	vld.idx.msk [tilespmem:v4+s3+$0x0], $0xffff  }
0x39: {  	v2 =	vadd.s32 $0x1, v4;
	v3 =	vmul.u32 $0x15, v0;
	_ =	sdelay $0x2  }
0x3a: {  	s10 =	simm.s32 $0x6600  }
0x3b: {  	[tilespmem:s10+$0x10] =	vst v1  }
0x3c: {  	v0 =	vld.idx.msk [tilespmem:v2+s3+$0x0], $0xffff  }
0x3d: {  	v1 =	vadd.s32 $0x2, v4;
	v2 =	vld.idx.msk [tilespmem:v3+s3+$0x0], $0xffff  }
0x3e: {  	v5 =	vadd.s32 $0x1, v3;
	_ =	sdelay $0x2  }
0x3f: {  	[tilespmem:s10+$0x410] =	vst v0  }
0x40: {  	[tilespmem:s10+$0x0] =	vst v2;
	v0 =	vld.idx.msk [tilespmem:v1+s3+$0x0], $0xffff  }
0x41: {  	v1 =	vadd.s32 $0x3, v4;
	v2 =	vld.idx.msk [tilespmem:v5+s3+$0x0], $0xffff  }
0x42: {  	v5 =	vadd.s32 $0x2, v3;
	_ =	sdelay $0x2  }
0x43: {  	s1 =	sor.u32 s15, s5;
	[tilespmem:s10+$0x810] =	vst v0  }
0x44: {  	[tilespmem:s1+$0x6A00] =	vst v2;
	v0 =	vld.idx.msk [tilespmem:v1+s3+$0x0], $0xffff  }
0x45: {  	v1 =	vadd.s32 $0x4, v4;
	v2 =	vld.idx.msk [tilespmem:v5+s3+$0x0], $0xffff  }
0x46: {  	v5 =	vadd.s32 $0x3, v3;
	_ =	sdelay $0x1  }
0x47: {  	s16 =	simm.s32 $0x20  }
0x48: {  	s17 =	simm.s32 $0x30;
	s18 =	sand.u32 $0x380, s16;
	[tilespmem:s10+$0xC10] =	vst v0  }
0x49: {  	s9 =	sadd.s32 s18, s7;
	s5 =	sand.u32 $0x70, s17;
	[tilespmem:s1+$0x6E00] =	vst v2;
	v0 =	vld.idx.msk [tilespmem:v1+s3+$0x0], $0xffff  }
0x4a: {  	s5 =	sadd.s32 s5, s9;
	v2 =	vld.idx.msk [tilespmem:v5+s3+$0x0], $0xffff  }
0x4b: {  	v5 =	vld [tilespmem:s5+$0x0]  }
0x4c: {  	v1 =	vadd.s32 $0x5, v4  }
0x4d: {  	v6 =	vadd.s32 $0x4, v3  }
0x4e: {  	s11 =	sand.u32 $0x60, s16  }
0x4f: {  	s0 =	sadd.s32 s11, s9;
	[tilespmem:s10+$0x1010] =	vst v0  }
0x50: {  	[tilespmem:s1+$0x7200] =	vst v2;
	v2 =	vld [tilespmem:s0+$0x0];
	v0 =	vmul.u32 $0x15, v5  }
0x51: {  	v1 =	vld.idx.msk [tilespmem:v1+s3+$0x0], $0xffff  }
0x52: {  	v7 =	vadd.s32 $0x6, v4;
	v5 =	vld.idx.msk [tilespmem:v6+s3+$0x0], $0xffff  }
0x53: {  	v8 =	vadd.s32 $0x5, v3;
	_ =	sdelay $0x2  }
0x54: {  	v6 =	vmul.u32 $0x15, v2;
	[tilespmem:s10+$0x1410] =	vst v1;
	v2 =	vld.idx.msk [tilespmem:v0+s3+$0x0], $0xffff  }
0x55: {  	[tilespmem:s1+$0x7600] =	vst v5;
	v1 =	vld.idx.msk [tilespmem:v7+s3+$0x0], $0xffff  }
0x56: {  	v5 =	vld.idx.msk [tilespmem:v8+s3+$0x0], $0xffff;
	v8 =	vadd.s32 $0x1, v0  }
0x57: {  	v7 =	vadd.s32 $0x7, v4  }
0x58: {  	v9 =	vadd.s32 $0x6, v3;
	s0 =	simm.s32 $0x6620  }
0x59: {  	[tilespmem:s0+$0x10] =	vst v2  }
0x5a: {  	v10 =	vld.idx.msk [tilespmem:v6+s3+$0x0], $0xffff;
	[tilespmem:s10+$0x1810] =	vst v1  }
0x5b: {  	[tilespmem:s1+$0x7A00] =	vst v5;
	v5 =	vld.idx.msk [tilespmem:v8+s3+$0x0], $0xffff  }
0x5c: {  	v2 =	vadd.s32 $0x1, v6;
	v1 =	vld.idx.msk [tilespmem:v7+s3+$0x0], $0xffff  }
0x5d: {  	v8 =	vld.idx.msk [tilespmem:v9+s3+$0x0], $0xffff;
	v9 =	vadd.s32 $0x2, v0  }
0x5e: {  	v7 =	vadd.s32 $0x8, v4  }
0x5f: {  	[tilespmem:s0+$0x0] =	vst v10  }
0x60: {  	v11 =	vadd.s32 $0x7, v3;
	[tilespmem:s0+$0x410] =	vst v5  }
0x61: {  	v2 =	vld.idx.msk [tilespmem:v2+s3+$0x0], $0xffff;
	[tilespmem:s10+$0x1C10] =	vst v1  }
0x62: {  	v5 =	vadd.s32 $0x2, v6;
	[tilespmem:s1+$0x7E00] =	vst v8;
	v8 =	vld.idx.msk [tilespmem:v9+s3+$0x0], $0xffff  }
0x63: {  	v10 =	vadd.s32 $0x3, v0;
	v1 =	vld.idx.msk [tilespmem:v7+s3+$0x0], $0xffff  }
0x64: {  	v7 =	vadd.s32 $0x9, v4  }
0x65: {  	s31 =	sor.u32 s11, s18;
	v9 =	vld.idx.msk [tilespmem:v11+s3+$0x0], $0xffff  }
0x66: {  	v11 =	vadd.s32 $0x8, v3;
	[tilespmem:s31+$0x6A00] =	vst v2  }
0x67: {  	v5 =	vld.idx.msk [tilespmem:v5+s3+$0x0], $0xffff;
	[tilespmem:s0+$0x810] =	vst v8  }
0x68: {  	[tilespmem:s10+$0x2010] =	vst v1;
	v8 =	vld.idx.msk [tilespmem:v10+s3+$0x0], $0xffff  }
0x69: {  	v1 =	vld.idx.msk [tilespmem:v7+s3+$0x0], $0xffff;
	v7 =	vadd.s32 $0x3, v6  }
0x6a: {  	[tilespmem:s1+$0x8200] =	vst v9;
	v10 =	vadd.s32 $0x4, v0  }
0x6b: {  	v2 =	vadd.s32 $0xA, v4;
	v9 =	vld.idx.msk [tilespmem:v11+s3+$0x0], $0xffff  }
0x6c: {  	v11 =	vadd.s32 $0x9, v3  }
0x6d: {  	[tilespmem:s31+$0x6E00] =	vst v5  }
0x6e: {  	[tilespmem:s0+$0xC10] =	vst v8;
	v5 =	vld.idx.msk [tilespmem:v7+s3+$0x0], $0xffff  }
0x6f: {  	s12 =	simm.s32 $0x40;
	[tilespmem:s10+$0x2410] =	vst v1;
	v8 =	vld.idx.msk [tilespmem:v10+s3+$0x0], $0xffff  }
0x70: {  	s13 =	simm.s32 $0x50;
	s14 =	sand.u32 $0x380, s12;
	v7 =	vadd.s32 $0x4, v6;
	[tilespmem:s1+$0x8600] =	vst v9;
	v1 =	vld.idx.msk [tilespmem:v2+s3+$0x0], $0xffff  }
0x71: {  	s11 =	sadd.s32 s14, s7;
	s9 =	sand.u32 $0x70, s13;
	v10 =	vadd.s32 $0x5, v0;
	v9 =	vld.idx.msk [tilespmem:v11+s3+$0x0], $0xffff  }
0x72: {  	s12 =	sand.u32 $0x60, s12;
	s9 =	sadd.s32 s9, s11;
	v2 =	vadd.s32 $0xB, v4  }
0x73: {  	v12 =	vld [tilespmem:s9+$0x0];
	s5 =	sadd.s32 s12, s11;
	v11 =	vadd.s32 $0xA, v3;
	[tilespmem:s31+$0x7200] =	vst v5  }
0x74: {  	v5 =	vld [tilespmem:s5+$0x0];
	[tilespmem:s0+$0x1010] =	vst v8  }
0x75: {  	[tilespmem:s10+$0x2810] =	vst v1;
	v7 =	vld.idx.msk [tilespmem:v7+s3+$0x0], $0xffff  }
0x76: {  	[tilespmem:s1+$0x8A00] =	vst v9;
	v9 =	vld.idx.msk [tilespmem:v10+s3+$0x0], $0xffff  }
0x77: {  	v13 =	vadd.s32 $0x5, v6;
	v2 =	vld.idx.msk [tilespmem:v2+s3+$0x0], $0xffff  }
0x78: {  	v10 =	vld.idx.msk [tilespmem:v11+s3+$0x0], $0xffff;
	v11 =	vadd.s32 $0x6, v0  }
0x79: {  	v8 =	vadd.s32 $0xC, v4  }
0x7a: {  	v15 =	vadd.s32 $0xB, v3  }
0x7b: {  	v1 =	vmul.u32 $0x15, v12;
	[tilespmem:s31+$0x7600] =	vst v7  }
0x7c: {  	v14 =	vmul.u32 $0x15, v5;
	[tilespmem:s0+$0x1410] =	vst v9;
	v5 =	vld.idx.msk [tilespmem:v13+s3+$0x0], $0xffff  }
0x7d: {  	[tilespmem:s10+$0x2C10] =	vst v2;
	v9 =	vld.idx.msk [tilespmem:v11+s3+$0x0], $0xffff  }
0x7e: {  	[tilespmem:s1+$0x8E00] =	vst v10;
	v11 =	vadd.s32 $0x7, v0;
	v2 =	vld.idx.msk [tilespmem:v8+s3+$0x0], $0xffff  }
0x7f: {  	v7 =	vadd.s32 $0xD, v4;
	v10 =	vld.idx.msk [tilespmem:v15+s3+$0x0], $0xffff  }
0x80: {  	v12 =	vadd.s32 $0xC, v3  }
0x81: {  	v13 =	vld.idx.msk [tilespmem:v1+s3+$0x0], $0xffff;
	v8 =	vadd.s32 $0x6, v6;
	[tilespmem:s31+$0x7A00] =	vst v5  }
0x82: {  	v15 =	vld.idx.msk [tilespmem:v14+s3+$0x0], $0xffff;
	[tilespmem:s0+$0x1810] =	vst v9  }
0x83: {  	v16 =	vadd.s32 $0x1, v1;
	[tilespmem:s10+$0x3010] =	vst v2;
	v11 =	vld.idx.msk [tilespmem:v11+s3+$0x0], $0xffff  }
0x84: {  	v2 =	vadd.s32 $0x1, v14;
	[tilespmem:s1+$0x9200] =	vst v10;
	v5 =	vld.idx.msk [tilespmem:v7+s3+$0x0], $0xffff  }
0x85: {  	v10 =	vld.idx.msk [tilespmem:v12+s3+$0x0], $0xffff;
	v12 =	vadd.s32 $0x8, v0  }
0x86: {  	s5 =	simm.s32 $0x6640;
	v7 =	vld.idx.msk [tilespmem:v8+s3+$0x0], $0xffff;
	v8 =	vadd.s32 $0xE, v4  }
0x87: {  	v9 =	vadd.s32 $0x7, v6;
	[tilespmem:s5+$0x10] =	vst v13  }
0x88: {  	v13 =	vadd.s32 $0xD, v3;
	v16 =	vld.idx.msk [tilespmem:v16+s3+$0x0], $0xffff;
	[tilespmem:s5+$0x0] =	vst v15  }
0x89: {  	v15 =	vadd.s32 $0x2, v1;
	v2 =	vld.idx.msk [tilespmem:v2+s3+$0x0], $0xffff;
	[tilespmem:s0+$0x1C10] =	vst v11  }
0x8a: {  	[tilespmem:s10+$0x3410] =	vst v5;
	v12 =	vld.idx.msk [tilespmem:v12+s3+$0x0], $0xffff  }
0x8b: {  	[tilespmem:s31+$0x7E00] =	vst v7;
	v7 =	vld.idx.msk [tilespmem:v8+s3+$0x0], $0xffff  }
0x8c: {  	s15 =	simm.s32 $0x60;
	v5 =	vadd.s32 $0x2, v14;
	[tilespmem:s1+$0x9600] =	vst v10;
	v8 =	vld.idx.msk [tilespmem:v9+s3+$0x0], $0xffff  }
0x8d: {  	s17 =	sand.u32 $0x380, s15;
	[tilespmem:s5+$0x410] =	vst v16;
	v10 =	vld.idx.msk [tilespmem:v13+s3+$0x0], $0xffff;
	v13 =	vadd.s32 $0x9, v0  }
0x8e: {  	s8 =	sor.u32 s12, s14;
	s18 =	sand.u32 $0x60, s15;
	s13 =	sadd.s32 s17, s7;
	v9 =	vadd.s32 $0xF, v4;
	v15 =	vld.idx.msk [tilespmem:v15+s3+$0x0], $0xffff  }
0x8f: {  	s11 =	sadd.s32 s18, s13;
	v11 =	vadd.s32 $0x8, v6;
	[tilespmem:s8+$0x6A00] =	vst v2  }
0x90: {  	v18 =	vld [tilespmem:s11+$0x0];
	v16 =	vadd.s32 $0xE, v3;
	[tilespmem:s0+$0x2010] =	vst v12  }
0x91: {  	v2 =	vld.idx.msk [tilespmem:v5+s3+$0x0], $0xffff;
	v5 =	vadd.s32 $0x3, v1;
	[tilespmem:s10+$0x3810] =	vst v7  }
0x92: {  	v7 =	vadd.s32 $0x3, v14;
	[tilespmem:s31+$0x8200] =	vst v8;
	v13 =	vld.idx.msk [tilespmem:v13+s3+$0x0], $0xffff  }
0x93: {  	v8 =	vld.idx.msk [tilespmem:v9+s3+$0x0], $0xffff;
	[tilespmem:s5+$0x810] =	vst v15;
	v15 =	vadd.s32 $0xA, v0  }
0x94: {  	[tilespmem:s1+$0x9A00] =	vst v10;
	v9 =	vld.idx.msk [tilespmem:v11+s3+$0x0], $0xffff;
	v11 =	vadd.s32 $0x10, v4  }
0x95: {  	v12 =	vadd.s32 $0x9, v6;
	v10 =	vld.idx.msk [tilespmem:v16+s3+$0x0], $0xffff  }
0x96: {  	v16 =	vadd.s32 $0xF, v3;
	v5 =	vld.idx.msk [tilespmem:v5+s3+$0x0], $0xffff;
	[tilespmem:s8+$0x6E00] =	vst v2  }
0x97: {  	v2 =	vld.idx.msk [tilespmem:v7+s3+$0x0], $0xffff;
	v7 =	vadd.s32 $0x4, v1;
	[tilespmem:s0+$0x2410] =	vst v13  }
0x98: {  	[tilespmem:s10+$0x3C10] =	vst v8;
	v8 =	vadd.s32 $0x4, v14;
	v13 =	vld.idx.msk [tilespmem:v15+s3+$0x0], $0xffff  }
0x99: {  	[tilespmem:s31+$0x8600] =	vst v9;
	v9 =	vld.idx.msk [tilespmem:v11+s3+$0x0], $0xffff  }
0x9a: {  	[tilespmem:s1+$0x9E00] =	vst v10;
	v10 =	vadd.s32 $0xB, v0;
	v11 =	vld.idx.msk [tilespmem:v12+s3+$0x0], $0xffff  }
0x9b: {  	s16 =	simm.s32 $0x70;
	v12 =	vadd.s32 $0x11, v4;
	[tilespmem:s5+$0xC10] =	vst v5;
	v5 =	vld.idx.msk [tilespmem:v16+s3+$0x0], $0xffff  }
0x9c: {  	s12 =	sand.u32 $0x70, s16;
	v7 =	vld.idx.msk [tilespmem:v7+s3+$0x0], $0xffff;
	[tilespmem:s8+$0x7200] =	vst v2  }
0x9d: {  	s14 =	sadd.s32 s12, s13;
	v2 =	vld.idx.msk [tilespmem:v8+s3+$0x0], $0xffff;
	v8 =	vadd.s32 $0x5, v1;
	[tilespmem:s0+$0x2810] =	vst v13  }
0x9e: {  	v16 =	vld [tilespmem:s14+$0x0];
	[tilespmem:s10+$0x4010] =	vst v9;
	v9 =	vadd.s32 $0xA, v6  }
0x9f: {  	v15 =	vadd.s32 $0x5, v14;
	v10 =	vld.idx.msk [tilespmem:v10+s3+$0x0], $0xffff  }
0xa0: {  	v17 =	vadd.s32 $0x10, v3;
	[tilespmem:s31+$0x8A00] =	vst v11;
	v12 =	vld.idx.msk [tilespmem:v12+s3+$0x0], $0xffff  }
0xa1: {  	v13 =	vadd.s32 $0x12, v4;
	[tilespmem:s5+$0x1010] =	vst v7  }
0xa2: {  	[tilespmem:s1+$0xA200] =	vst v5;
	v7 =	vld.idx.msk [tilespmem:v8+s3+$0x0], $0xffff;
	v8 =	vadd.s32 $0xC, v0  }
0xa3: {  	v11 =	vadd.s32 $0x6, v1;
	[tilespmem:s8+$0x7600] =	vst v2;
	v2 =	vmul.u32 $0x15, v16;
	v9 =	vld.idx.msk [tilespmem:v9+s3+$0x0], $0xffff  }
0xa4: {  	v18 =	vmul.u32 $0x15, v18;
	v15 =	vld.idx.msk [tilespmem:v15+s3+$0x0], $0xffff;
	[tilespmem:s0+$0x2C10] =	vst v10  }
0xa5: {  	v10 =	vld.idx.msk [tilespmem:v17+s3+$0x0], $0xffff;
	[tilespmem:s10+$0x4410] =	vst v12  }
0xa6: {  	v19 =	vadd.s32 $0xB, v6;
	v5 =	vld.idx.msk [tilespmem:v13+s3+$0x0], $0xffff  }
0xa7: {  	v12 =	vadd.s32 $0x13, v4;
	v8 =	vld.idx.msk [tilespmem:v8+s3+$0x0], $0xffff;
	[tilespmem:s5+$0x1410] =	vst v7  }
0xa8: {  	v7 =	vld.idx.msk [tilespmem:v11+s3+$0x0], $0xffff;
	[tilespmem:s31+$0x8E00] =	vst v9;
	v9 =	vadd.s32 $0xD, v0  }
0xa9: {  	v11 =	vadd.s32 $0x6, v14;
	v16 =	vld.idx.msk [tilespmem:v2+s3+$0x0], $0xffff  }
0xaa: {  	v17 =	vadd.s32 $0x7, v1;
	[tilespmem:s8+$0x7A00] =	vst v15;
	v15 =	vld.idx.msk [tilespmem:v18+s3+$0x0], $0xffff  }
0xab: {  	v13 =	vld.idx.msk [tilespmem:v19+s3+$0x0], $0xffff;
	v19 =	vadd.s32 $0x1, v2;
	[tilespmem:s10+$0x4810] =	vst v5  }
0xac: {  	v5 =	vadd.s32 $0xC, v6;
	v12 =	vld.idx.msk [tilespmem:v12+s3+$0x0], $0xffff;
	[tilespmem:s0+$0x3010] =	vst v8  }
0xad: {  	v4 =	vadd.s32 $0x14, v4;
	[tilespmem:s1+$0xA600] =	vst v10;
	v8 =	vld.idx.msk [tilespmem:v9+s3+$0x0], $0xffff  }
0xae: {  	s11 =	simm.s32 $0x6660;
	v9 =	vadd.s32 $0x1, v18;
	v10 =	vld.idx.msk [tilespmem:v11+s3+$0x0], $0xffff;
	[tilespmem:s5+$0x1810] =	vst v7  }
0xaf: {  	v11 =	vadd.s32 $0xE, v0;
	[tilespmem:s11+$0x10] =	vst v16;
	v7 =	vld.idx.msk [tilespmem:v17+s3+$0x0], $0xffff  }
0xb0: {  	[tilespmem:s31+$0x9200] =	vst v13;
	v13 =	vadd.s32 $0x7, v14;
	v16 =	vld.idx.msk [tilespmem:v19+s3+$0x0], $0xffff  }
0xb1: {  	v17 =	vadd.s32 $0x8, v1;
	v5 =	vld.idx.msk [tilespmem:v5+s3+$0x0], $0xffff;
	[tilespmem:s10+$0x4C10] =	vst v12  }
0xb2: {  	[tilespmem:s11+$0x0] =	vst v15;
	v12 =	vadd.s32 $0xD, v6;
	v4 =	vld.idx.msk [tilespmem:v4+s3+$0x0], $0xffff  }
0xb3: {  	v19 =	vadd.s32 $0x11, v3;
	v9 =	vld.idx.msk [tilespmem:v9+s3+$0x0], $0xffff;
	[tilespmem:s0+$0x3410] =	vst v8  }
0xb4: {  	[tilespmem:s8+$0x7E00] =	vst v10;
	v20 =	vld.idx.msk [tilespmem:v11+s3+$0x0], $0xffff  }
0xb5: {  	v15 =	vadd.s32 $0x2, v2;
	v24 =	vld.idx.msk [tilespmem:v13+s3+$0x0], $0xffff;
	[tilespmem:s5+$0x1C10] =	vst v7  }
0xb6: {  	v21 =	vadd.s32 $0x2, v18;
	v7 =	vld.idx.msk [tilespmem:v17+s3+$0x0], $0xffff;
	[tilespmem:s31+$0x9600] =	vst v5  }
0xb7: {  	v26 =	vadd.s32 $0x12, v3;
	v38 =	vadd.s32 $0x10, v0;
	[tilespmem:s11+$0x410] =	vst v16;
	v17 =	vadd.s32 $0xF, v0;
	v12 =	vld.idx.msk [tilespmem:v12+s3+$0x0], $0xffff  }
0xb8: {  	s9 =	sor.u32 s18, s17;
	v37 =	vadd.s32 $0x4, v18;
	v36 =	vadd.s32 $0x5, v18;
	v27 =	vadd.s32 $0xE, v6;
	v31 =	vld.idx.msk [tilespmem:v19+s3+$0x0], $0xffff;
	[tilespmem:s10+$0x5010] =	vst v4  }
0xb9: {  	v34 =	vadd.s32 $0x6, v18;
	v33 =	vadd.s32 $0x7, v18;
	v28 =	vadd.s32 $0x8, v14;
	[tilespmem:s9+$0x6A00] =	vst v9  }
0xba: {  	v35 =	vadd.s32 $0xA, v18;
	v40 =	vadd.s32 $0xF, v6;
	v30 =	vadd.s32 $0x9, v1;
	v29 =	vld.idx.msk [tilespmem:v15+s3+$0x0], $0xffff;
	[tilespmem:s0+$0x3810] =	vst v20  }
0xbb: {  	v42 =	vadd.s32 $0xA, v1;
	v39 =	vadd.s32 $0x9, v14;
	v25 =	vadd.s32 $0xA, v14;
	v21 =	vld.idx.msk [tilespmem:v21+s3+$0x0], $0xffff;
	[tilespmem:s8+$0x8200] =	vst v24  }
0xbc: {  	v23 =	vadd.s32 $0xB, v14;
	v22 =	vadd.s32 $0xC, v14;
	v32 =	vadd.s32 $0x3, v2;
	v17 =	vld.idx.msk [tilespmem:v17+s3+$0x0], $0xffff;
	[tilespmem:s31+$0x9A00] =	vst v12  }
0xbd: {  	v10 =	vadd.s32 $0x10, v6;
	v8 =	vadd.s32 $0x11, v6;
	v24 =	vadd.s32 $0x3, v18;
	[tilespmem:s1+$0xAA00] =	vst v31;
	v45 =	vld.idx.msk [tilespmem:v27+s3+$0x0], $0xffff  }
0xbe: {  	v13 =	vadd.s32 $0x13, v3;
	v11 =	vadd.s32 $0x14, v3;
	v3 =	vadd.s32 $0x14, v6;
	v28 =	vld.idx.msk [tilespmem:v28+s3+$0x0], $0xffff;
	[tilespmem:s5+$0x2010] =	vst v7  }
0xbf: {  	v19 =	vadd.s32 $0xE, v14;
	v16 =	vadd.s32 $0xF, v14;
	v5 =	vadd.s32 $0x12, v6;
	[tilespmem:s11+$0x810] =	vst v29;
	v30 =	vld.idx.msk [tilespmem:v30+s3+$0x0], $0xffff  }
0xc0: {  	v15 =	vadd.s32 $0x10, v14;
	v4 =	vadd.s32 $0x13, v6;
	v6 =	vadd.s32 $0x14, v14;
	v41 =	vld.idx.msk [tilespmem:v26+s3+$0x0], $0xffff;
	[tilespmem:s9+$0x6E00] =	vst v21  }
0xc1: {  	v9 =	vadd.s32 $0x12, v14;
	v20 =	vadd.s32 $0xD, v14;
	v31 =	vadd.s32 $0x9, v18;
	v46 =	vld.idx.msk [tilespmem:v32+s3+$0x0], $0xffff;
	[tilespmem:s0+$0x3C10] =	vst v17  }
0xc2: {  	v7 =	vadd.s32 $0x13, v14;
	v29 =	vadd.s32 $0xB, v18;
	v44 =	vld.idx.msk [tilespmem:v24+s3+$0x0], $0xffff;
	[tilespmem:s31+$0x9E00] =	vst v45;
	v45 =	vadd.s32 $0x4, v2  }
0xc3: {  	v26 =	vadd.s32 $0xD, v18;
	v12 =	vadd.s32 $0x11, v14;
	v32 =	vadd.s32 $0x8, v18;
	[tilespmem:s8+$0x8600] =	vst v28;
	v38 =	vld.idx.msk [tilespmem:v38+s3+$0x0], $0xffff  }
0xc4: {  	v14 =	vadd.s32 $0x12, v18;
	v27 =	vadd.s32 $0xC, v18;
	v21 =	vadd.s32 $0xF, v18;
	v43 =	vld.idx.msk [tilespmem:v39+s3+$0x0], $0xffff;
	[tilespmem:s5+$0x2410] =	vst v30  }
0xc5: {  	v24 =	vadd.s32 $0xE, v18;
	v28 =	vadd.s32 $0x10, v18;
	v39 =	vadd.s32 $0x11, v0;
	v42 =	vld.idx.msk [tilespmem:v42+s3+$0x0], $0xffff  }
0xc6: {  	s12 =	simm.s32 $0x6;
	s13 =	simm.s32 $0x90;
	s10 =	simm.s32 $0x6660;
	v17 =	vadd.s32 $0x11, v18;
	v30 =	vadd.s32 $0x13, v18;
	v18 =	vadd.s32 $0x14, v18;
	[tilespmem:s11+$0xC10] =	vst v46;
	v40 =	vld.idx.msk [tilespmem:v40+s3+$0x0], $0xffff  }
.LBB2_4:
0xc7: {  	s14 =	sadd.s32 $0xFFFFFFF0, s13;
	v45 =	vld.idx.msk [tilespmem:v45+s3+$0x0], $0xffff;
	v46 =	vadd.s32 $0xB, v1;
	[tilespmem:s1+$0xAE00] =	vst v41  }
0xc8: {  	s12 =	sadd.s32 $0x2, s12;
	s15 =	sand.u32 $0x380, s14;
	s14 =	sand.u32 $0x60, s14;
	[tilespmem:s9+$0x7200] =	vst v44;
	v41 =	vld.idx.msk [tilespmem:v13+s3+$0x0], $0xffff;
	v13 =	vmov v4;
	v4 =	vmov v7;
	v7 =	vmov v30  }
0xc9: {  	s17 =	sand.u32 $0x70, s13;
	p0 =	slt.u32 s12, $0x3E;
	s16 =	sadd.s32 s15, s7;
	v30 =	vld.idx.msk [tilespmem:v37+s3+$0x0], $0xffff;
	v37 =	vadd.s32 $0x5, v2;
	[tilespmem:s0+$0x4010] =	vst v38  }
0xca: {  	s18 =	sadd.s32 s14, s16;
	s14 =	sor.u32 s14, s15;
	s15 =	sadd.s32 s17, s16;
	[tilespmem:s8+$0x8A00] =	vst v43;
	v38 =	vld.idx.msk [tilespmem:v39+s3+$0x0], $0xffff  }
0xcb: {  	v39 =	vld [tilespmem:s15+$0x0];
	[tilespmem:s5+$0x2810] =	vst v42  }
0xcc: {  	v42 =	vld.idx.msk [tilespmem:v46+s3+$0x0], $0xffff;
	[tilespmem:s31+$0xA200] =	vst v40;
	v40 =	vadd.s32 $0x12, v0  }
0xcd: {  	v43 =	vld [tilespmem:s18+$0x0];
	[tilespmem:s11+$0x1010] =	vst v45  }
0xce: {  	v44 =	vadd.s32 $0xC, v1;
	v37 =	vld.idx.msk [tilespmem:v37+s3+$0x0], $0xffff;
	[tilespmem:s1+$0xB200] =	vst v41  }
0xcf: {  	[tilespmem:s9+$0x7600] =	vst v30;
	v30 =	vld.idx.msk [tilespmem:v25+s3+$0x0], $0xffff;
	v25 =	vmov v35  }
0xd0: {  	v41 =	vadd.s32 $0x6, v2;
	v35 =	vld.idx.msk [tilespmem:v36+s3+$0x0], $0xffff;
	[tilespmem:s0+$0x4410] =	vst v38  }
0xd1: {  	v39 =	vmul.u32 $0x15, v39;
	v40 =	vld.idx.msk [tilespmem:v40+s3+$0x0], $0xffff  }
0xd2: {  	v43 =	vmul.u32 $0x15, v43;
	[tilespmem:s5+$0x2C10] =	vst v42;
	v42 =	vld.idx.msk [tilespmem:v10+s3+$0x0], $0xffff;
	v10 =	vmov v15;
	v15 =	vmov v28  }
0xd3: {  	v28 =	vld.idx.msk [tilespmem:v44+s3+$0x0], $0xffff;
	v44 =	vadd.s32 $0x13, v0  }
0xd4: {  	v45 =	vadd.s32 $0x1, v43;
	v46 =	vadd.s32 $0x2, v43;
	v38 =	vadd.s32 $0x3, v43;
	[tilespmem:s11+$0x1410] =	vst v37;
	v47 =	vld.idx.msk [tilespmem:v11+s3+$0x0], $0xffff;
	v11 =	vmovc v3;
	v3 =	vmovc v6  }
0xd5: {  	v37 =	vadd.s32 $0x4, v43;
	v36 =	vadd.s32 $0x5, v43;
	v6 =	vmovc v18;
	v41 =	vld.idx.msk [tilespmem:v41+s3+$0x0], $0xffff;
	[tilespmem:s8+$0x8E00] =	vst v30;
	v30 =	vadd.s32 $0xD, v1  }
0xd6: {  	v48 =	vadd.s32 $0x6, v43;
	v49 =	vadd.s32 $0x7, v43;
	v50 =	vadd.s32 $0x8, v43;
	[tilespmem:s9+$0x7A00] =	vst v35;
	v51 =	vld.idx.msk [tilespmem:v23+s3+$0x0], $0xffff;
	v23 =	vmovc v29  }
0xd7: {  	v54 =	vadd.s32 $0x7, v2;
	v52 =	vadd.s32 $0x9, v43;
	v35 =	vadd.s32 $0xA, v43;
	v53 =	vld.idx.msk [tilespmem:v39+s3+$0x0], $0xffff;
	[tilespmem:s0+$0x4810] =	vst v40  }
0xd8: {  	v55 =	vadd.s32 $0xD, v43;
	v29 =	vadd.s32 $0xB, v43;
	v40 =	vadd.s32 $0xC, v43;
	[tilespmem:s31+$0xA600] =	vst v42;
	v42 =	vld.idx.msk [tilespmem:v44+s3+$0x0], $0xffff  }
0xd9: {  	v58 =	vadd.s32 $0x1, v39;
	v56 =	vadd.s32 $0xE, v43;
	v57 =	vadd.s32 $0xF, v43;
	v44 =	vld.idx.msk [tilespmem:v43+s3+$0x0], $0xffff;
	[tilespmem:s5+$0x3010] =	vst v28  }
0xda: {  	v61 =	vadd.s32 $0x14, v0;
	v0 =	vmovc v1;
	v59 =	vadd.s32 $0x11, v43;
	v1 =	vmovc v2;
	v28 =	vadd.s32 $0x10, v43;
	v60 =	vld.idx.msk [tilespmem:v30+s3+$0x0], $0xffff;
	[tilespmem:s1+$0xB600] =	vst v47;
	s1 =	smov.u32 s31;
	s31 =	smov.u32 s8;
	s8 =	smov.u32 s9  }
0xdb: {  	v18 =	vadd.s32 $0x14, v43;
	v2 =	vmovc v39;
	v47 =	vadd.s32 $0x12, v43;
	v30 =	vadd.s32 $0x13, v43;
	s9 =	smov.u32 s14;
	v43 =	vld.idx.msk [tilespmem:v34+s3+$0x0], $0xffff;
	[tilespmem:s11+$0x1810] =	vst v41;
	v34 =	vmovc v48  }
0xdc: {  	s11 =	sadd.s32 $0x20, s11;
	v41 =	vadd.s32 $0xE, v0;
	v39 =	vld.idx.msk [tilespmem:v54+s3+$0x0], $0xffff;
	[tilespmem:s31+$0x9200] =	vst v51  }
0xdd: {  	[tilespmem:s11+$0x10] =	vst v53;
	v48 =	vld.idx.msk [tilespmem:v22+s3+$0x0], $0xffff;
	v22 =	vmov v27;
	v27 =	vmov v40  }
0xde: {  	v51 =	vadd.s32 $0x8, v1;
	v40 =	vld.idx.msk [tilespmem:v58+s3+$0x0], $0xffff;
	[tilespmem:s0+$0x4C10] =	vst v42  }
0xdf: {  	[tilespmem:s11+$0x0] =	vst v44;
	v42 =	vld.idx.msk [tilespmem:v61+s3+$0x0], $0xffff  }
0xe0: {  	v44 =	vld.idx.msk [tilespmem:v45+s3+$0x0], $0xffff;
	v45 =	vadd.s32 $0x2, v2;
	[tilespmem:s5+$0x3410] =	vst v60  }
0xe1: {  	[tilespmem:s8+$0x7E00] =	vst v43;
	v41 =	vld.idx.msk [tilespmem:v41+s3+$0x0], $0xffff  }
0xe2: {  	v43 =	vld.idx.msk [tilespmem:v33+s3+$0x0], $0xffff;
	[tilespmem:s10+$0x1C10] =	vst v39;
	v33 =	vmov v49  }
0xe3: {  	v39 =	vld.idx.msk [tilespmem:v51+s3+$0x0], $0xffff;
	[tilespmem:s31+$0x9600] =	vst v48;
	v48 =	vadd.s32 $0xF, v0  }
0xe4: {  	[tilespmem:s11+$0x410] =	vst v40;
	v40 =	vld.idx.msk [tilespmem:v20+s3+$0x0], $0xffff;
	v20 =	vmov v26;
	v26 =	vmov v55  }
0xe5: {  	v49 =	vadd.s32 $0x9, v1;
	v45 =	vld.idx.msk [tilespmem:v45+s3+$0x0], $0xffff;
	[tilespmem:s0+$0x5010] =	vst v42;
	s0 =	smov.u32 s5;
	s5 =	smov.u32 s10;
	s10 =	smov.u32 s11  }
0xe6: {  	[tilespmem:s9+$0x6A00] =	vst v44;
	v42 =	vld.idx.msk [tilespmem:v8+s3+$0x0], $0xffff;
	v8 =	vmov v12;
	v12 =	vmov v17;
	v17 =	vmov v59  }
0xe7: {  	v44 =	vld.idx.msk [tilespmem:v46+s3+$0x0], $0xffff;
	v46 =	vadd.s32 $0x3, v2;
	[tilespmem:s0+$0x3810] =	vst v41  }
0xe8: {  	[tilespmem:s8+$0x8200] =	vst v43;
	v43 =	vld.idx.msk [tilespmem:v48+s3+$0x0], $0xffff  }
0xe9: {  	v48 =	vld.idx.msk [tilespmem:v32+s3+$0x0], $0xffff;
	[tilespmem:s5+$0x2010] =	vst v39;
	v32 =	vmov v50  }
0xea: {  	v39 =	vld.idx.msk [tilespmem:v49+s3+$0x0], $0xffff;
	[tilespmem:s31+$0x9A00] =	vst v40;
	v40 =	vadd.s32 $0x10, v0  }
0xeb: {  	[tilespmem:s11+$0x810] =	vst v45;
	v49 =	vld.idx.msk [tilespmem:v19+s3+$0x0], $0xffff;
	v19 =	vmov v24;
	v24 =	vmov v56  }
0xec: {  	v50 =	vadd.s32 $0xA, v1;
	v46 =	vld.idx.msk [tilespmem:v46+s3+$0x0], $0xffff;
	[tilespmem:s1+$0xAA00] =	vst v42  }
0xed: {  	[tilespmem:s9+$0x6E00] =	vst v44;
	v41 =	vld.idx.msk [tilespmem:v5+s3+$0x0], $0xffff;
	v5 =	vmov v9;
	v9 =	vmov v14;
	v14 =	vmov v47  }
.Ltmp4:
0xee: {  	v45 =	vadd.s32 $0x4, v2;
	v44 =	vld.idx.msk [tilespmem:v38+s3+$0x0], $0xffff;
	[tilespmem:s0+$0x3C10] =	vst v43;
	(pc) =	sbr.rel @p0 .LBB2_4-.Ltmp4, $4  }
0xef: {  	[tilespmem:s8+$0x8600] =	vst v48;
	v38 =	vld.idx.msk [tilespmem:v40+s3+$0x0], $0xffff  }
0xf0: {  	v43 =	vld.idx.msk [tilespmem:v31+s3+$0x0], $0xffff;
	[tilespmem:s5+$0x2410] =	vst v39;
	v31 =	vmov v52  }
0xf1: {  	v39 =	vadd.s32 $0x11, v0;
	v42 =	vld.idx.msk [tilespmem:v50+s3+$0x0], $0xffff;
	[tilespmem:s31+$0x9E00] =	vst v49  }
0xf2: {  	s13 =	sadd.s32 $0x20, s13;
	[tilespmem:s11+$0xC10] =	vst v46;
	v40 =	vld.idx.msk [tilespmem:v16+s3+$0x0], $0xffff;
	v16 =	vmov v21;
	v21 =	vmov v57  }
0xf3: {  	_ =	sdelay $0x3  }
0xf4: {  	v45 =	vld.idx.msk [tilespmem:v45+s3+$0x0], $0xffff;
	[tilespmem:s9+$0x7200] =	vst v44  }
0xf5: {  	v52 =	vadd.s32 $0x5, v2;
	v37 =	vld.idx.msk [tilespmem:v37+s3+$0x0], $0xffff;
	_ =	sdelay $0x3  }
0xf6: {  	[tilespmem:s11+$0x1010] =	vst v45  }
0xf7: {  	v44 =	vld.idx.msk [tilespmem:v52+s3+$0x0], $0xffff;
	[tilespmem:s9+$0x7600] =	vst v37  }
0xf8: {  	v53 =	vadd.s32 $0x6, v2;
	v36 =	vld.idx.msk [tilespmem:v36+s3+$0x0], $0xffff;
	_ =	sdelay $0x3  }
0xf9: {  	[tilespmem:s11+$0x1410] =	vst v44  }
0xfa: {  	v37 =	vld.idx.msk [tilespmem:v53+s3+$0x0], $0xffff;
	[tilespmem:s9+$0x7A00] =	vst v36  }
0xfb: {  	v54 =	vadd.s32 $0x7, v2;
	v34 =	vld.idx.msk [tilespmem:v34+s3+$0x0], $0xffff;
	_ =	sdelay $0x3  }
0xfc: {  	[tilespmem:s11+$0x1810] =	vst v37  }
0xfd: {  	v36 =	vld.idx.msk [tilespmem:v54+s3+$0x0], $0xffff;
	[tilespmem:s9+$0x7E00] =	vst v34  }
0xfe: {  	v55 =	vadd.s32 $0x8, v2;
	v33 =	vld.idx.msk [tilespmem:v33+s3+$0x0], $0xffff;
	_ =	sdelay $0x3  }
0xff: {  	[tilespmem:s10+$0x1C10] =	vst v36  }
0x100: {  	v34 =	vld.idx.msk [tilespmem:v55+s3+$0x0], $0xffff;
	[tilespmem:s9+$0x8200] =	vst v33  }
0x101: {  	v56 =	vadd.s32 $0x9, v2;
	v32 =	vld.idx.msk [tilespmem:v32+s3+$0x0], $0xffff;
	_ =	sdelay $0x3  }
0x102: {  	[tilespmem:s10+$0x2010] =	vst v34  }
0x103: {  	v33 =	vld.idx.msk [tilespmem:v56+s3+$0x0], $0xffff;
	[tilespmem:s9+$0x8600] =	vst v32  }
0x104: {  	v57 =	vadd.s32 $0xA, v2;
	v31 =	vld.idx.msk [tilespmem:v31+s3+$0x0], $0xffff;
	_ =	sdelay $0x1  }
0x105: {  	[tilespmem:s8+$0x8A00] =	vst v43  }
0x106: {  	v25 =	vld.idx.msk [tilespmem:v25+s3+$0x0], $0xffff  }
0x107: {  	[tilespmem:s10+$0x2410] =	vst v33  }
0x108: {  	v58 =	vadd.s32 $0xB, v1;
	v32 =	vld.idx.msk [tilespmem:v57+s3+$0x0], $0xffff;
	[tilespmem:s9+$0x8A00] =	vst v31  }
0x109: {  	v59 =	vadd.s32 $0xB, v2;
	v60 =	vld.idx.msk [tilespmem:v35+s3+$0x0], $0xffff;
	_ =	sdelay $0x1  }
0x10a: {  	[tilespmem:s8+$0x8E00] =	vst v25  }
0x10b: {  	[tilespmem:s5+$0x2810] =	vst v42;
	v23 =	vld.idx.msk [tilespmem:v23+s3+$0x0], $0xffff  }
0x10c: {  	v34 =	vld.idx.msk [tilespmem:v58+s3+$0x0], $0xffff;
	[tilespmem:s10+$0x2810] =	vst v32  }
0x10d: {  	v61 =	vadd.s32 $0xC, v1;
	v31 =	vld.idx.msk [tilespmem:v59+s3+$0x0], $0xffff;
	[tilespmem:s9+$0x8E00] =	vst v60  }
0x10e: {  	v62 =	vadd.s32 $0xC, v2;
	v29 =	vld.idx.msk [tilespmem:v29+s3+$0x0], $0xffff;
	_ =	sdelay $0x1  }
0x10f: {  	[tilespmem:s8+$0x9200] =	vst v23  }
0x110: {  	v22 =	vld.idx.msk [tilespmem:v22+s3+$0x0], $0xffff;
	[tilespmem:s5+$0x2C10] =	vst v34  }
0x111: {  	v25 =	vld.idx.msk [tilespmem:v61+s3+$0x0], $0xffff;
	[tilespmem:s10+$0x2C10] =	vst v31  }
0x112: {  	v63 =	vadd.s32 $0xD, v1;
	v31 =	vld.idx.msk [tilespmem:v62+s3+$0x0], $0xffff;
	[tilespmem:s9+$0x9200] =	vst v29  }
0x113: {  	v33 =	vadd.s32 $0xD, v2;
	v27 =	vld.idx.msk [tilespmem:v27+s3+$0x0], $0xffff;
	_ =	sdelay $0x1  }
0x114: {  	[tilespmem:s8+$0x9600] =	vst v22  }
0x115: {  	v20 =	vld.idx.msk [tilespmem:v20+s3+$0x0], $0xffff;
	[tilespmem:s5+$0x3010] =	vst v25  }
0x116: {  	v23 =	vld.idx.msk [tilespmem:v63+s3+$0x0], $0xffff;
	[tilespmem:s10+$0x3010] =	vst v31  }
0x117: {  	v34 =	vadd.s32 $0xE, v1;
	v35 =	vld.idx.msk [tilespmem:v33+s3+$0x0], $0xffff;
	[tilespmem:s9+$0x9600] =	vst v27  }
0x118: {  	v36 =	vadd.s32 $0xE, v2;
	v26 =	vld.idx.msk [tilespmem:v26+s3+$0x0], $0xffff  }
0x119: {  	[tilespmem:s1+$0xAE00] =	vst v41  }
0x11a: {  	v13 =	vld.idx.msk [tilespmem:v13+s3+$0x0], $0xffff;
	[tilespmem:s8+$0x9A00] =	vst v20  }
0x11b: {  	v19 =	vld.idx.msk [tilespmem:v19+s3+$0x0], $0xffff;
	[tilespmem:s5+$0x3410] =	vst v23  }
0x11c: {  	v22 =	vld.idx.msk [tilespmem:v34+s3+$0x0], $0xffff;
	[tilespmem:s10+$0x3410] =	vst v35  }
0x11d: {  	v37 =	vadd.s32 $0xF, v1;
	v41 =	vld.idx.msk [tilespmem:v36+s3+$0x0], $0xffff;
	[tilespmem:s9+$0x9A00] =	vst v26  }
0x11e: {  	v42 =	vadd.s32 $0xF, v2;
	v24 =	vld.idx.msk [tilespmem:v24+s3+$0x0], $0xffff  }
0x11f: {  	[tilespmem:s1+$0xB200] =	vst v13  }
0x120: {  	v11 =	vld.idx.msk [tilespmem:v11+s3+$0x0], $0xffff;
	[tilespmem:s8+$0x9E00] =	vst v19  }
0x121: {  	v16 =	vld.idx.msk [tilespmem:v16+s3+$0x0], $0xffff;
	[tilespmem:s5+$0x3810] =	vst v22  }
0x122: {  	v20 =	vld.idx.msk [tilespmem:v37+s3+$0x0], $0xffff;
	[tilespmem:s10+$0x3810] =	vst v41  }
0x123: {  	v43 =	vadd.s32 $0x10, v1;
	v13 =	vld.idx.msk [tilespmem:v42+s3+$0x0], $0xffff;
	[tilespmem:s9+$0x9E00] =	vst v24  }
0x124: {  	[tilespmem:s31+$0xA200] =	vst v40;
	v44 =	vadd.s32 $0x10, v2;
	v21 =	vld.idx.msk [tilespmem:v21+s3+$0x0], $0xffff  }
0x125: {  	v10 =	vld.idx.msk [tilespmem:v10+s3+$0x0], $0xffff;
	[tilespmem:s1+$0xB600] =	vst v11  }
0x126: {  	[tilespmem:s8+$0xA200] =	vst v16  }
0x127: {  	v15 =	vld.idx.msk [tilespmem:v15+s3+$0x0], $0xffff;
	[tilespmem:s5+$0x3C10] =	vst v20  }
0x128: {  	v19 =	vld.idx.msk [tilespmem:v43+s3+$0x0], $0xffff;
	[tilespmem:s10+$0x3C10] =	vst v13  }
0x129: {  	v45 =	vadd.s32 $0x11, v1;
	v11 =	vld.idx.msk [tilespmem:v44+s3+$0x0], $0xffff;
	[tilespmem:s9+$0xA200] =	vst v21  }
0x12a: {  	v46 =	vadd.s32 $0x11, v2;
	[tilespmem:s31+$0xA600] =	vst v10;
	v47 =	vld.idx.msk [tilespmem:v28+s3+$0x0], $0xffff  }
0x12b: {  	[tilespmem:s0+$0x4010] =	vst v38;
	v8 =	vld.idx.msk [tilespmem:v8+s3+$0x0], $0xffff  }
0x12c: {  	v48 =	vld.idx.msk [tilespmem:v39+s3+$0x0], $0xffff;
	[tilespmem:s8+$0xA600] =	vst v15  }
0x12d: {  	v49 =	vadd.s32 $0x12, v0;
	v12 =	vld.idx.msk [tilespmem:v12+s3+$0x0], $0xffff;
	[tilespmem:s5+$0x4010] =	vst v19  }
0x12e: {  	v16 =	vld.idx.msk [tilespmem:v45+s3+$0x0], $0xffff;
	[tilespmem:s10+$0x4010] =	vst v11  }
0x12f: {  	v50 =	vadd.s32 $0x12, v1;
	v11 =	vld.idx.msk [tilespmem:v46+s3+$0x0], $0xffff;
	[tilespmem:s9+$0xA600] =	vst v47  }
0x130: {  	v51 =	vadd.s32 $0x12, v2;
	[tilespmem:s31+$0xAA00] =	vst v8;
	v17 =	vld.idx.msk [tilespmem:v17+s3+$0x0], $0xffff  }
0x131: {  	[tilespmem:s0+$0x4410] =	vst v48;
	v5 =	vld.idx.msk [tilespmem:v5+s3+$0x0], $0xffff  }
0x132: {  	v10 =	vld.idx.msk [tilespmem:v49+s3+$0x0], $0xffff;
	[tilespmem:s8+$0xAA00] =	vst v12  }
0x133: {  	v52 =	vadd.s32 $0x13, v0;
	v9 =	vld.idx.msk [tilespmem:v9+s3+$0x0], $0xffff;
	[tilespmem:s5+$0x4410] =	vst v16  }
0x134: {  	v15 =	vld.idx.msk [tilespmem:v50+s3+$0x0], $0xffff;
	[tilespmem:s10+$0x4410] =	vst v11  }
0x135: {  	v53 =	vadd.s32 $0x13, v1;
	v11 =	vld.idx.msk [tilespmem:v51+s3+$0x0], $0xffff;
	[tilespmem:s9+$0xAA00] =	vst v17  }
0x136: {  	v54 =	vadd.s32 $0x13, v2;
	[tilespmem:s31+$0xAE00] =	vst v5;
	v55 =	vld.idx.msk [tilespmem:v14+s3+$0x0], $0xffff  }
0x137: {  	[tilespmem:s0+$0x4810] =	vst v10;
	v4 =	vld.idx.msk [tilespmem:v4+s3+$0x0], $0xffff  }
0x138: {  	v8 =	vld.idx.msk [tilespmem:v52+s3+$0x0], $0xffff;
	[tilespmem:s8+$0xAE00] =	vst v9  }
0x139: {  	v56 =	vadd.s32 $0x14, v0;
	v7 =	vld.idx.msk [tilespmem:v7+s3+$0x0], $0xffff;
	[tilespmem:s5+$0x4810] =	vst v15  }
0x13a: {  	v57 =	vld.idx.msk [tilespmem:v53+s3+$0x0], $0xffff;
	[tilespmem:s10+$0x4810] =	vst v11  }
0x13b: {  	v58 =	vadd.s32 $0x14, v1;
	v59 =	vld.idx.msk [tilespmem:v54+s3+$0x0], $0xffff;
	[tilespmem:s9+$0xAE00] =	vst v55  }
0x13c: {  	[tilespmem:s31+$0xB200] =	vst v4;
	v60 =	vadd.s32 $0x14, v2;
	v61 =	vld.idx.msk [tilespmem:v30+s3+$0x0], $0xffff  }
0x13d: {  	[tilespmem:s0+$0x4C10] =	vst v8;
	v3 =	vld.idx.msk [tilespmem:v3+s3+$0x0], $0xffff  }
0x13e: {  	v0 =	vld.idx.msk [tilespmem:v56+s3+$0x0], $0xffff;
	[tilespmem:s8+$0xB200] =	vst v7  }
0x13f: {  	v62 =	vld.idx.msk [tilespmem:v6+s3+$0x0], $0xffff;
	[tilespmem:s5+$0x4C10] =	vst v57  }
0x140: {  	v1 =	vld.idx.msk [tilespmem:v58+s3+$0x0], $0xffff;
	[tilespmem:s10+$0x4C10] =	vst v59  }
0x141: {  	v2 =	vld.idx.msk [tilespmem:v60+s3+$0x0], $0xffff;
	[tilespmem:s9+$0xB200] =	vst v61  }
0x142: {  	[tilespmem:s31+$0xB600] =	vst v3;
	v63 =	vld.idx.msk [tilespmem:v18+s3+$0x0], $0xffff  }
0x143: {  	[tilespmem:s0+$0x5010] =	vst v0  }
0x144: {  	[tilespmem:s8+$0xB600] =	vst v62  }
0x145: {  	s8 =	sadd.s32 s4, s30;
	[tilespmem:s5+$0x5010] =	vst v1  }
0x146: {  	s0 =	sshrl.u32 s8, $0x3;
	[tilespmem:s10+$0x5010] =	vst v2  }
0x147: {  	s0 =	sadd.s32 s2, s0;
	[tilespmem:s9+$0xB600] =	vst v63;
	s9 =	simm.s32 $0x6600  }
0x148: {  	[hbm4b:s0+s3] =	stream.linear.scatter [tilespmem:s9], [sflag:$0x1], $0x400, $0x38;
	[tilespmem:$0x10E00] =	vst v63  }
0x149: {  	s10 =	rddreg [dreg:$0x7]  }
0x14a: {  	s0 =	sadd.s32 s30, s10  }
0x14b: {  	s0 =	sshrl.u32 s0, $0x3  }
0x14c: {  	s11 =	simm.s32 $0x6A00;
	s12 =	rddreg [dreg:$0x8];
	s0 =	sadd.s32 s2, s0  }
0x14d: {  	[hbm4b:s0+s3] =	stream.linear.scatter [tilespmem:s11], [sflag:$0x1], $0x400, $0x38;
	[tilespmem:$0x10E00] =	vst v63  }
0x14e: {  	s0 =	sadd.s32 s30, s12  }
0x14f: {  	s0 =	sshrl.u32 s0, $0x3  }
0x150: {  	s13 =	simm.s32 $0x6E00;
	s14 =	rddreg [dreg:$0x9];
	s0 =	sadd.s32 s2, s0  }
0x151: {  	[hbm4b:s0+s3] =	stream.linear.scatter [tilespmem:s13], [sflag:$0x1], $0x400, $0x38;
	[tilespmem:$0x10E00] =	vst v63  }
0x152: {  	s0 =	sadd.s32 s30, s14  }
0x153: {  	s0 =	sshrl.u32 s0, $0x3  }
0x154: {  	s15 =	simm.s32 $0x7200;
	s16 =	rddreg [dreg:$0xa];
	s0 =	sadd.s32 s2, s0  }
0x155: {  	[hbm4b:s0+s3] =	stream.linear.scatter [tilespmem:s15], [sflag:$0x1], $0x400, $0x38;
	[tilespmem:$0x10E00] =	vst v63  }
0x156: {  	s0 =	sadd.s32 s30, s16  }
0x157: {  	s0 =	sshrl.u32 s0, $0x3  }
0x158: {  	s17 =	simm.s32 $0x7600;
	s18 =	rddreg [dreg:$0xb];
	s0 =	sadd.s32 s2, s0  }
0x159: {  	[hbm4b:s0+s3] =	stream.linear.scatter [tilespmem:s17], [sflag:$0x1], $0x400, $0x38;
	[tilespmem:$0x10E00] =	vst v63  }
0x15a: {  	s0 =	sadd.s32 s30, s18  }
0x15b: {  	s0 =	sshrl.u32 s0, $0x3  }
0x15c: {  	s31 =	simm.s32 $0x7A00;
	s5 =	rddreg [dreg:$0xc];
	s0 =	sadd.s32 s2, s0  }
0x15d: {  	[hbm4b:s0+s3] =	stream.linear.scatter [tilespmem:s31], [sflag:$0x1], $0x400, $0x38;
	[tilespmem:$0x10E00] =	vst v63  }
0x15e: {  	s0 =	sadd.s32 s30, s5  }
0x15f: {  	s0 =	sshrl.u32 s0, $0x3  }
0x160: {  	s7 =	simm.s32 $0x7E00;
	s8 =	rddreg [dreg:$0xd];
	s0 =	sadd.s32 s2, s0  }
0x161: {  	[hbm4b:s0+s3] =	stream.linear.scatter [tilespmem:s7], [sflag:$0x1], $0x400, $0x38;
	[tilespmem:$0x10E00] =	vst v63  }
0x162: {  	s0 =	sadd.s32 s30, s8  }
0x163: {  	s0 =	sshrl.u32 s0, $0x3  }
0x164: {  	s9 =	simm.s32 $0x8200;
	s10 =	rddreg [dreg:$0xe];
	s0 =	sadd.s32 s2, s0  }
0x165: {  	[hbm4b:s0+s3] =	stream.linear.scatter [tilespmem:s9], [sflag:$0x1], $0x400, $0x38;
	[tilespmem:$0x10E00] =	vst v63  }
0x166: {  	s0 =	sadd.s32 s30, s10  }
0x167: {  	s0 =	sshrl.u32 s0, $0x3  }
0x168: {  	s11 =	simm.s32 $0x8600;
	s12 =	rddreg [dreg:$0xf];
	s0 =	sadd.s32 s2, s0  }
0x169: {  	[hbm4b:s0+s3] =	stream.linear.scatter [tilespmem:s11], [sflag:$0x1], $0x400, $0x38;
	[tilespmem:$0x10E00] =	vst v63  }
0x16a: {  	s0 =	sadd.s32 s30, s12  }
0x16b: {  	s0 =	sshrl.u32 s0, $0x3  }
0x16c: {  	s13 =	simm.s32 $0x8A00;
	s14 =	rddreg [dreg:$0x10];
	s0 =	sadd.s32 s2, s0  }
0x16d: {  	[hbm4b:s0+s3] =	stream.linear.scatter [tilespmem:s13], [sflag:$0x1], $0x400, $0x38;
	[tilespmem:$0x10E00] =	vst v63  }
0x16e: {  	s0 =	sadd.s32 s30, s14  }
0x16f: {  	s0 =	sshrl.u32 s0, $0x3  }
0x170: {  	s15 =	simm.s32 $0x8E00;
	s16 =	rddreg [dreg:$0x11];
	s0 =	sadd.s32 s2, s0  }
0x171: {  	[hbm4b:s0+s3] =	stream.linear.scatter [tilespmem:s15], [sflag:$0x1], $0x400, $0x38;
	[tilespmem:$0x10E00] =	vst v63  }
0x172: {  	s0 =	sadd.s32 s30, s16  }
0x173: {  	s0 =	sshrl.u32 s0, $0x3  }
0x174: {  	s17 =	simm.s32 $0x9200;
	s18 =	sadd.s32 s30, s19;
	s0 =	sadd.s32 s2, s0  }
0x175: {  	[hbm4b:s0+s3] =	stream.linear.scatter [tilespmem:s17], [sflag:$0x1], $0x400, $0x38;
	[tilespmem:$0x10E00] =	vst v63  }
0x176: {  	s0 =	sshrl.u32 s18, $0x3  }
0x177: {  	s1 =	sadd.s32 s30, s20;
	s31 =	simm.s32 $0x9600;
	s0 =	sadd.s32 s2, s0  }
0x178: {  	[hbm4b:s0+s3] =	stream.linear.scatter [tilespmem:s31], [sflag:$0x1], $0x400, $0x38;
	[tilespmem:$0x10E00] =	vst v63  }
0x179: {  	s0 =	sshrl.u32 s1, $0x3  }
0x17a: {  	s5 =	simm.s32 $0x9A00;
	s7 =	sadd.s32 s30, s21;
	s0 =	sadd.s32 s2, s0  }
0x17b: {  	[hbm4b:s0+s3] =	stream.linear.scatter [tilespmem:s5], [sflag:$0x1], $0x400, $0x38;
	[tilespmem:$0x10E00] =	vst v63  }
0x17c: {  	s0 =	sshrl.u32 s7, $0x3  }
0x17d: {  	s8 =	simm.s32 $0x9E00;
	s9 =	sadd.s32 s30, s22;
	s0 =	sadd.s32 s2, s0  }
0x17e: {  	[hbm4b:s0+s3] =	stream.linear.scatter [tilespmem:s8], [sflag:$0x1], $0x400, $0x38;
	[tilespmem:$0x10E00] =	vst v63  }
0x17f: {  	s0 =	sshrl.u32 s9, $0x3  }
0x180: {  	s10 =	simm.s32 $0xA200;
	s11 =	sadd.s32 s30, s23;
	s0 =	sadd.s32 s2, s0  }
0x181: {  	[hbm4b:s0+s3] =	stream.linear.scatter [tilespmem:s10], [sflag:$0x1], $0x400, $0x38;
	[tilespmem:$0x10E00] =	vst v63  }
0x182: {  	s0 =	sshrl.u32 s11, $0x3  }
0x183: {  	s12 =	simm.s32 $0xA600;
	s13 =	sadd.s32 s30, s24;
	s0 =	sadd.s32 s2, s0  }
0x184: {  	[hbm4b:s0+s3] =	stream.linear.scatter [tilespmem:s12], [sflag:$0x1], $0x400, $0x38;
	[tilespmem:$0x10E00] =	vst v63  }
0x185: {  	s0 =	sshrl.u32 s13, $0x3  }
0x186: {  	s14 =	simm.s32 $0xAA00;
	s15 =	sadd.s32 s30, s26;
	s0 =	sadd.s32 s2, s0  }
0x187: {  	[hbm4b:s0+s3] =	stream.linear.scatter [tilespmem:s14], [sflag:$0x1], $0x400, $0x38;
	[tilespmem:$0x10E00] =	vst v63  }
0x188: {  	s0 =	sshrl.u32 s15, $0x3  }
0x189: {  	s16 =	simm.s32 $0xAE00;
	s17 =	sadd.s32 s30, s28;
	s0 =	sadd.s32 s2, s0  }
0x18a: {  	[hbm4b:s0+s3] =	stream.linear.scatter [tilespmem:s16], [sflag:$0x1], $0x400, $0x38;
	[tilespmem:$0x10E00] =	vst v63  }
0x18b: {  	s0 =	sshrl.u32 s17, $0x3  }
0x18c: {  	s18 =	simm.s32 $0xB200;
	s30 =	sadd.s32 s30, s29;
	s0 =	sadd.s32 s2, s0  }
0x18d: {  	[hbm4b:s0+s3] =	stream.linear.scatter [tilespmem:s18], [sflag:$0x1], $0x400, $0x38;
	[tilespmem:$0x10E00] =	vst v63  }
0x18e: {  	s0 =	sshrl.u32 s30, $0x3  }
0x18f: {  	p0 =	sne.s32 s25, $0x0;
	s31 =	simm.s32 $0xB600;
	s0 =	sadd.s32 s2, s0  }
0x190: {  	[hbm4b:s0+s3] =	stream.linear.scatter [tilespmem:s31], [sflag:$0x1], $0x400, $0x38;
	[tilespmem:$0x10E00] =	vst v63  }
0x191: {  	s0 =	simm.s32 @p0 $0x2  }
0x192: {  	_ =	swait.ge @p0 [sflag:s0], $0x5400  }
0x193: {  	[sflag:s0] =	ssyncset.done @p0 $0x0  }
0x194: {  	[sflag:s0] =	ssyncadd.s32 @p0 $0xFFFFAC00;
	s0 =	sor.u32 $0x1, s6  }
0x195: {  	p1 =	sgt.u32 s0, $0x18  }
.Ltmp5:
0x196: {  	_ = 	snop;
	(pc) =	sbr.rel @p1 .LBB2_9-.Ltmp5, $4  }
0x197: {  	s1 =	simm.s32 @!p0 $0x3  }
0x198: {  	_ =	swait.ge @!p0 [sflag:s1], $0x6000  }
0x199: {  	[sflag:s1] =	ssyncset.done @!p0 $0x0  }
0x19a: {  	[sflag:s1] =	ssyncadd.s32 @!p0 $0xFFFFA000  }
0x19b: {  	s6 =	sshll.u32 s0, $0xA  }
0x19c: {  	s1 =	simm.s32 $0x0;
	s0 =	sand.u32 $0x3FFFFC00, s6  }
0x19d: {  	s17 =	simm.s32 $0x10;
	s5 =	sand.u32 $0x380, s1;
	s7 =	sor.u32 $0x200, s0  }
0x19e: {  	s0 =	sand.u32 $0x70, s17;
	s8 =	sadd.s32 s5, s7  }
0x19f: {  	s0 =	sadd.s32 s0, s8  }
0x1a0: {  	v0 =	vld [tilespmem:s0+$0x0];
	_ =	sdelay $0x4  }
0x1a1: {  	s18 =	sand.u32 $0x60, s1;
	v4 =	vmul.u32 $0x15, v0  }
0x1a2: {  	s1 =	sadd.s32 s18, s8  }
0x1a3: {  	v0 =	vld [tilespmem:s1+$0x0];
	_ =	sdelay $0x3  }
0x1a4: {  	v1 =	vld.idx.msk [tilespmem:v4+s3+$0x0], $0xffff  }
0x1a5: {  	v2 =	vadd.s32 $0x1, v4;
	v3 =	vmul.u32 $0x15, v0;
	_ =	sdelay $0x2  }
0x1a6: {  	s10 =	simm.s32 $0xBA00  }
0x1a7: {  	[tilespmem:s10+$0x10] =	vst v1  }
0x1a8: {  	v0 =	vld.idx.msk [tilespmem:v2+s3+$0x0], $0xffff  }
0x1a9: {  	v1 =	vadd.s32 $0x2, v4;
	v2 =	vld.idx.msk [tilespmem:v3+s3+$0x0], $0xffff  }
0x1aa: {  	v5 =	vadd.s32 $0x1, v3;
	_ =	sdelay $0x2  }
0x1ab: {  	[tilespmem:s10+$0x410] =	vst v0  }
0x1ac: {  	[tilespmem:s10+$0x0] =	vst v2;
	v0 =	vld.idx.msk [tilespmem:v1+s3+$0x0], $0xffff  }
0x1ad: {  	v1 =	vadd.s32 $0x3, v4;
	v2 =	vld.idx.msk [tilespmem:v5+s3+$0x0], $0xffff  }
0x1ae: {  	v5 =	vadd.s32 $0x2, v3;
	_ =	sdelay $0x2  }
0x1af: {  	s1 =	sor.u32 s18, s5;
	[tilespmem:s10+$0x810] =	vst v0  }
0x1b0: {  	[tilespmem:s1+$0xBE00] =	vst v2;
	v0 =	vld.idx.msk [tilespmem:v1+s3+$0x0], $0xffff  }
0x1b1: {  	v1 =	vadd.s32 $0x4, v4;
	v2 =	vld.idx.msk [tilespmem:v5+s3+$0x0], $0xffff  }
0x1b2: {  	v5 =	vadd.s32 $0x3, v3;
	_ =	sdelay $0x1  }
0x1b3: {  	s31 =	simm.s32 $0x20  }
0x1b4: {  	s11 =	sand.u32 $0x380, s31;
	s8 =	simm.s32 $0x30;
	[tilespmem:s10+$0xC10] =	vst v0  }
0x1b5: {  	s9 =	sadd.s32 s11, s7;
	s5 =	sand.u32 $0x70, s8;
	[tilespmem:s1+$0xC200] =	vst v2;
	v0 =	vld.idx.msk [tilespmem:v1+s3+$0x0], $0xffff  }
0x1b6: {  	s5 =	sadd.s32 s5, s9;
	v2 =	vld.idx.msk [tilespmem:v5+s3+$0x0], $0xffff  }
0x1b7: {  	v5 =	vld [tilespmem:s5+$0x0]  }
0x1b8: {  	v1 =	vadd.s32 $0x5, v4  }
0x1b9: {  	v6 =	vadd.s32 $0x4, v3  }
0x1ba: {  	s12 =	sand.u32 $0x60, s31  }
0x1bb: {  	s0 =	sadd.s32 s12, s9;
	[tilespmem:s10+$0x1010] =	vst v0  }
0x1bc: {  	[tilespmem:s1+$0xC600] =	vst v2;
	v2 =	vld [tilespmem:s0+$0x0];
	v0 =	vmul.u32 $0x15, v5  }
0x1bd: {  	v1 =	vld.idx.msk [tilespmem:v1+s3+$0x0], $0xffff  }
0x1be: {  	v7 =	vadd.s32 $0x6, v4;
	v5 =	vld.idx.msk [tilespmem:v6+s3+$0x0], $0xffff  }
0x1bf: {  	v8 =	vadd.s32 $0x5, v3;
	_ =	sdelay $0x2  }
0x1c0: {  	v6 =	vmul.u32 $0x15, v2;
	[tilespmem:s10+$0x1410] =	vst v1;
	v2 =	vld.idx.msk [tilespmem:v0+s3+$0x0], $0xffff  }
0x1c1: {  	[tilespmem:s1+$0xCA00] =	vst v5;
	v1 =	vld.idx.msk [tilespmem:v7+s3+$0x0], $0xffff  }
0x1c2: {  	v5 =	vld.idx.msk [tilespmem:v8+s3+$0x0], $0xffff;
	v8 =	vadd.s32 $0x1, v0  }
0x1c3: {  	v7 =	vadd.s32 $0x7, v4  }
0x1c4: {  	v9 =	vadd.s32 $0x6, v3;
	s0 =	simm.s32 $0xBA20  }
0x1c5: {  	[tilespmem:s0+$0x10] =	vst v2  }
0x1c6: {  	v10 =	vld.idx.msk [tilespmem:v6+s3+$0x0], $0xffff;
	[tilespmem:s10+$0x1810] =	vst v1  }
0x1c7: {  	[tilespmem:s1+$0xCE00] =	vst v5;
	v5 =	vld.idx.msk [tilespmem:v8+s3+$0x0], $0xffff  }
0x1c8: {  	v2 =	vadd.s32 $0x1, v6;
	v1 =	vld.idx.msk [tilespmem:v7+s3+$0x0], $0xffff  }
0x1c9: {  	v8 =	vld.idx.msk [tilespmem:v9+s3+$0x0], $0xffff;
	v9 =	vadd.s32 $0x2, v0  }
0x1ca: {  	v7 =	vadd.s32 $0x8, v4  }
0x1cb: {  	[tilespmem:s0+$0x0] =	vst v10  }
0x1cc: {  	v11 =	vadd.s32 $0x7, v3;
	[tilespmem:s0+$0x410] =	vst v5  }
0x1cd: {  	v2 =	vld.idx.msk [tilespmem:v2+s3+$0x0], $0xffff;
	[tilespmem:s10+$0x1C10] =	vst v1  }
0x1ce: {  	v5 =	vadd.s32 $0x2, v6;
	[tilespmem:s1+$0xD200] =	vst v8;
	v8 =	vld.idx.msk [tilespmem:v9+s3+$0x0], $0xffff  }
0x1cf: {  	v10 =	vadd.s32 $0x3, v0;
	v1 =	vld.idx.msk [tilespmem:v7+s3+$0x0], $0xffff  }
0x1d0: {  	v7 =	vadd.s32 $0x9, v4  }
0x1d1: {  	s30 =	sor.u32 s12, s11;
	v9 =	vld.idx.msk [tilespmem:v11+s3+$0x0], $0xffff  }
0x1d2: {  	v11 =	vadd.s32 $0x8, v3;
	[tilespmem:s30+$0xBE00] =	vst v2  }
0x1d3: {  	v5 =	vld.idx.msk [tilespmem:v5+s3+$0x0], $0xffff;
	[tilespmem:s0+$0x810] =	vst v8  }
0x1d4: {  	[tilespmem:s10+$0x2010] =	vst v1;
	v8 =	vld.idx.msk [tilespmem:v10+s3+$0x0], $0xffff  }
0x1d5: {  	v1 =	vld.idx.msk [tilespmem:v7+s3+$0x0], $0xffff;
	v7 =	vadd.s32 $0x3, v6  }
0x1d6: {  	[tilespmem:s1+$0xD600] =	vst v9;
	v10 =	vadd.s32 $0x4, v0  }
0x1d7: {  	v2 =	vadd.s32 $0xA, v4;
	v9 =	vld.idx.msk [tilespmem:v11+s3+$0x0], $0xffff  }
0x1d8: {  	v11 =	vadd.s32 $0x9, v3  }
0x1d9: {  	[tilespmem:s30+$0xC200] =	vst v5  }
0x1da: {  	[tilespmem:s0+$0xC10] =	vst v8;
	v5 =	vld.idx.msk [tilespmem:v7+s3+$0x0], $0xffff  }
0x1db: {  	s13 =	simm.s32 $0x40;
	[tilespmem:s10+$0x2410] =	vst v1;
	v8 =	vld.idx.msk [tilespmem:v10+s3+$0x0], $0xffff  }
0x1dc: {  	s14 =	simm.s32 $0x50;
	s15 =	sand.u32 $0x380, s13;
	v7 =	vadd.s32 $0x4, v6;
	[tilespmem:s1+$0xDA00] =	vst v9;
	v1 =	vld.idx.msk [tilespmem:v2+s3+$0x0], $0xffff  }
0x1dd: {  	s11 =	sadd.s32 s15, s7;
	s9 =	sand.u32 $0x70, s14;
	v10 =	vadd.s32 $0x5, v0;
	v9 =	vld.idx.msk [tilespmem:v11+s3+$0x0], $0xffff  }
0x1de: {  	s12 =	sand.u32 $0x60, s13;
	s9 =	sadd.s32 s9, s11;
	v2 =	vadd.s32 $0xB, v4  }
0x1df: {  	v12 =	vld [tilespmem:s9+$0x0];
	s5 =	sadd.s32 s12, s11;
	v11 =	vadd.s32 $0xA, v3;
	[tilespmem:s30+$0xC600] =	vst v5  }
0x1e0: {  	v5 =	vld [tilespmem:s5+$0x0];
	[tilespmem:s0+$0x1010] =	vst v8  }
0x1e1: {  	[tilespmem:s10+$0x2810] =	vst v1;
	v7 =	vld.idx.msk [tilespmem:v7+s3+$0x0], $0xffff  }
0x1e2: {  	[tilespmem:s1+$0xDE00] =	vst v9;
	v9 =	vld.idx.msk [tilespmem:v10+s3+$0x0], $0xffff  }
0x1e3: {  	v13 =	vadd.s32 $0x5, v6;
	v2 =	vld.idx.msk [tilespmem:v2+s3+$0x0], $0xffff  }
0x1e4: {  	v10 =	vld.idx.msk [tilespmem:v11+s3+$0x0], $0xffff;
	v11 =	vadd.s32 $0x6, v0  }
0x1e5: {  	v8 =	vadd.s32 $0xC, v4  }
0x1e6: {  	v15 =	vadd.s32 $0xB, v3  }
0x1e7: {  	v1 =	vmul.u32 $0x15, v12;
	[tilespmem:s30+$0xCA00] =	vst v7  }
0x1e8: {  	v14 =	vmul.u32 $0x15, v5;
	[tilespmem:s0+$0x1410] =	vst v9;
	v5 =	vld.idx.msk [tilespmem:v13+s3+$0x0], $0xffff  }
0x1e9: {  	[tilespmem:s10+$0x2C10] =	vst v2;
	v9 =	vld.idx.msk [tilespmem:v11+s3+$0x0], $0xffff  }
0x1ea: {  	[tilespmem:s1+$0xE200] =	vst v10;
	v11 =	vadd.s32 $0x7, v0;
	v2 =	vld.idx.msk [tilespmem:v8+s3+$0x0], $0xffff  }
0x1eb: {  	v7 =	vadd.s32 $0xD, v4;
	v10 =	vld.idx.msk [tilespmem:v15+s3+$0x0], $0xffff  }
0x1ec: {  	v12 =	vadd.s32 $0xC, v3  }
0x1ed: {  	v13 =	vld.idx.msk [tilespmem:v1+s3+$0x0], $0xffff;
	v8 =	vadd.s32 $0x6, v6;
	[tilespmem:s30+$0xCE00] =	vst v5  }
0x1ee: {  	v15 =	vld.idx.msk [tilespmem:v14+s3+$0x0], $0xffff;
	[tilespmem:s0+$0x1810] =	vst v9  }
0x1ef: {  	v16 =	vadd.s32 $0x1, v1;
	[tilespmem:s10+$0x3010] =	vst v2;
	v11 =	vld.idx.msk [tilespmem:v11+s3+$0x0], $0xffff  }
0x1f0: {  	v2 =	vadd.s32 $0x1, v14;
	[tilespmem:s1+$0xE600] =	vst v10;
	v5 =	vld.idx.msk [tilespmem:v7+s3+$0x0], $0xffff  }
0x1f1: {  	v10 =	vld.idx.msk [tilespmem:v12+s3+$0x0], $0xffff;
	v12 =	vadd.s32 $0x8, v0  }
0x1f2: {  	s5 =	simm.s32 $0xBA40;
	v7 =	vld.idx.msk [tilespmem:v8+s3+$0x0], $0xffff;
	v8 =	vadd.s32 $0xE, v4  }
0x1f3: {  	v9 =	vadd.s32 $0x7, v6;
	[tilespmem:s5+$0x10] =	vst v13  }
0x1f4: {  	v13 =	vadd.s32 $0xD, v3;
	v16 =	vld.idx.msk [tilespmem:v16+s3+$0x0], $0xffff;
	[tilespmem:s5+$0x0] =	vst v15  }
0x1f5: {  	v15 =	vadd.s32 $0x2, v1;
	v2 =	vld.idx.msk [tilespmem:v2+s3+$0x0], $0xffff;
	[tilespmem:s0+$0x1C10] =	vst v11  }
0x1f6: {  	[tilespmem:s10+$0x3410] =	vst v5;
	v12 =	vld.idx.msk [tilespmem:v12+s3+$0x0], $0xffff  }
0x1f7: {  	[tilespmem:s30+$0xD200] =	vst v7;
	v7 =	vld.idx.msk [tilespmem:v8+s3+$0x0], $0xffff  }
0x1f8: {  	s16 =	simm.s32 $0x60;
	v5 =	vadd.s32 $0x2, v14;
	[tilespmem:s1+$0xEA00] =	vst v10;
	v8 =	vld.idx.msk [tilespmem:v9+s3+$0x0], $0xffff  }
0x1f9: {  	s18 =	sand.u32 $0x380, s16;
	[tilespmem:s5+$0x410] =	vst v16;
	v10 =	vld.idx.msk [tilespmem:v13+s3+$0x0], $0xffff;
	v13 =	vadd.s32 $0x9, v0  }
0x1fa: {  	s31 =	sand.u32 $0x60, s16;
	s8 =	sor.u32 s12, s15;
	s13 =	sadd.s32 s18, s7;
	v9 =	vadd.s32 $0xF, v4;
	v15 =	vld.idx.msk [tilespmem:v15+s3+$0x0], $0xffff  }
0x1fb: {  	s11 =	sadd.s32 s31, s13;
	v11 =	vadd.s32 $0x8, v6;
	[tilespmem:s8+$0xBE00] =	vst v2  }
0x1fc: {  	v18 =	vld [tilespmem:s11+$0x0];
	v16 =	vadd.s32 $0xE, v3;
	[tilespmem:s0+$0x2010] =	vst v12  }
0x1fd: {  	v2 =	vld.idx.msk [tilespmem:v5+s3+$0x0], $0xffff;
	v5 =	vadd.s32 $0x3, v1;
	[tilespmem:s10+$0x3810] =	vst v7  }
0x1fe: {  	v7 =	vadd.s32 $0x3, v14;
	[tilespmem:s30+$0xD600] =	vst v8;
	v13 =	vld.idx.msk [tilespmem:v13+s3+$0x0], $0xffff  }
0x1ff: {  	v8 =	vld.idx.msk [tilespmem:v9+s3+$0x0], $0xffff;
	[tilespmem:s5+$0x810] =	vst v15;
	v15 =	vadd.s32 $0xA, v0  }
0x200: {  	[tilespmem:s1+$0xEE00] =	vst v10;
	v9 =	vld.idx.msk [tilespmem:v11+s3+$0x0], $0xffff;
	v11 =	vadd.s32 $0x10, v4  }
0x201: {  	v12 =	vadd.s32 $0x9, v6;
	v10 =	vld.idx.msk [tilespmem:v16+s3+$0x0], $0xffff  }
0x202: {  	v16 =	vadd.s32 $0xF, v3;
	v5 =	vld.idx.msk [tilespmem:v5+s3+$0x0], $0xffff;
	[tilespmem:s8+$0xC200] =	vst v2  }
0x203: {  	v2 =	vld.idx.msk [tilespmem:v7+s3+$0x0], $0xffff;
	v7 =	vadd.s32 $0x4, v1;
	[tilespmem:s0+$0x2410] =	vst v13  }
0x204: {  	[tilespmem:s10+$0x3C10] =	vst v8;
	v8 =	vadd.s32 $0x4, v14;
	v13 =	vld.idx.msk [tilespmem:v15+s3+$0x0], $0xffff  }
0x205: {  	[tilespmem:s30+$0xDA00] =	vst v9;
	v9 =	vld.idx.msk [tilespmem:v11+s3+$0x0], $0xffff  }
0x206: {  	[tilespmem:s1+$0xF200] =	vst v10;
	v10 =	vadd.s32 $0xB, v0;
	v11 =	vld.idx.msk [tilespmem:v12+s3+$0x0], $0xffff  }
0x207: {  	s17 =	simm.s32 $0x70;
	v12 =	vadd.s32 $0x11, v4;
	[tilespmem:s5+$0xC10] =	vst v5;
	v5 =	vld.idx.msk [tilespmem:v16+s3+$0x0], $0xffff  }
0x208: {  	s12 =	sand.u32 $0x70, s17;
	v7 =	vld.idx.msk [tilespmem:v7+s3+$0x0], $0xffff;
	[tilespmem:s8+$0xC600] =	vst v2  }
0x209: {  	s14 =	sadd.s32 s12, s13;
	v2 =	vld.idx.msk [tilespmem:v8+s3+$0x0], $0xffff;
	v8 =	vadd.s32 $0x5, v1;
	[tilespmem:s0+$0x2810] =	vst v13  }
0x20a: {  	v16 =	vld [tilespmem:s14+$0x0];
	[tilespmem:s10+$0x4010] =	vst v9;
	v9 =	vadd.s32 $0xA, v6  }
0x20b: {  	v15 =	vadd.s32 $0x5, v14;
	v10 =	vld.idx.msk [tilespmem:v10+s3+$0x0], $0xffff  }
0x20c: {  	v17 =	vadd.s32 $0x10, v3;
	[tilespmem:s30+$0xDE00] =	vst v11;
	v12 =	vld.idx.msk [tilespmem:v12+s3+$0x0], $0xffff  }
0x20d: {  	v13 =	vadd.s32 $0x12, v4;
	[tilespmem:s5+$0x1010] =	vst v7  }
0x20e: {  	[tilespmem:s1+$0xF600] =	vst v5;
	v7 =	vld.idx.msk [tilespmem:v8+s3+$0x0], $0xffff;
	v8 =	vadd.s32 $0xC, v0  }
0x20f: {  	v11 =	vadd.s32 $0x6, v1;
	[tilespmem:s8+$0xCA00] =	vst v2;
	v2 =	vmul.u32 $0x15, v16;
	v9 =	vld.idx.msk [tilespmem:v9+s3+$0x0], $0xffff  }
0x210: {  	v18 =	vmul.u32 $0x15, v18;
	v15 =	vld.idx.msk [tilespmem:v15+s3+$0x0], $0xffff;
	[tilespmem:s0+$0x2C10] =	vst v10  }
0x211: {  	v10 =	vld.idx.msk [tilespmem:v17+s3+$0x0], $0xffff;
	[tilespmem:s10+$0x4410] =	vst v12  }
0x212: {  	v19 =	vadd.s32 $0xB, v6;
	v5 =	vld.idx.msk [tilespmem:v13+s3+$0x0], $0xffff  }
0x213: {  	v12 =	vadd.s32 $0x13, v4;
	v8 =	vld.idx.msk [tilespmem:v8+s3+$0x0], $0xffff;
	[tilespmem:s5+$0x1410] =	vst v7  }
0x214: {  	v7 =	vld.idx.msk [tilespmem:v11+s3+$0x0], $0xffff;
	[tilespmem:s30+$0xE200] =	vst v9;
	v9 =	vadd.s32 $0xD, v0  }
0x215: {  	v11 =	vadd.s32 $0x6, v14;
	v16 =	vld.idx.msk [tilespmem:v2+s3+$0x0], $0xffff  }
0x216: {  	v17 =	vadd.s32 $0x7, v1;
	[tilespmem:s8+$0xCE00] =	vst v15;
	v15 =	vld.idx.msk [tilespmem:v18+s3+$0x0], $0xffff  }
0x217: {  	v13 =	vld.idx.msk [tilespmem:v19+s3+$0x0], $0xffff;
	v19 =	vadd.s32 $0x1, v2;
	[tilespmem:s10+$0x4810] =	vst v5  }
0x218: {  	v5 =	vadd.s32 $0xC, v6;
	v12 =	vld.idx.msk [tilespmem:v12+s3+$0x0], $0xffff;
	[tilespmem:s0+$0x3010] =	vst v8  }
0x219: {  	v4 =	vadd.s32 $0x14, v4;
	[tilespmem:s1+$0xFA00] =	vst v10;
	v8 =	vld.idx.msk [tilespmem:v9+s3+$0x0], $0xffff  }
0x21a: {  	s11 =	simm.s32 $0xBA60;
	v9 =	vadd.s32 $0x1, v18;
	v10 =	vld.idx.msk [tilespmem:v11+s3+$0x0], $0xffff;
	[tilespmem:s5+$0x1810] =	vst v7  }
0x21b: {  	v11 =	vadd.s32 $0xE, v0;
	[tilespmem:s11+$0x10] =	vst v16;
	v7 =	vld.idx.msk [tilespmem:v17+s3+$0x0], $0xffff  }
0x21c: {  	[tilespmem:s30+$0xE600] =	vst v13;
	v13 =	vadd.s32 $0x7, v14;
	v16 =	vld.idx.msk [tilespmem:v19+s3+$0x0], $0xffff  }
0x21d: {  	v17 =	vadd.s32 $0x8, v1;
	v5 =	vld.idx.msk [tilespmem:v5+s3+$0x0], $0xffff;
	[tilespmem:s10+$0x4C10] =	vst v12  }
0x21e: {  	[tilespmem:s11+$0x0] =	vst v15;
	v12 =	vadd.s32 $0xD, v6;
	v4 =	vld.idx.msk [tilespmem:v4+s3+$0x0], $0xffff  }
0x21f: {  	v19 =	vadd.s32 $0x11, v3;
	v9 =	vld.idx.msk [tilespmem:v9+s3+$0x0], $0xffff;
	[tilespmem:s0+$0x3410] =	vst v8  }
0x220: {  	[tilespmem:s8+$0xD200] =	vst v10;
	v20 =	vld.idx.msk [tilespmem:v11+s3+$0x0], $0xffff  }
0x221: {  	v15 =	vadd.s32 $0x2, v2;
	v24 =	vld.idx.msk [tilespmem:v13+s3+$0x0], $0xffff;
	[tilespmem:s5+$0x1C10] =	vst v7  }
0x222: {  	v21 =	vadd.s32 $0x2, v18;
	v7 =	vld.idx.msk [tilespmem:v17+s3+$0x0], $0xffff;
	[tilespmem:s30+$0xEA00] =	vst v5  }
0x223: {  	v26 =	vadd.s32 $0x12, v3;
	v38 =	vadd.s32 $0x10, v0;
	[tilespmem:s11+$0x410] =	vst v16;
	v17 =	vadd.s32 $0xF, v0;
	v12 =	vld.idx.msk [tilespmem:v12+s3+$0x0], $0xffff  }
0x224: {  	s9 =	sor.u32 s31, s18;
	v37 =	vadd.s32 $0x4, v18;
	v36 =	vadd.s32 $0x5, v18;
	v27 =	vadd.s32 $0xE, v6;
	v31 =	vld.idx.msk [tilespmem:v19+s3+$0x0], $0xffff;
	[tilespmem:s10+$0x5010] =	vst v4  }
0x225: {  	v34 =	vadd.s32 $0x6, v18;
	v33 =	vadd.s32 $0x7, v18;
	v28 =	vadd.s32 $0x8, v14;
	[tilespmem:s9+$0xBE00] =	vst v9  }
0x226: {  	v35 =	vadd.s32 $0xA, v18;
	v40 =	vadd.s32 $0xF, v6;
	v30 =	vadd.s32 $0x9, v1;
	v29 =	vld.idx.msk [tilespmem:v15+s3+$0x0], $0xffff;
	[tilespmem:s0+$0x3810] =	vst v20  }
0x227: {  	v42 =	vadd.s32 $0xA, v1;
	v39 =	vadd.s32 $0x9, v14;
	v25 =	vadd.s32 $0xA, v14;
	v21 =	vld.idx.msk [tilespmem:v21+s3+$0x0], $0xffff;
	[tilespmem:s8+$0xD600] =	vst v24  }
0x228: {  	v23 =	vadd.s32 $0xB, v14;
	v22 =	vadd.s32 $0xC, v14;
	v32 =	vadd.s32 $0x3, v2;
	v17 =	vld.idx.msk [tilespmem:v17+s3+$0x0], $0xffff;
	[tilespmem:s30+$0xEE00] =	vst v12  }
0x229: {  	v10 =	vadd.s32 $0x10, v6;
	v8 =	vadd.s32 $0x11, v6;
	v24 =	vadd.s32 $0x3, v18;
	[tilespmem:s1+$0xFE00] =	vst v31;
	v45 =	vld.idx.msk [tilespmem:v27+s3+$0x0], $0xffff  }
0x22a: {  	v13 =	vadd.s32 $0x13, v3;
	v11 =	vadd.s32 $0x14, v3;
	v3 =	vadd.s32 $0x14, v6;
	v28 =	vld.idx.msk [tilespmem:v28+s3+$0x0], $0xffff;
	[tilespmem:s5+$0x2010] =	vst v7  }
0x22b: {  	v19 =	vadd.s32 $0xE, v14;
	v16 =	vadd.s32 $0xF, v14;
	v5 =	vadd.s32 $0x12, v6;
	[tilespmem:s11+$0x810] =	vst v29;
	v30 =	vld.idx.msk [tilespmem:v30+s3+$0x0], $0xffff  }
0x22c: {  	v15 =	vadd.s32 $0x10, v14;
	v4 =	vadd.s32 $0x13, v6;
	v6 =	vadd.s32 $0x14, v14;
	v41 =	vld.idx.msk [tilespmem:v26+s3+$0x0], $0xffff;
	[tilespmem:s9+$0xC200] =	vst v21  }
0x22d: {  	v9 =	vadd.s32 $0x12, v14;
	v20 =	vadd.s32 $0xD, v14;
	v31 =	vadd.s32 $0x9, v18;
	v46 =	vld.idx.msk [tilespmem:v32+s3+$0x0], $0xffff;
	[tilespmem:s0+$0x3C10] =	vst v17  }
0x22e: {  	v7 =	vadd.s32 $0x13, v14;
	v29 =	vadd.s32 $0xB, v18;
	v44 =	vld.idx.msk [tilespmem:v24+s3+$0x0], $0xffff;
	[tilespmem:s30+$0xF200] =	vst v45;
	v45 =	vadd.s32 $0x4, v2  }
0x22f: {  	v26 =	vadd.s32 $0xD, v18;
	v12 =	vadd.s32 $0x11, v14;
	v32 =	vadd.s32 $0x8, v18;
	[tilespmem:s8+$0xDA00] =	vst v28;
	v38 =	vld.idx.msk [tilespmem:v38+s3+$0x0], $0xffff  }
0x230: {  	v14 =	vadd.s32 $0x12, v18;
	v27 =	vadd.s32 $0xC, v18;
	v21 =	vadd.s32 $0xF, v18;
	v43 =	vld.idx.msk [tilespmem:v39+s3+$0x0], $0xffff;
	[tilespmem:s5+$0x2410] =	vst v30  }
0x231: {  	v24 =	vadd.s32 $0xE, v18;
	v28 =	vadd.s32 $0x10, v18;
	v39 =	vadd.s32 $0x11, v0;
	v42 =	vld.idx.msk [tilespmem:v42+s3+$0x0], $0xffff  }
0x232: {  	s12 =	simm.s32 $0x6;
	s13 =	simm.s32 $0x90;
	s10 =	simm.s32 $0xBA60;
	v17 =	vadd.s32 $0x11, v18;
	v30 =	vadd.s32 $0x13, v18;
	v18 =	vadd.s32 $0x14, v18;
	[tilespmem:s11+$0xC10] =	vst v46;
	v40 =	vld.idx.msk [tilespmem:v40+s3+$0x0], $0xffff  }
.LBB2_7:
0x233: {  	s14 =	sadd.s32 $0xFFFFFFF0, s13;
	v45 =	vld.idx.msk [tilespmem:v45+s3+$0x0], $0xffff;
	v46 =	vadd.s32 $0xB, v1;
	[tilespmem:s1+$0x10200] =	vst v41  }
0x234: {  	s12 =	sadd.s32 $0x2, s12;
	s15 =	sand.u32 $0x380, s14;
	s14 =	sand.u32 $0x60, s14;
	[tilespmem:s9+$0xC600] =	vst v44;
	v41 =	vld.idx.msk [tilespmem:v13+s3+$0x0], $0xffff;
	v13 =	vmov v4;
	v4 =	vmov v7;
	v7 =	vmov v30  }
0x235: {  	s17 =	sand.u32 $0x70, s13;
	p0 =	slt.u32 s12, $0x3E;
	s16 =	sadd.s32 s15, s7;
	v30 =	vld.idx.msk [tilespmem:v37+s3+$0x0], $0xffff;
	v37 =	vadd.s32 $0x5, v2;
	[tilespmem:s0+$0x4010] =	vst v38  }
0x236: {  	s18 =	sadd.s32 s14, s16;
	s14 =	sor.u32 s14, s15;
	s15 =	sadd.s32 s17, s16;
	[tilespmem:s8+$0xDE00] =	vst v43;
	v38 =	vld.idx.msk [tilespmem:v39+s3+$0x0], $0xffff  }
0x237: {  	v39 =	vld [tilespmem:s15+$0x0];
	[tilespmem:s5+$0x2810] =	vst v42  }
0x238: {  	v42 =	vld.idx.msk [tilespmem:v46+s3+$0x0], $0xffff;
	[tilespmem:s30+$0xF600] =	vst v40;
	v40 =	vadd.s32 $0x12, v0  }
0x239: {  	v43 =	vld [tilespmem:s18+$0x0];
	[tilespmem:s11+$0x1010] =	vst v45  }
0x23a: {  	v44 =	vadd.s32 $0xC, v1;
	v37 =	vld.idx.msk [tilespmem:v37+s3+$0x0], $0xffff;
	[tilespmem:s1+$0x10600] =	vst v41  }
0x23b: {  	[tilespmem:s9+$0xCA00] =	vst v30;
	v30 =	vld.idx.msk [tilespmem:v25+s3+$0x0], $0xffff;
	v25 =	vmov v35  }
0x23c: {  	v41 =	vadd.s32 $0x6, v2;
	v35 =	vld.idx.msk [tilespmem:v36+s3+$0x0], $0xffff;
	[tilespmem:s0+$0x4410] =	vst v38  }
0x23d: {  	v39 =	vmul.u32 $0x15, v39;
	v40 =	vld.idx.msk [tilespmem:v40+s3+$0x0], $0xffff  }
0x23e: {  	v43 =	vmul.u32 $0x15, v43;
	[tilespmem:s5+$0x2C10] =	vst v42;
	v42 =	vld.idx.msk [tilespmem:v10+s3+$0x0], $0xffff;
	v10 =	vmov v15;
	v15 =	vmov v28  }
0x23f: {  	v28 =	vld.idx.msk [tilespmem:v44+s3+$0x0], $0xffff;
	v44 =	vadd.s32 $0x13, v0  }
0x240: {  	v45 =	vadd.s32 $0x1, v43;
	v46 =	vadd.s32 $0x2, v43;
	v38 =	vadd.s32 $0x3, v43;
	[tilespmem:s11+$0x1410] =	vst v37;
	v47 =	vld.idx.msk [tilespmem:v11+s3+$0x0], $0xffff;
	v11 =	vmovc v3;
	v3 =	vmovc v6  }
0x241: {  	v37 =	vadd.s32 $0x4, v43;
	v36 =	vadd.s32 $0x5, v43;
	v6 =	vmovc v18;
	v41 =	vld.idx.msk [tilespmem:v41+s3+$0x0], $0xffff;
	[tilespmem:s8+$0xE200] =	vst v30;
	v30 =	vadd.s32 $0xD, v1  }
0x242: {  	v48 =	vadd.s32 $0x6, v43;
	v49 =	vadd.s32 $0x7, v43;
	v50 =	vadd.s32 $0x8, v43;
	[tilespmem:s9+$0xCE00] =	vst v35;
	v51 =	vld.idx.msk [tilespmem:v23+s3+$0x0], $0xffff;
	v23 =	vmovc v29  }
0x243: {  	v54 =	vadd.s32 $0x7, v2;
	v52 =	vadd.s32 $0x9, v43;
	v35 =	vadd.s32 $0xA, v43;
	v53 =	vld.idx.msk [tilespmem:v39+s3+$0x0], $0xffff;
	[tilespmem:s0+$0x4810] =	vst v40  }
0x244: {  	v55 =	vadd.s32 $0xD, v43;
	v29 =	vadd.s32 $0xB, v43;
	v40 =	vadd.s32 $0xC, v43;
	[tilespmem:s30+$0xFA00] =	vst v42;
	v42 =	vld.idx.msk [tilespmem:v44+s3+$0x0], $0xffff  }
0x245: {  	v58 =	vadd.s32 $0x1, v39;
	v56 =	vadd.s32 $0xE, v43;
	v57 =	vadd.s32 $0xF, v43;
	v44 =	vld.idx.msk [tilespmem:v43+s3+$0x0], $0xffff;
	[tilespmem:s5+$0x3010] =	vst v28  }
0x246: {  	v61 =	vadd.s32 $0x14, v0;
	v0 =	vmovc v1;
	v59 =	vadd.s32 $0x11, v43;
	v1 =	vmovc v2;
	v28 =	vadd.s32 $0x10, v43;
	v60 =	vld.idx.msk [tilespmem:v30+s3+$0x0], $0xffff;
	[tilespmem:s1+$0x10A00] =	vst v47;
	s1 =	smov.u32 s30;
	s30 =	smov.u32 s8;
	s8 =	smov.u32 s9  }
0x247: {  	v18 =	vadd.s32 $0x14, v43;
	v2 =	vmovc v39;
	v47 =	vadd.s32 $0x12, v43;
	v30 =	vadd.s32 $0x13, v43;
	s9 =	smov.u32 s14;
	v43 =	vld.idx.msk [tilespmem:v34+s3+$0x0], $0xffff;
	[tilespmem:s11+$0x1810] =	vst v41;
	v34 =	vmovc v48  }
0x248: {  	s11 =	sadd.s32 $0x20, s11;
	v41 =	vadd.s32 $0xE, v0;
	v39 =	vld.idx.msk [tilespmem:v54+s3+$0x0], $0xffff;
	[tilespmem:s30+$0xE600] =	vst v51  }
0x249: {  	[tilespmem:s11+$0x10] =	vst v53;
	v48 =	vld.idx.msk [tilespmem:v22+s3+$0x0], $0xffff;
	v22 =	vmov v27;
	v27 =	vmov v40  }
0x24a: {  	v51 =	vadd.s32 $0x8, v1;
	v40 =	vld.idx.msk [tilespmem:v58+s3+$0x0], $0xffff;
	[tilespmem:s0+$0x4C10] =	vst v42  }
0x24b: {  	[tilespmem:s11+$0x0] =	vst v44;
	v42 =	vld.idx.msk [tilespmem:v61+s3+$0x0], $0xffff  }
0x24c: {  	v44 =	vld.idx.msk [tilespmem:v45+s3+$0x0], $0xffff;
	v45 =	vadd.s32 $0x2, v2;
	[tilespmem:s5+$0x3410] =	vst v60  }
0x24d: {  	[tilespmem:s8+$0xD200] =	vst v43;
	v41 =	vld.idx.msk [tilespmem:v41+s3+$0x0], $0xffff  }
0x24e: {  	v43 =	vld.idx.msk [tilespmem:v33+s3+$0x0], $0xffff;
	[tilespmem:s10+$0x1C10] =	vst v39;
	v33 =	vmov v49  }
0x24f: {  	v39 =	vld.idx.msk [tilespmem:v51+s3+$0x0], $0xffff;
	[tilespmem:s30+$0xEA00] =	vst v48;
	v48 =	vadd.s32 $0xF, v0  }
0x250: {  	[tilespmem:s11+$0x410] =	vst v40;
	v40 =	vld.idx.msk [tilespmem:v20+s3+$0x0], $0xffff;
	v20 =	vmov v26;
	v26 =	vmov v55  }
0x251: {  	v49 =	vadd.s32 $0x9, v1;
	v45 =	vld.idx.msk [tilespmem:v45+s3+$0x0], $0xffff;
	[tilespmem:s0+$0x5010] =	vst v42;
	s0 =	smov.u32 s5;
	s5 =	smov.u32 s10;
	s10 =	smov.u32 s11  }
0x252: {  	[tilespmem:s9+$0xBE00] =	vst v44;
	v42 =	vld.idx.msk [tilespmem:v8+s3+$0x0], $0xffff;
	v8 =	vmov v12;
	v12 =	vmov v17;
	v17 =	vmov v59  }
0x253: {  	v44 =	vld.idx.msk [tilespmem:v46+s3+$0x0], $0xffff;
	v46 =	vadd.s32 $0x3, v2;
	[tilespmem:s0+$0x3810] =	vst v41  }
0x254: {  	[tilespmem:s8+$0xD600] =	vst v43;
	v43 =	vld.idx.msk [tilespmem:v48+s3+$0x0], $0xffff  }
0x255: {  	v48 =	vld.idx.msk [tilespmem:v32+s3+$0x0], $0xffff;
	[tilespmem:s5+$0x2010] =	vst v39;
	v32 =	vmov v50  }
0x256: {  	v39 =	vld.idx.msk [tilespmem:v49+s3+$0x0], $0xffff;
	[tilespmem:s30+$0xEE00] =	vst v40;
	v40 =	vadd.s32 $0x10, v0  }
0x257: {  	[tilespmem:s11+$0x810] =	vst v45;
	v49 =	vld.idx.msk [tilespmem:v19+s3+$0x0], $0xffff;
	v19 =	vmov v24;
	v24 =	vmov v56  }
0x258: {  	v50 =	vadd.s32 $0xA, v1;
	v46 =	vld.idx.msk [tilespmem:v46+s3+$0x0], $0xffff;
	[tilespmem:s1+$0xFE00] =	vst v42  }
0x259: {  	[tilespmem:s9+$0xC200] =	vst v44;
	v41 =	vld.idx.msk [tilespmem:v5+s3+$0x0], $0xffff;
	v5 =	vmov v9;
	v9 =	vmov v14;
	v14 =	vmov v47  }
.Ltmp6:
0x25a: {  	v45 =	vadd.s32 $0x4, v2;
	v44 =	vld.idx.msk [tilespmem:v38+s3+$0x0], $0xffff;
	[tilespmem:s0+$0x3C10] =	vst v43;
	(pc) =	sbr.rel @p0 .LBB2_7-.Ltmp6, $4  }
0x25b: {  	[tilespmem:s8+$0xDA00] =	vst v48;
	v38 =	vld.idx.msk [tilespmem:v40+s3+$0x0], $0xffff  }
0x25c: {  	v43 =	vld.idx.msk [tilespmem:v31+s3+$0x0], $0xffff;
	[tilespmem:s5+$0x2410] =	vst v39;
	v31 =	vmov v52  }
0x25d: {  	v39 =	vadd.s32 $0x11, v0;
	v42 =	vld.idx.msk [tilespmem:v50+s3+$0x0], $0xffff;
	[tilespmem:s30+$0xF200] =	vst v49  }
0x25e: {  	s13 =	sadd.s32 $0x20, s13;
	[tilespmem:s11+$0xC10] =	vst v46;
	v40 =	vld.idx.msk [tilespmem:v16+s3+$0x0], $0xffff;
	v16 =	vmov v21;
	v21 =	vmov v57  }
0x25f: {  	_ =	sdelay $0x3  }
0x260: {  	v45 =	vld.idx.msk [tilespmem:v45+s3+$0x0], $0xffff;
	[tilespmem:s9+$0xC600] =	vst v44  }
0x261: {  	v52 =	vadd.s32 $0x5, v2;
	v37 =	vld.idx.msk [tilespmem:v37+s3+$0x0], $0xffff;
	_ =	sdelay $0x3  }
0x262: {  	[tilespmem:s11+$0x1010] =	vst v45  }
0x263: {  	v44 =	vld.idx.msk [tilespmem:v52+s3+$0x0], $0xffff;
	[tilespmem:s9+$0xCA00] =	vst v37  }
0x264: {  	v53 =	vadd.s32 $0x6, v2;
	v36 =	vld.idx.msk [tilespmem:v36+s3+$0x0], $0xffff;
	_ =	sdelay $0x3  }
0x265: {  	[tilespmem:s11+$0x1410] =	vst v44  }
0x266: {  	v37 =	vld.idx.msk [tilespmem:v53+s3+$0x0], $0xffff;
	[tilespmem:s9+$0xCE00] =	vst v36  }
0x267: {  	v54 =	vadd.s32 $0x7, v2;
	v34 =	vld.idx.msk [tilespmem:v34+s3+$0x0], $0xffff;
	_ =	sdelay $0x3  }
0x268: {  	[tilespmem:s11+$0x1810] =	vst v37  }
0x269: {  	v36 =	vld.idx.msk [tilespmem:v54+s3+$0x0], $0xffff;
	[tilespmem:s9+$0xD200] =	vst v34  }
0x26a: {  	v55 =	vadd.s32 $0x8, v2;
	v33 =	vld.idx.msk [tilespmem:v33+s3+$0x0], $0xffff;
	_ =	sdelay $0x3  }
0x26b: {  	[tilespmem:s10+$0x1C10] =	vst v36  }
0x26c: {  	v34 =	vld.idx.msk [tilespmem:v55+s3+$0x0], $0xffff;
	[tilespmem:s9+$0xD600] =	vst v33  }
0x26d: {  	v56 =	vadd.s32 $0x9, v2;
	v32 =	vld.idx.msk [tilespmem:v32+s3+$0x0], $0xffff;
	_ =	sdelay $0x3  }
0x26e: {  	[tilespmem:s10+$0x2010] =	vst v34  }
0x26f: {  	v33 =	vld.idx.msk [tilespmem:v56+s3+$0x0], $0xffff;
	[tilespmem:s9+$0xDA00] =	vst v32  }
0x270: {  	v57 =	vadd.s32 $0xA, v2;
	v31 =	vld.idx.msk [tilespmem:v31+s3+$0x0], $0xffff;
	_ =	sdelay $0x1  }
0x271: {  	[tilespmem:s8+$0xDE00] =	vst v43  }
0x272: {  	v25 =	vld.idx.msk [tilespmem:v25+s3+$0x0], $0xffff  }
0x273: {  	[tilespmem:s10+$0x2410] =	vst v33  }
0x274: {  	v58 =	vadd.s32 $0xB, v1;
	v32 =	vld.idx.msk [tilespmem:v57+s3+$0x0], $0xffff;
	[tilespmem:s9+$0xDE00] =	vst v31  }
0x275: {  	v59 =	vadd.s32 $0xB, v2;
	v60 =	vld.idx.msk [tilespmem:v35+s3+$0x0], $0xffff;
	_ =	sdelay $0x1  }
0x276: {  	[tilespmem:s8+$0xE200] =	vst v25  }
0x277: {  	[tilespmem:s5+$0x2810] =	vst v42;
	v23 =	vld.idx.msk [tilespmem:v23+s3+$0x0], $0xffff  }
0x278: {  	v34 =	vld.idx.msk [tilespmem:v58+s3+$0x0], $0xffff;
	[tilespmem:s10+$0x2810] =	vst v32  }
0x279: {  	v61 =	vadd.s32 $0xC, v1;
	v31 =	vld.idx.msk [tilespmem:v59+s3+$0x0], $0xffff;
	[tilespmem:s9+$0xE200] =	vst v60  }
0x27a: {  	v62 =	vadd.s32 $0xC, v2;
	v29 =	vld.idx.msk [tilespmem:v29+s3+$0x0], $0xffff;
	_ =	sdelay $0x1  }
0x27b: {  	[tilespmem:s8+$0xE600] =	vst v23  }
0x27c: {  	v22 =	vld.idx.msk [tilespmem:v22+s3+$0x0], $0xffff;
	[tilespmem:s5+$0x2C10] =	vst v34  }
0x27d: {  	v25 =	vld.idx.msk [tilespmem:v61+s3+$0x0], $0xffff;
	[tilespmem:s10+$0x2C10] =	vst v31  }
0x27e: {  	v63 =	vadd.s32 $0xD, v1;
	v31 =	vld.idx.msk [tilespmem:v62+s3+$0x0], $0xffff;
	[tilespmem:s9+$0xE600] =	vst v29  }
0x27f: {  	v33 =	vadd.s32 $0xD, v2;
	v27 =	vld.idx.msk [tilespmem:v27+s3+$0x0], $0xffff;
	_ =	sdelay $0x1  }
0x280: {  	[tilespmem:s8+$0xEA00] =	vst v22  }
0x281: {  	v20 =	vld.idx.msk [tilespmem:v20+s3+$0x0], $0xffff;
	[tilespmem:s5+$0x3010] =	vst v25  }
0x282: {  	v23 =	vld.idx.msk [tilespmem:v63+s3+$0x0], $0xffff;
	[tilespmem:s10+$0x3010] =	vst v31  }
0x283: {  	v34 =	vadd.s32 $0xE, v1;
	v35 =	vld.idx.msk [tilespmem:v33+s3+$0x0], $0xffff;
	[tilespmem:s9+$0xEA00] =	vst v27  }
0x284: {  	v36 =	vadd.s32 $0xE, v2;
	v26 =	vld.idx.msk [tilespmem:v26+s3+$0x0], $0xffff  }
0x285: {  	[tilespmem:s1+$0x10200] =	vst v41  }
0x286: {  	v13 =	vld.idx.msk [tilespmem:v13+s3+$0x0], $0xffff;
	[tilespmem:s8+$0xEE00] =	vst v20  }
0x287: {  	v19 =	vld.idx.msk [tilespmem:v19+s3+$0x0], $0xffff;
	[tilespmem:s5+$0x3410] =	vst v23  }
0x288: {  	v22 =	vld.idx.msk [tilespmem:v34+s3+$0x0], $0xffff;
	[tilespmem:s10+$0x3410] =	vst v35  }
0x289: {  	v37 =	vadd.s32 $0xF, v1;
	v41 =	vld.idx.msk [tilespmem:v36+s3+$0x0], $0xffff;
	[tilespmem:s9+$0xEE00] =	vst v26  }
0x28a: {  	v42 =	vadd.s32 $0xF, v2;
	v24 =	vld.idx.msk [tilespmem:v24+s3+$0x0], $0xffff  }
0x28b: {  	[tilespmem:s1+$0x10600] =	vst v13  }
0x28c: {  	v11 =	vld.idx.msk [tilespmem:v11+s3+$0x0], $0xffff;
	[tilespmem:s8+$0xF200] =	vst v19  }
0x28d: {  	v16 =	vld.idx.msk [tilespmem:v16+s3+$0x0], $0xffff;
	[tilespmem:s5+$0x3810] =	vst v22  }
0x28e: {  	v20 =	vld.idx.msk [tilespmem:v37+s3+$0x0], $0xffff;
	[tilespmem:s10+$0x3810] =	vst v41  }
0x28f: {  	v43 =	vadd.s32 $0x10, v1;
	v13 =	vld.idx.msk [tilespmem:v42+s3+$0x0], $0xffff;
	[tilespmem:s9+$0xF200] =	vst v24  }
0x290: {  	[tilespmem:s30+$0xF600] =	vst v40;
	v44 =	vadd.s32 $0x10, v2;
	v21 =	vld.idx.msk [tilespmem:v21+s3+$0x0], $0xffff  }
0x291: {  	v10 =	vld.idx.msk [tilespmem:v10+s3+$0x0], $0xffff;
	[tilespmem:s1+$0x10A00] =	vst v11  }
0x292: {  	[tilespmem:s8+$0xF600] =	vst v16  }
0x293: {  	v15 =	vld.idx.msk [tilespmem:v15+s3+$0x0], $0xffff;
	[tilespmem:s5+$0x3C10] =	vst v20  }
0x294: {  	v19 =	vld.idx.msk [tilespmem:v43+s3+$0x0], $0xffff;
	[tilespmem:s10+$0x3C10] =	vst v13  }
0x295: {  	v45 =	vadd.s32 $0x11, v1;
	v11 =	vld.idx.msk [tilespmem:v44+s3+$0x0], $0xffff;
	[tilespmem:s9+$0xF600] =	vst v21  }
0x296: {  	v46 =	vadd.s32 $0x11, v2;
	[tilespmem:s30+$0xFA00] =	vst v10;
	v47 =	vld.idx.msk [tilespmem:v28+s3+$0x0], $0xffff  }
0x297: {  	[tilespmem:s0+$0x4010] =	vst v38;
	v8 =	vld.idx.msk [tilespmem:v8+s3+$0x0], $0xffff  }
0x298: {  	v48 =	vld.idx.msk [tilespmem:v39+s3+$0x0], $0xffff;
	[tilespmem:s8+$0xFA00] =	vst v15  }
0x299: {  	v49 =	vadd.s32 $0x12, v0;
	v12 =	vld.idx.msk [tilespmem:v12+s3+$0x0], $0xffff;
	[tilespmem:s5+$0x4010] =	vst v19  }
0x29a: {  	v16 =	vld.idx.msk [tilespmem:v45+s3+$0x0], $0xffff;
	[tilespmem:s10+$0x4010] =	vst v11  }
0x29b: {  	v50 =	vadd.s32 $0x12, v1;
	v11 =	vld.idx.msk [tilespmem:v46+s3+$0x0], $0xffff;
	[tilespmem:s9+$0xFA00] =	vst v47  }
0x29c: {  	v51 =	vadd.s32 $0x12, v2;
	[tilespmem:s30+$0xFE00] =	vst v8;
	v17 =	vld.idx.msk [tilespmem:v17+s3+$0x0], $0xffff  }
0x29d: {  	[tilespmem:s0+$0x4410] =	vst v48;
	v5 =	vld.idx.msk [tilespmem:v5+s3+$0x0], $0xffff  }
0x29e: {  	v10 =	vld.idx.msk [tilespmem:v49+s3+$0x0], $0xffff;
	[tilespmem:s8+$0xFE00] =	vst v12  }
0x29f: {  	v52 =	vadd.s32 $0x13, v0;
	v9 =	vld.idx.msk [tilespmem:v9+s3+$0x0], $0xffff;
	[tilespmem:s5+$0x4410] =	vst v16  }
0x2a0: {  	v15 =	vld.idx.msk [tilespmem:v50+s3+$0x0], $0xffff;
	[tilespmem:s10+$0x4410] =	vst v11  }
0x2a1: {  	v53 =	vadd.s32 $0x13, v1;
	v11 =	vld.idx.msk [tilespmem:v51+s3+$0x0], $0xffff;
	[tilespmem:s9+$0xFE00] =	vst v17  }
0x2a2: {  	v54 =	vadd.s32 $0x13, v2;
	[tilespmem:s30+$0x10200] =	vst v5;
	v55 =	vld.idx.msk [tilespmem:v14+s3+$0x0], $0xffff  }
0x2a3: {  	[tilespmem:s0+$0x4810] =	vst v10;
	v4 =	vld.idx.msk [tilespmem:v4+s3+$0x0], $0xffff  }
0x2a4: {  	v8 =	vld.idx.msk [tilespmem:v52+s3+$0x0], $0xffff;
	[tilespmem:s8+$0x10200] =	vst v9  }
0x2a5: {  	v56 =	vadd.s32 $0x14, v0;
	v7 =	vld.idx.msk [tilespmem:v7+s3+$0x0], $0xffff;
	[tilespmem:s5+$0x4810] =	vst v15  }
0x2a6: {  	v57 =	vld.idx.msk [tilespmem:v53+s3+$0x0], $0xffff;
	[tilespmem:s10+$0x4810] =	vst v11  }
0x2a7: {  	v58 =	vadd.s32 $0x14, v1;
	v59 =	vld.idx.msk [tilespmem:v54+s3+$0x0], $0xffff;
	[tilespmem:s9+$0x10200] =	vst v55  }
0x2a8: {  	[tilespmem:s30+$0x10600] =	vst v4;
	v60 =	vadd.s32 $0x14, v2;
	v61 =	vld.idx.msk [tilespmem:v30+s3+$0x0], $0xffff  }
0x2a9: {  	[tilespmem:s0+$0x4C10] =	vst v8;
	v3 =	vld.idx.msk [tilespmem:v3+s3+$0x0], $0xffff  }
0x2aa: {  	v0 =	vld.idx.msk [tilespmem:v56+s3+$0x0], $0xffff;
	[tilespmem:s8+$0x10600] =	vst v7  }
0x2ab: {  	v62 =	vld.idx.msk [tilespmem:v6+s3+$0x0], $0xffff;
	[tilespmem:s5+$0x4C10] =	vst v57  }
0x2ac: {  	v1 =	vld.idx.msk [tilespmem:v58+s3+$0x0], $0xffff;
	[tilespmem:s10+$0x4C10] =	vst v59  }
0x2ad: {  	v2 =	vld.idx.msk [tilespmem:v60+s3+$0x0], $0xffff;
	[tilespmem:s9+$0x10600] =	vst v61  }
0x2ae: {  	[tilespmem:s30+$0x10A00] =	vst v3;
	v63 =	vld.idx.msk [tilespmem:v18+s3+$0x0], $0xffff  }
0x2af: {  	[tilespmem:s0+$0x5010] =	vst v0  }
0x2b0: {  	[tilespmem:s8+$0x10A00] =	vst v62  }
0x2b1: {  	s11 =	sadd.s32 s4, s6;
	[tilespmem:s5+$0x5010] =	vst v1  }
0x2b2: {  	s0 =	sshrl.u32 s11, $0x3;
	[tilespmem:s10+$0x5010] =	vst v2  }
0x2b3: {  	s12 =	simm.s32 $0xBA00;
	s0 =	sadd.s32 s2, s0;
	[tilespmem:s9+$0x10A00] =	vst v63  }
0x2b4: {  	[hbm4b:s0+s3] =	stream.linear.scatter [tilespmem:s12], [sflag:$0x2], $0x400, $0x38;
	[tilespmem:$0x10E00] =	vst v63  }
0x2b5: {  	s13 =	rddreg [dreg:$0x7]  }
0x2b6: {  	s0 =	sadd.s32 s6, s13  }
0x2b7: {  	s0 =	sshrl.u32 s0, $0x3  }
0x2b8: {  	s14 =	simm.s32 $0xBE00;
	s15 =	rddreg [dreg:$0x8];
	s0 =	sadd.s32 s2, s0  }
0x2b9: {  	[hbm4b:s0+s3] =	stream.linear.scatter [tilespmem:s14], [sflag:$0x2], $0x400, $0x38;
	[tilespmem:$0x10E00] =	vst v63  }
0x2ba: {  	s0 =	sadd.s32 s6, s15  }
0x2bb: {  	s0 =	sshrl.u32 s0, $0x3  }
0x2bc: {  	s16 =	simm.s32 $0xC200;
	s17 =	rddreg [dreg:$0x9];
	s0 =	sadd.s32 s2, s0  }
0x2bd: {  	[hbm4b:s0+s3] =	stream.linear.scatter [tilespmem:s16], [sflag:$0x2], $0x400, $0x38;
	[tilespmem:$0x10E00] =	vst v63  }
0x2be: {  	s0 =	sadd.s32 s6, s17  }
0x2bf: {  	s0 =	sshrl.u32 s0, $0x3  }
0x2c0: {  	s18 =	simm.s32 $0xC600;
	s30 =	rddreg [dreg:$0xa];
	s0 =	sadd.s32 s2, s0  }
0x2c1: {  	[hbm4b:s0+s3] =	stream.linear.scatter [tilespmem:s18], [sflag:$0x2], $0x400, $0x38;
	[tilespmem:$0x10E00] =	vst v63  }
0x2c2: {  	s0 =	sadd.s32 s6, s30  }
0x2c3: {  	s0 =	sshrl.u32 s0, $0x3  }
0x2c4: {  	s31 =	simm.s32 $0xCA00;
	s1 =	rddreg [dreg:$0xb];
	s0 =	sadd.s32 s2, s0  }
0x2c5: {  	[hbm4b:s0+s3] =	stream.linear.scatter [tilespmem:s31], [sflag:$0x2], $0x400, $0x38;
	[tilespmem:$0x10E00] =	vst v63  }
0x2c6: {  	s0 =	sadd.s32 s6, s1  }
0x2c7: {  	s0 =	sshrl.u32 s0, $0x3  }
0x2c8: {  	s5 =	simm.s32 $0xCE00;
	s7 =	rddreg [dreg:$0xc];
	s0 =	sadd.s32 s2, s0  }
0x2c9: {  	[hbm4b:s0+s3] =	stream.linear.scatter [tilespmem:s5], [sflag:$0x2], $0x400, $0x38;
	[tilespmem:$0x10E00] =	vst v63  }
0x2ca: {  	s0 =	sadd.s32 s6, s7  }
0x2cb: {  	s0 =	sshrl.u32 s0, $0x3  }
0x2cc: {  	s8 =	simm.s32 $0xD200;
	s9 =	rddreg [dreg:$0xd];
	s0 =	sadd.s32 s2, s0  }
0x2cd: {  	[hbm4b:s0+s3] =	stream.linear.scatter [tilespmem:s8], [sflag:$0x2], $0x400, $0x38;
	[tilespmem:$0x10E00] =	vst v63  }
0x2ce: {  	s0 =	sadd.s32 s6, s9  }
0x2cf: {  	s0 =	sshrl.u32 s0, $0x3  }
0x2d0: {  	s10 =	simm.s32 $0xD600;
	s11 =	rddreg [dreg:$0xe];
	s0 =	sadd.s32 s2, s0  }
0x2d1: {  	[hbm4b:s0+s3] =	stream.linear.scatter [tilespmem:s10], [sflag:$0x2], $0x400, $0x38;
	[tilespmem:$0x10E00] =	vst v63  }
0x2d2: {  	s0 =	sadd.s32 s6, s11  }
0x2d3: {  	s0 =	sshrl.u32 s0, $0x3  }
0x2d4: {  	s12 =	simm.s32 $0xDA00;
	s13 =	rddreg [dreg:$0xf];
	s0 =	sadd.s32 s2, s0  }
0x2d5: {  	[hbm4b:s0+s3] =	stream.linear.scatter [tilespmem:s12], [sflag:$0x2], $0x400, $0x38;
	[tilespmem:$0x10E00] =	vst v63  }
0x2d6: {  	s0 =	sadd.s32 s6, s13  }
0x2d7: {  	s0 =	sshrl.u32 s0, $0x3  }
0x2d8: {  	s14 =	simm.s32 $0xDE00;
	s15 =	rddreg [dreg:$0x10];
	s0 =	sadd.s32 s2, s0  }
0x2d9: {  	[hbm4b:s0+s3] =	stream.linear.scatter [tilespmem:s14], [sflag:$0x2], $0x400, $0x38;
	[tilespmem:$0x10E00] =	vst v63  }
0x2da: {  	s0 =	sadd.s32 s6, s15  }
0x2db: {  	s0 =	sshrl.u32 s0, $0x3  }
0x2dc: {  	s16 =	simm.s32 $0xE200;
	s17 =	rddreg [dreg:$0x11];
	s0 =	sadd.s32 s2, s0  }
0x2dd: {  	[hbm4b:s0+s3] =	stream.linear.scatter [tilespmem:s16], [sflag:$0x2], $0x400, $0x38;
	[tilespmem:$0x10E00] =	vst v63  }
0x2de: {  	s0 =	sadd.s32 s6, s17  }
0x2df: {  	s0 =	sshrl.u32 s0, $0x3  }
0x2e0: {  	s18 =	simm.s32 $0xE600;
	s30 =	sadd.s32 s6, s19;
	s0 =	sadd.s32 s2, s0  }
0x2e1: {  	[hbm4b:s0+s3] =	stream.linear.scatter [tilespmem:s18], [sflag:$0x2], $0x400, $0x38;
	[tilespmem:$0x10E00] =	vst v63  }
0x2e2: {  	s0 =	sshrl.u32 s30, $0x3  }
0x2e3: {  	s31 =	simm.s32 $0xEA00;
	s1 =	sadd.s32 s6, s20;
	s0 =	sadd.s32 s2, s0  }
0x2e4: {  	[hbm4b:s0+s3] =	stream.linear.scatter [tilespmem:s31], [sflag:$0x2], $0x400, $0x38;
	[tilespmem:$0x10E00] =	vst v63  }
0x2e5: {  	s0 =	sshrl.u32 s1, $0x3  }
0x2e6: {  	s5 =	simm.s32 $0xEE00;
	s7 =	sadd.s32 s6, s21;
	s0 =	sadd.s32 s2, s0  }
0x2e7: {  	[hbm4b:s0+s3] =	stream.linear.scatter [tilespmem:s5], [sflag:$0x2], $0x400, $0x38;
	[tilespmem:$0x10E00] =	vst v63  }
0x2e8: {  	s0 =	sshrl.u32 s7, $0x3  }
0x2e9: {  	s8 =	simm.s32 $0xF200;
	s9 =	sadd.s32 s6, s22;
	s0 =	sadd.s32 s2, s0  }
0x2ea: {  	[hbm4b:s0+s3] =	stream.linear.scatter [tilespmem:s8], [sflag:$0x2], $0x400, $0x38;
	[tilespmem:$0x10E00] =	vst v63  }
0x2eb: {  	s0 =	sshrl.u32 s9, $0x3  }
0x2ec: {  	s10 =	simm.s32 $0xF600;
	s11 =	sadd.s32 s6, s23;
	s0 =	sadd.s32 s2, s0  }
0x2ed: {  	[hbm4b:s0+s3] =	stream.linear.scatter [tilespmem:s10], [sflag:$0x2], $0x400, $0x38;
	[tilespmem:$0x10E00] =	vst v63  }
0x2ee: {  	s0 =	sshrl.u32 s11, $0x3  }
0x2ef: {  	s12 =	simm.s32 $0xFA00;
	s13 =	sadd.s32 s6, s24;
	s0 =	sadd.s32 s2, s0  }
0x2f0: {  	[hbm4b:s0+s3] =	stream.linear.scatter [tilespmem:s12], [sflag:$0x2], $0x400, $0x38;
	[tilespmem:$0x10E00] =	vst v63  }
0x2f1: {  	s0 =	sshrl.u32 s13, $0x3  }
0x2f2: {  	s14 =	simm.s32 $0xFE00;
	s15 =	sadd.s32 s6, s26;
	s0 =	sadd.s32 s2, s0  }
0x2f3: {  	[hbm4b:s0+s3] =	stream.linear.scatter [tilespmem:s14], [sflag:$0x2], $0x400, $0x38;
	[tilespmem:$0x10E00] =	vst v63  }
0x2f4: {  	s0 =	sshrl.u32 s15, $0x3  }
0x2f5: {  	s16 =	simm.s32 $0x10200;
	s17 =	sadd.s32 s6, s28;
	s0 =	sadd.s32 s2, s0  }
0x2f6: {  	[hbm4b:s0+s3] =	stream.linear.scatter [tilespmem:s16], [sflag:$0x2], $0x400, $0x38;
	[tilespmem:$0x10E00] =	vst v63  }
0x2f7: {  	s18 =	simm.s32 $0x10600;
	s0 =	sshrl.u32 s17, $0x3  }
.Ltmp7:
0x2f8: {  	s30 =	sadd.s32 s6, s29;
	s0 =	sadd.s32 s2, s0;
	(pc) =	sbr.rel .LBB2_9-.Ltmp7, $4  }
0x2f9: {  	[hbm4b:s0+s3] =	stream.linear.scatter [tilespmem:s18], [sflag:$0x2], $0x400, $0x38;
	[tilespmem:$0x10E00] =	vst v63  }
0x2fa: {  	s0 =	sshrl.u32 s30, $0x3  }
0x2fb: {  	s31 =	simm.s32 $0x10A00;
	s0 =	sadd.s32 s2, s0  }
0x2fc: {  	[hbm4b:s0+s3] =	stream.linear.scatter [tilespmem:s31], [sflag:$0x2], $0x400, $0x38;
	[tilespmem:$0x10E00] =	vst v63  }
.LBB2_11:
0x2fd: {  	_ =	sfence.sel $0x180000  }
0x2fe: {  	[bflag:$0x0] =	sbarrier.arrive $0xFFFF  }
0x2ff: {  	_ =	strace $0x90000047  }
0x300: {  	s0 =	stileid.u32;
	[bflag:$0x2] =	sbarrier.arrive $0xFFFF  }
0x301: {  	p0 =	sne.s32 s0, $0x0;
	s0 =	rddreg [dreg:$0x3]  }
0x302: {  	s0 =	sadd.s32 @!p0 $0x100000, s0  }
0x303: {  	[sflag:s0] =	ssyncadd.tile.s32 @!p0 $0x1;
	_ =	shalt  }
.Lfunc_end2:
_tile_overlayer_lowered:
.L_overlay_start_2:
0x304: {  	(tag) =	ssettag $0x2  }
0x305: {  	s0 =	rddreg [dreg:$0x0];
	s2 =	stileid.u32  }
0x306: {  	s1 =	rddreg [dreg:$0x1];
	p0 =	sne.s32 s2, $0x0  }
0x307: {  	s3 =	rddreg [dreg:$0x2];
	[bflag:$0x3] =	sbarrier.arrive $0xFFFF;
	s2 =	simm.s32 @!p0 $0x1C04  }
0x308: {  	[timem:s3], [sflag:s2] =	dma.local @!p0 [hbm:s0], s1  }
0x309: {  	s0 =	simm.s32 @!p0 $0x4  }
0x30a: {  	_ =	swait.ge @!p0 [sflag:s0], s1  }
0x30b: {  	s1 =	ssub.s32 @!p0 $0x0, s1;
	[sflag:s0] =	ssyncset.done @!p0 $0x0  }
0x30c: {  	[sflag:s0] =	ssyncadd.s32 @!p0 s1  }
0x30d: {  	[bflag:$0x3] =	sbarrier.arrive $0xFFFF  }
0x30e: {  	_ =	shalt  }

</sc_bundles>
